<compile_context>
chip_gen: v7x
topology: tpu7x:2x2x1
jax: 0.10.2.dev20260603
libtpu: 0.0.44.dev20260713+nightly
codegen_flags: <defaults>
</compile_context>

<pallas_src>
import functools

import jax
import jax.numpy as jnp
import numpy as np
from jax import lax
from jax.experimental import pallas as pl
from jax.experimental.pallas import tpu as pltpu
from jax.experimental.pallas import tpu_sc as plsc

N = 10000
E = 320000
K = 16
NRBF = 8
NELEM = 10
MAXL = 2
RCUT = 5.0
LM = (MAXL + 1) ** 2
ATTR = LM * K

NC = 2
NS = 16
NW = NC * NS
EPW = E // NW
NPAD = 10240
NPT = NPAD // NS

EB = 6400
NEB = E // EB
EH = E // 2
NEBH = EH // EB
NFB = 1280


def _sc_gather_body(snd_hbm, rcv_hbm, px_hbm, py_hbm, pz_hbm, an_hbm,
                    vx_out, vy_out, vz_out, ans_out,
                    px_v, py_v, pz_v, an_v, snd_v, rcv_v,
                    vx_v, vy_v, vz_v, ans_v):
    c = lax.axis_index("c")
    s = lax.axis_index("s")
    wid = c * NS + s
    base = wid * EPW
    pltpu.sync_copy(px_hbm, px_v)
    pltpu.sync_copy(py_hbm, py_v)
    pltpu.sync_copy(pz_hbm, pz_v)
    pltpu.sync_copy(an_hbm, an_v)
    pltpu.sync_copy(snd_hbm.at[pl.ds(base, EPW)], snd_v)
    pltpu.sync_copy(rcv_hbm.at[pl.ds(base, EPW)], rcv_v)

    def body(i, carry):
        o = i * 16
        si = snd_v[pl.ds(o, 16)]
        ri = rcv_v[pl.ds(o, 16)]
        sx = plsc.load_gather(px_v, [si])
        sy = plsc.load_gather(py_v, [si])
        sz = plsc.load_gather(pz_v, [si])
        rx = plsc.load_gather(px_v, [ri])
        ry = plsc.load_gather(py_v, [ri])
        rz = plsc.load_gather(pz_v, [ri])
        za = plsc.load_gather(an_v, [si])
        vx_v[pl.ds(o, 16)] = rx - sx
        vy_v[pl.ds(o, 16)] = ry - sy
        vz_v[pl.ds(o, 16)] = rz - sz
        ans_v[pl.ds(o, 16)] = za
        return carry

    lax.fori_loop(0, EPW // 16, body, 0)
    pltpu.sync_copy(vx_v, vx_out.at[pl.ds(base, EPW)])
    pltpu.sync_copy(vy_v, vy_out.at[pl.ds(base, EPW)])
    pltpu.sync_copy(vz_v, vz_out.at[pl.ds(base, EPW)])
    pltpu.sync_copy(ans_v, ans_out.at[pl.ds(base, EPW)])


def _sc_gather(snd, rcv, px, py, pz, anf):
    mesh = plsc.VectorSubcoreMesh(core_axis_name="c", subcore_axis_name="s")
    f = pl.kernel(
        _sc_gather_body,
        out_type=[jax.ShapeDtypeStruct((E,), jnp.float32)] * 3
        + [jax.ShapeDtypeStruct((E,), jnp.float32)],
        mesh=mesh,
        scratch_types=[
            pltpu.VMEM((N,), jnp.float32),
            pltpu.VMEM((N,), jnp.float32),
            pltpu.VMEM((N,), jnp.float32),
            pltpu.VMEM((N,), jnp.float32),
            pltpu.VMEM((EPW,), jnp.int32),
            pltpu.VMEM((EPW,), jnp.int32),
            pltpu.VMEM((EPW,), jnp.float32),
            pltpu.VMEM((EPW,), jnp.float32),
            pltpu.VMEM((EPW,), jnp.float32),
            pltpu.VMEM((EPW,), jnp.float32),
        ],
        compiler_params=pltpu.CompilerParams(needs_layout_passes=False),
    )
    return f(snd, rcv, px, py, pz, anf)


def _tc_edge_body(vx_ref, vy_ref, vz_ref, shx_ref, shy_ref, shz_ref, ans_ref,
                  Wz_ref, W1_ref, b1_ref, W2_ref, b2_ref, W3_ref, b3_ref,
                  M1_ref, M2_ref, dY_ref, EXP9_ref, EXP48_ref, TILE3_ref,
                  rbT_ref, ylmT_ref, attr128_ref, attr16_ref):
    f32 = jnp.float32
    x = vx_ref[0, 0] + shx_ref[0, 0]
    y = vy_ref[0, 0] + shy_ref[0, 0]
    z = vz_ref[0, 0] + shz_ref[0, 0]
    r2 = x * x + y * y + z * z + 1e-12
    r = jnp.sqrt(r2)
    inv_r = 1.0 / r
    cutoff = 0.5 * (jnp.cos(jnp.pi * r / RCUT) + 1.0) * (r < RCUT).astype(f32)

    rT = r.reshape(1, EB)
    inv_rT = inv_r.reshape(1, EB)
    cutT = cutoff.reshape(1, EB)
    nvecT = (lax.broadcasted_iota(jnp.int32, (NRBF, 1), 0).astype(f32)
             + 1.0) * np.float32(np.pi / RCUT)
    rbT = (np.float32(np.sqrt(2.0 / RCUT)) * jnp.sin(nvecT * rT)
           * inv_rT * cutT)
    rbT_ref[...] = rbT

    uxT = (x * inv_r).reshape(1, EB)
    uyT = (y * inv_r).reshape(1, EB)
    uzT = (z * inv_r).reshape(1, EB)
    u4T = jnp.concatenate([jnp.ones_like(uxT), uxT, uyT, uzT], axis=0)
    tdot = lambda a, b: lax.dot_general(a, b, (((0,), (0,)), ((), ())),
                                        preferred_element_type=f32)
    ylm = tdot(u4T, M1_ref[...]) * tdot(u4T, M2_ref[...]) + dY_ref[0]
    c1 = np.float32(3.0 ** 0.5)
    c2 = np.float32(15.0 ** 0.5)
    c3 = np.float32(0.5 * 5.0 ** 0.5)
    ylmT_ref[...] = jnp.concatenate(
        [jnp.ones_like(uxT), c1 * uxT, c1 * uyT, c1 * uzT,
         c2 * uxT * uyT, c2 * uyT * uzT, c3 * (3.0 * uzT * uzT - 1.0),
         c2 * uxT * uzT, 0.5 * c2 * (uxT * uxT - uyT * uyT)], axis=0)

    an = ans_ref[0, 0]
    oh = (an[:, None] ==
          lax.broadcasted_iota(jnp.int32, (EB, NELEM), 1).astype(f32)).astype(f32)
    zs = jnp.dot(oh, Wz_ref[...], preferred_element_type=f32)

    h = lax.dot_general(rbT, W1_ref[...], (((0,), (0,)), ((), ())),
                        preferred_element_type=f32) + b1_ref[0]
    h = h * jax.nn.sigmoid(h)
    h = jnp.dot(h, W2_ref[...], preferred_element_type=f32) + b2_ref[0]
    h = h * jax.nn.sigmoid(h)
    R = jnp.dot(h, W3_ref[...], preferred_element_type=f32) + b3_ref[0]
    G = R * jnp.dot(zs, TILE3_ref[...], preferred_element_type=f32)
    att = (jnp.dot(ylm, EXP9_ref[...], preferred_element_type=f32)
           * jnp.dot(G, EXP48_ref[...], preferred_element_type=f32))
    attr128_ref[...] = att[:, :128]
    attr16_ref[...] = att[:, 128:]


def _tc_edge(vx, vy, vz, shx, shy, shz, ans, Wz, W1c, b1c, W2bd, b2c, W3bd,
             b3c, M1, M2, dY, EXP9, EXP48, TILE3):
    f32 = jnp.float32
    eb_spec = pl.BlockSpec((1, 1, EB), lambda i: (i, 0, 0))

    def wspec(shape):
        return pl.BlockSpec(shape, lambda i: tuple(0 for _ in shape))

    neb = vx.shape[0]
    return pl.pallas_call(
        _tc_edge_body,
        grid=(neb,),
        in_specs=[eb_spec] * 7 + [
            wspec((NELEM, K)), wspec((NRBF, 96)), wspec((1, 96)),
            wspec((96, 96)), wspec((1, 96)), wspec((96, 48)), wspec((1, 48)),
            wspec((4, LM)), wspec((4, LM)), wspec((1, LM)),
            wspec((LM, ATTR)), wspec((3 * K, ATTR)), wspec((K, 3 * K)),
        ],
        out_specs=[
            pl.BlockSpec((NRBF, EB), lambda i: (0, i)),
            pl.BlockSpec((LM, EB), lambda i: (0, i)),
            pl.BlockSpec((EB, 128), lambda i: (i, 0)),
            pl.BlockSpec((EB, K), lambda i: (i, 0)),
        ],
        out_shape=[
            jax.ShapeDtypeStruct((NRBF, neb * EB), f32),
            jax.ShapeDtypeStruct((LM, neb * EB), f32),
            jax.ShapeDtypeStruct((neb * EB, 128), f32),
            jax.ShapeDtypeStruct((neb * EB, K), f32),
        ],
    )(vx, vy, vz, shx, shy, shz, ans, Wz, W1c, b1c, W2bd, b2c, W3bd, b3c,
      M1, M2, dY, EXP9, EXP48, TILE3)


def _sc_scatter128_body(sb, nsc, ept, attr_hbm, rcv_hbm, init0_hbm, init1_hbm,
                        out0_hbm, out1_hbm, acc_sh,
                        rows0_v, rows1_v, idx0_v, idx1_v,
                        rsem0, rsem1, isem0, isem1):
    c = lax.axis_index("c")
    s = lax.axis_index("s")

    @pl.when(c == 0)
    def _():
        pltpu.sync_copy(init0_hbm.at[pl.ds(s * NPT, NPT)],
                        acc_sh.at[pl.ds(s * NPT, NPT)])

    @pl.when(c == 1)
    def _():
        pltpu.sync_copy(init1_hbm.at[pl.ds(s * NPT, NPT)],
                        acc_sh.at[pl.ds(s * NPT, NPT)])

    plsc.subcore_barrier()
    base = c * (ept * NS) + s * ept

    def start(j, rows_v, idx_v, rsem, isem):
        o = base + j * sb
        pltpu.async_copy(attr_hbm.at[pl.ds(o, sb)], rows_v, rsem)
        pltpu.async_copy(rcv_hbm.at[pl.ds(o, sb)], idx_v, isem)

    def wait(rows_v, idx_v, rsem, isem):
        pltpu.make_async_copy(attr_hbm.at[pl.ds(0, sb)], rows_v, rsem).wait()
        pltpu.make_async_copy(rcv_hbm.at[pl.ds(0, sb)], idx_v, isem).wait()

    start(0, rows0_v, idx0_v, rsem0, isem0)
    start(1, rows1_v, idx1_v, rsem1, isem1)

    def body(i, carry):
        wait(rows0_v, idx0_v, rsem0, isem0)
        pltpu.sync_copy(rows0_v, acc_sh.at[idx0_v], add=True)

        @pl.when(2 * i + 2 < nsc)
        def _():
            start(2 * i + 2, rows0_v, idx0_v, rsem0, isem0)

        wait(rows1_v, idx1_v, rsem1, isem1)
        pltpu.sync_copy(rows1_v, acc_sh.at[idx1_v], add=True)

        @pl.when(2 * i + 3 < nsc)
        def _():
            start(2 * i + 3, rows1_v, idx1_v, rsem1, isem1)

        return carry

    lax.fori_loop(0, nsc // 2, body, 0)
    if nsc % 2 == 1:
        wait(rows0_v, idx0_v, rsem0, isem0)
        pltpu.sync_copy(rows0_v, acc_sh.at[idx0_v], add=True)
    plsc.subcore_barrier()

    @pl.when(c == 0)
    def _():
        pltpu.sync_copy(acc_sh.at[pl.ds(s * NPT, NPT)],
                        out0_hbm.at[pl.ds(s * NPT, NPT)])

    @pl.when(c == 1)
    def _():
        pltpu.sync_copy(acc_sh.at[pl.ds(s * NPT, NPT)],
                        out1_hbm.at[pl.ds(s * NPT, NPT)])


def _sc_scatter128(attr, rcv, init0, init1, sb):
    ne = attr.shape[0]
    ept = ne // NW
    mesh = plsc.VectorSubcoreMesh(core_axis_name="c", subcore_axis_name="s")
    f = pl.kernel(
        functools.partial(_sc_scatter128_body, sb, ept // sb, ept),
        out_type=[jax.ShapeDtypeStruct((NPAD, 128), jnp.float32)] * 2,
        mesh=mesh,
        scratch_types=[
            pltpu.VMEM_SHARED((NPAD, 128), jnp.float32),
            pltpu.VMEM((sb, 128), jnp.float32),
            pltpu.VMEM((sb, 128), jnp.float32),
            pltpu.VMEM((sb,), jnp.int32),
            pltpu.VMEM((sb,), jnp.int32),
            pltpu.SemaphoreType.DMA,
            pltpu.SemaphoreType.DMA,
            pltpu.SemaphoreType.DMA,
            pltpu.SemaphoreType.DMA,
        ],
        compiler_params=pltpu.CompilerParams(use_tc_tiling_on_sc=True),
    )
    return f(attr, rcv, init0, init1)


def _sc_scatter_body(sb, nsc, ept, attr_hbm, rcv_hbm, init0_hbm, init1_hbm,
                     out0_hbm, out1_hbm, acc_sh, rows_v, idx_v):
    c = lax.axis_index("c")
    s = lax.axis_index("s")

    @pl.when(c == 0)
    def _():
        pltpu.sync_copy(init0_hbm.at[pl.ds(s * NPT, NPT)],
                        acc_sh.at[pl.ds(s * NPT, NPT)])

    @pl.when(c == 1)
    def _():
        pltpu.sync_copy(init1_hbm.at[pl.ds(s * NPT, NPT)],
                        acc_sh.at[pl.ds(s * NPT, NPT)])

    plsc.subcore_barrier()
    base = c * (ept * NS) + s * ept

    def body(j, carry):
        o = base + j * sb
        pltpu.sync_copy(attr_hbm.at[pl.ds(o, sb)], rows_v)
        pltpu.sync_copy(rcv_hbm.at[pl.ds(o, sb)], idx_v)
        pltpu.sync_copy(rows_v, acc_sh.at[idx_v], add=True)
        return carry

    lax.fori_loop(0, nsc, body, 0)
    plsc.subcore_barrier()

    @pl.when(c == 0)
    def _():
        pltpu.sync_copy(acc_sh.at[pl.ds(s * NPT, NPT)],
                        out0_hbm.at[pl.ds(s * NPT, NPT)])

    @pl.when(c == 1)
    def _():
        pltpu.sync_copy(acc_sh.at[pl.ds(s * NPT, NPT)],
                        out1_hbm.at[pl.ds(s * NPT, NPT)])


def _sc_scatter(attr, rcv, init0, init1, width, sb, tc_tiling):
    ne = attr.shape[0]
    ept = ne // NW
    mesh = plsc.VectorSubcoreMesh(core_axis_name="c", subcore_axis_name="s")
    f = pl.kernel(
        functools.partial(_sc_scatter_body, sb, ept // sb, ept),
        out_type=[jax.ShapeDtypeStruct((NPAD, width), jnp.float32)] * 2,
        mesh=mesh,
        scratch_types=[
            pltpu.VMEM_SHARED((NPAD, width), jnp.float32),
            pltpu.VMEM((sb, width), jnp.float32),
            pltpu.VMEM((sb,), jnp.int32),
        ],
        compiler_params=pltpu.CompilerParams(use_tc_tiling_on_sc=tc_tiling),
    )
    return f(attr, rcv, init0, init1)


def _tc_finish_body(p0a_ref, p1a_ref, p0b_ref, p1b_ref, anf_ref,
                    mixA_ref, mixB_ref, w1t_ref, w2t_ref, out_ref):
    f32 = jnp.float32
    A = (jnp.dot(p0a_ref[...] + p1a_ref[...], mixA_ref[...],
                 preferred_element_type=f32)
         + jnp.dot(p0b_ref[...] + p1b_ref[...], mixB_ref[...],
                   preferred_element_type=f32))
    A0 = A[:, 0:K]
    s1 = A[:, K:2 * K] ** 2 + A[:, 2 * K:3 * K] ** 2 + A[:, 3 * K:4 * K] ** 2
    s2 = (A[:, 4 * K:5 * K] ** 2 + A[:, 5 * K:6 * K] ** 2 + A[:, 6 * K:7 * K] ** 2
          + A[:, 7 * K:8 * K] ** 2 + A[:, 8 * K:9 * K] ** 2)
    an = anf_ref[...][:, 0]
    oh = (an[:, None] ==
          lax.broadcasted_iota(jnp.int32, (NFB, NELEM), 1).astype(f32)).astype(f32)
    w1 = jnp.dot(oh, w1t_ref[...], preferred_element_type=f32)
    w2 = jnp.dot(oh, w2t_ref[...], preferred_element_type=f32)
    out_ref[...] = (w1 * A0 + w2[:, 0:K] * A0 * A0
                    + w2[:, K:2 * K] * (s1 * np.float32(1.0 / np.sqrt(3.0)))
                    + w2[:, 2 * K:3 * K] * (s2 * np.float32(1.0 / np.sqrt(5.0))))


def _tc_finish(p0a, p1a, p0b, p1b, anf2, mixA, mixB, sc_w1, sc_w2f):
    f32 = jnp.float32

    def wspec(shape):
        return pl.BlockSpec(shape, lambda i: tuple(0 for _ in shape))

    return pl.pallas_call(
        _tc_finish_body,
        grid=(NPAD // NFB,),
        in_specs=[
            pl.BlockSpec((NFB, 128), lambda i: (i, 0)),
            pl.BlockSpec((NFB, 128), lambda i: (i, 0)),
            pl.BlockSpec((NFB, K), lambda i: (i, 0)),
            pl.BlockSpec((NFB, K), lambda i: (i, 0)),
            pl.BlockSpec((NFB, 1), lambda i: (i, 0)),
            wspec((128, ATTR)), wspec((K, ATTR)),
            wspec((NELEM, K)), wspec((NELEM, 3 * K)),
        ],
        out_specs=pl.BlockSpec((NFB, K), lambda i: (i, 0)),
        out_shape=jax.ShapeDtypeStruct((NPAD, K), f32),
    )(p0a, p1a, p0b, p1b, anf2, mixA, mixB, sc_w1, sc_w2f)


def kernel(atomic_numbers, positions, edge_index, shifts, Wz, rW1, rb1, rW2,
           rb2, rW3, rb3, mixW, sc_w1, sc_w2):
    f32 = jnp.float32
    snd = edge_index[0].astype(jnp.int32)
    rcv = edge_index[1].astype(jnp.int32)
    px = positions[:, 0].astype(f32)
    py = positions[:, 1].astype(f32)
    pz = positions[:, 2].astype(f32)
    anf = atomic_numbers.astype(f32)

    vx, vy, vz, ans = _sc_gather(snd, rcv, px, py, pz, anf)

    shx = shifts[:, 0].astype(f32).reshape(2, NEBH, 1, EB)
    shy = shifts[:, 1].astype(f32).reshape(2, NEBH, 1, EB)
    shz = shifts[:, 2].astype(f32).reshape(2, NEBH, 1, EB)

    W1c = jnp.concatenate([rW1[l] for l in range(MAXL + 1)], axis=1)
    b1c = jnp.concatenate([rb1[l] for l in range(MAXL + 1)], axis=0)[None]
    Z32 = jnp.zeros((32, 32), f32)
    W2bd = jnp.block([[rW2[0], Z32, Z32], [Z32, rW2[1], Z32], [Z32, Z32, rW2[2]]])
    b2c = jnp.concatenate([rb2[l] for l in range(MAXL + 1)], axis=0)[None]
    Z3K = jnp.zeros((32, K), f32)
    W3bd = jnp.block([[rW3[0], Z3K, Z3K], [Z3K, rW3[1], Z3K], [Z3K, Z3K, rW3[2]]])
    b3c = jnp.concatenate([rb3[l] for l in range(MAXL + 1)], axis=0)[None]

    c1 = np.sqrt(3.0)
    c2 = np.sqrt(15.0)
    c3 = 0.5 * np.sqrt(5.0)
    M1n = np.zeros((4, LM), np.float32)
    M2n = np.zeros((4, LM), np.float32)
    dYn = np.zeros((1, LM), np.float32)
    M1n[0, 0] = 1.0; M2n[0, 0] = 1.0
    M1n[1, 1] = c1;  M2n[0, 1] = 1.0
    M1n[2, 2] = c1;  M2n[0, 2] = 1.0
    M1n[3, 3] = c1;  M2n[0, 3] = 1.0
    M1n[1, 4] = c2;  M2n[2, 4] = 1.0
    M1n[2, 5] = c2;  M2n[3, 5] = 1.0
    M1n[3, 6] = 3.0 * c3; M2n[3, 6] = 1.0; dYn[0, 6] = -c3
    M1n[1, 7] = c2;  M2n[3, 7] = 1.0
    M1n[1, 8] = 0.5 * c2; M1n[2, 8] = 0.5 * c2
    M2n[1, 8] = 1.0; M2n[2, 8] = -1.0
    lmap = [0, 1, 1, 1, 2, 2, 2, 2, 2]
    EXP9n = np.zeros((LM, ATTR), np.float32)
    EXP48n = np.zeros((3 * K, ATTR), np.float32)
    TILE3n = np.zeros((K, 3 * K), np.float32)
    for i in range(LM):
        EXP9n[i, i * K:(i + 1) * K] = 1.0
        for k in range(K):
            EXP48n[lmap[i] * K + k, i * K + k] = 1.0
    for j in range(3):
        for k in range(K):
            TILE3n[k, j * K + k] = 1.0

    consts = (Wz, W1c, b1c, W2bd, b2c, W3bd, b3c,
              jnp.asarray(M1n), jnp.asarray(M2n), jnp.asarray(dYn),
              jnp.asarray(EXP9n), jnp.asarray(EXP48n), jnp.asarray(TILE3n))

    def half(a, h):
        return a[h * EH:(h + 1) * EH].reshape(NEBH, 1, EB)

    halves = []
    for h in range(2):
        halves.append(_tc_edge(
            half(vx, h), half(vy, h), half(vz, h),
            shx[h], shy[h], shz[h], half(ans, h), *consts))
    rb = jnp.concatenate([halves[0][0].T, halves[1][0].T], axis=0)
    ylm = jnp.concatenate([halves[0][1].T, halves[1][1].T], axis=0)

    z128 = jnp.zeros((NPAD, 128), f32)
    zK = jnp.zeros((NPAD, K), f32)
    p0a, p1a = _sc_scatter128(halves[0][2], rcv[:EH], z128, z128, 40)
    p0b, p1b = _sc_scatter(halves[0][3], rcv[:EH], zK, zK, K, 1000, False)
    p0a, p1a = _sc_scatter128(halves[1][2], rcv[EH:], p0a, p1a, 40)
    p0b, p1b = _sc_scatter(halves[1][3], rcv[EH:], p0b, p1b, K, 1000, False)

    scale = np.float32(1.0 / np.sqrt(float(K)))
    ZKK = jnp.zeros((K, K), f32)
    mixbd = jnp.block([[mixW[lmap[i]] * scale if i == j else ZKK
                        for j in range(LM)] for i in range(LM)])

    anf2 = jnp.concatenate([anf, jnp.zeros((NPAD - N,), f32)])[:, None]
    sc_w2f = sc_w2.reshape(NELEM, 3 * K)
    B = _tc_finish(p0a, p1a, p0b, p1b, anf2, mixbd[:128], mixbd[128:],
                   sc_w1, sc_w2f)
    return (B[:N], rb, ylm)

# --- scband reference (transcript-rebuilt; emitter-appended) ---
"""Pipeline reference for scband-ace-reprsenttaion-56495999812196 (READ-ONLY COPY).

The authoritative reference and input builder live on the scoring server;
editing this copy changes nothing except your own understanding.
"""

import jax, jax.numpy as jnp
import numpy as np

N = 10000
E = 320000
K = 16
NRBF = 8
NELEM = 10
MAXL = 2
RCUT = 5.0
LM = (MAXL + 1) ** 2

def _spherical_harmonics(u):
    x, y, z = u[:, 0], u[:, 1], u[:, 2]
    c1 = 3.0 ** 0.5
    c2 = 15.0 ** 0.5
    y00 = jnp.ones_like(x)
    comps = [y00,
             c1 * x, c1 * y, c1 * z,
             c2 * x * y, c2 * y * z, 0.5 * (5.0 ** 0.5) * (3.0 * z * z - 1.0),
             c2 * x * z, 0.5 * c2 * (x * x - y * y)]
    return jnp.stack(comps, axis=-1)

def _radial_mlp(rb, W1, b1, W2, b2, W3, b3):
    h = jax.nn.silu(rb @ W1 + b1)
    h = jax.nn.silu(h @ W2 + b2)
    return h @ W3 + b3

def _forward(atomic_numbers, edge_index, positions, shifts, Wz, rW1, rb1, rW2, rb2, rW3, rb3, mixW, sc_w1, sc_w2):
    sender = edge_index[0]
    receiver = edge_index[1]
    onehot = jax.nn.one_hot(atomic_numbers, NELEM, dtype=positions.dtype)
    Z_node = onehot @ Wz
    Z_sender = Z_node[sender]
    vec = positions[receiver] - positions[sender] + shifts
    r = jnp.sqrt(jnp.sum(vec * vec, axis=-1, keepdims=True) + 1e-12)
    unit = vec / r
    cutoff = 0.5 * (jnp.cos(jnp.pi * r / RCUT) + 1.0) * (r < RCUT).astype(positions.dtype)
    n = jnp.arange(1, NRBF + 1, dtype=positions.dtype)
    bessel = np.sqrt(2.0 / RCUT) * jnp.sin(n * jnp.pi * r / RCUT) / r
    radial_basis = bessel * cutoff
    Rl = [_radial_mlp(radial_basis, rW1[l], rb1[l], rW2[l], rb2[l], rW3[l], rb3[l]) for l in range(MAXL + 1)]
    Rlm = jnp.concatenate([jnp.broadcast_to(Rl[l][:, :, None], (Rl[l].shape[0], K, 2 * l + 1)) for l in range(MAXL + 1)], axis=-1)
    Ylm = _spherical_harmonics(unit)
    edge_attr = jnp.einsum('aki,ai,ak->aik', Rlm, Ylm, Z_sender)
    nodeA = jax.ops.segment_sum(edge_attr, receiver, num_segments=positions.shape[0])
    bounds = [(0, 1), (1, 4), (4, 9)]
    mixed = [jnp.einsum('nmk,kc->nmc', nodeA[:, b0:b1, :], mixW[l]) / np.sqrt(float(K)) for l, (b0, b1) in enumerate(bounds)]
    A = jnp.concatenate(mixed, axis=1)
    A0 = A[:, 0, :]
    A1 = A[:, 1:4, :]
    A2 = A[:, 4:9, :]
    w1 = sc_w1[atomic_numbers]
    w2 = sc_w2[atomic_numbers]
    B = (w1 * A0 + w2[:, 0, :] * A0 * A0
         + w2[:, 1, :] * (jnp.sum(A1 * A1, axis=1) / np.sqrt(3.0))
         + w2[:, 2, :] * (jnp.sum(A2 * A2, axis=1) / np.sqrt(5.0)))
    return (B, radial_basis, Ylm)

def setup_inputs(seed: int = 0):
    key = jax.random.key(seed)
    ks = jax.random.split(key, 12)
    atomic_numbers = jax.random.randint(ks[0], (N,), 0, NELEM)
    positions = jax.random.normal(ks[1], (N, 3), dtype=jnp.float32)
    edge_index = jax.random.randint(ks[2], (2, E), 0, N)
    shifts = jnp.zeros((E, 3), dtype=jnp.float32)
    Wz = jax.random.normal(ks[3], (NELEM, K), dtype=jnp.float32) * 0.3
    rW1 = jax.random.normal(ks[4], (MAXL + 1, NRBF, 32), dtype=jnp.float32) / np.sqrt(float(NRBF))
    rb1 = jnp.zeros((MAXL + 1, 32), dtype=jnp.float32)
    rW2 = jax.random.normal(ks[5], (MAXL + 1, 32, 32), dtype=jnp.float32) / np.sqrt(32.0)
    rb2 = jnp.zeros((MAXL + 1, 32), dtype=jnp.float32)
    rW3 = jax.random.normal(ks[6], (MAXL + 1, 32, K), dtype=jnp.float32) / np.sqrt(32.0)
    rb3 = jnp.zeros((MAXL + 1, K), dtype=jnp.float32)
    mixW = jax.random.normal(ks[7], (MAXL + 1, K, K), dtype=jnp.float32)
    sc_w1 = jax.random.normal(ks[8], (NELEM, K), dtype=jnp.float32) * 0.3
    sc_w2 = jax.random.normal(ks[9], (NELEM, 3, K), dtype=jnp.float32) * 0.3
    return {"atomic_numbers": atomic_numbers, "positions": positions, "edge_index": edge_index, "shifts": shifts, "Wz": Wz, "rW1": rW1, "rb1": rb1, "rW2": rW2, "rb2": rb2, "rW3": rW3, "rb3": rb3, "mixW": mixW, "sc_w1": sc_w1, "sc_w2": sc_w2}

def reference(atomic_numbers, positions, edge_index, shifts, Wz, rW1, rb1, rW2, rb2, rW3, rb3, mixW, sc_w1, sc_w2):
    return _forward(atomic_numbers, edge_index, positions, shifts, Wz, rW1, rb1, rW2, rb2, rW3, rb3, mixW, sc_w1, sc_w2)

if __name__ == "__main__":
    import jax
    _d = setup_inputs()
    print(jax.jit(kernel)(*tuple(_d.values())))

</pallas_src>

<mosaic_0001>
#map = affine_map<(d0, d1) -> (0)>
module attributes {stable_mosaic.version = 14 : i64} {
  func.func @_sc_gather_body(%arg0: i32, %arg1: i32, %arg2: memref<320000xi32, #tpu.memory_space<hbm>>, %arg3: memref<320000xi32, #tpu.memory_space<hbm>>, %arg4: memref<10000xf32, #tpu.memory_space<hbm>>, %arg5: memref<10000xf32, #tpu.memory_space<hbm>>, %arg6: memref<10000xf32, #tpu.memory_space<hbm>>, %arg7: memref<10000xf32, #tpu.memory_space<hbm>>, %arg8: memref<320000xf32, #tpu.memory_space<hbm>>, %arg9: memref<320000xf32, #tpu.memory_space<hbm>>, %arg10: memref<320000xf32, #tpu.memory_space<hbm>>, %arg11: memref<320000xf32, #tpu.memory_space<hbm>>, %arg12: memref<10000xf32, #tpu.memory_space<vmem>>, %arg13: memref<10000xf32, #tpu.memory_space<vmem>>, %arg14: memref<10000xf32, #tpu.memory_space<vmem>>, %arg15: memref<10000xf32, #tpu.memory_space<vmem>>, %arg16: memref<10000xi32, #tpu.memory_space<vmem>>, %arg17: memref<10000xi32, #tpu.memory_space<vmem>>, %arg18: memref<10000xf32, #tpu.memory_space<vmem>>, %arg19: memref<10000xf32, #tpu.memory_space<vmem>>, %arg20: memref<10000xf32, #tpu.memory_space<vmem>>, %arg21: memref<10000xf32, #tpu.memory_space<vmem>>) attributes {dimension_semantics = [#tpu.dimension_semantics<core_parallel>, #tpu.dimension_semantics<subcore_parallel>], iteration_bounds = array<i64: 2, 16>, scalar_prefetch = 0 : i64, scratch_operands = 10 : i64, tpu.core_type = #tpu.core_type<sc_vector_subcore>, window_params = [{transform_indices = #map}, {transform_indices = #map}, {transform_indices = #map}, {transform_indices = #map}, {transform_indices = #map}, {transform_indices = #map}, {transform_indices = #map}, {transform_indices = #map}, {transform_indices = #map}, {transform_indices = #map}]} {
    %mul3A = arith.constant 16 : i32
    %mul3A_0 = arith.muli %arg0, %mul3A : i32
    %add3A = arith.addi %mul3A_0, %arg1 : i32
    %mul3A_1 = arith.constant 10000 : i32
    %mul3A_2 = arith.muli %add3A, %mul3A_1 : i32
    "tpu.region"() ({
      %run_scoped3A = tpu.sem_alloc : memref<!tpu.dma_semaphore, #tpu.memory_space<semaphore_mem>>
      tpu.enqueue_dma source(%arg4 : memref<10000xf32, #tpu.memory_space<hbm>>) target(%arg12 : memref<10000xf32, #tpu.memory_space<vmem>>) target_semaphore(%run_scoped3A : memref<!tpu.dma_semaphore, #tpu.memory_space<semaphore_mem>>)
      tpu.wait_dma2 semaphore(%run_scoped3A : memref<!tpu.dma_semaphore, #tpu.memory_space<semaphore_mem>>) src(%arg4 : memref<10000xf32, #tpu.memory_space<hbm>>) dst(%arg12 : memref<10000xf32, #tpu.memory_space<vmem>>)
      tpu.yield
    }) : () -> ()
    "tpu.region"() ({
      %run_scoped3A = tpu.sem_alloc : memref<!tpu.dma_semaphore, #tpu.memory_space<semaphore_mem>>
      tpu.enqueue_dma source(%arg5 : memref<10000xf32, #tpu.memory_space<hbm>>) target(%arg13 : memref<10000xf32, #tpu.memory_space<vmem>>) target_semaphore(%run_scoped3A : memref<!tpu.dma_semaphore, #tpu.memory_space<semaphore_mem>>)
      tpu.wait_dma2 semaphore(%run_scoped3A : memref<!tpu.dma_semaphore, #tpu.memory_space<semaphore_mem>>) src(%arg5 : memref<10000xf32, #tpu.memory_space<hbm>>) dst(%arg13 : memref<10000xf32, #tpu.memory_space<vmem>>)
      tpu.yield
    }) : () -> ()
    "tpu.region"() ({
      %run_scoped3A = tpu.sem_alloc : memref<!tpu.dma_semaphore, #tpu.memory_space<semaphore_mem>>
      tpu.enqueue_dma source(%arg6 : memref<10000xf32, #tpu.memory_space<hbm>>) target(%arg14 : memref<10000xf32, #tpu.memory_space<vmem>>) target_semaphore(%run_scoped3A : memref<!tpu.dma_semaphore, #tpu.memory_space<semaphore_mem>>)
      tpu.wait_dma2 semaphore(%run_scoped3A : memref<!tpu.dma_semaphore, #tpu.memory_space<semaphore_mem>>) src(%arg6 : memref<10000xf32, #tpu.memory_space<hbm>>) dst(%arg14 : memref<10000xf32, #tpu.memory_space<vmem>>)
      tpu.yield
    }) : () -> ()
    "tpu.region"() ({
      %run_scoped3A = tpu.sem_alloc : memref<!tpu.dma_semaphore, #tpu.memory_space<semaphore_mem>>
      tpu.enqueue_dma source(%arg7 : memref<10000xf32, #tpu.memory_space<hbm>>) target(%arg15 : memref<10000xf32, #tpu.memory_space<vmem>>) target_semaphore(%run_scoped3A : memref<!tpu.dma_semaphore, #tpu.memory_space<semaphore_mem>>)
      tpu.wait_dma2 semaphore(%run_scoped3A : memref<!tpu.dma_semaphore, #tpu.memory_space<semaphore_mem>>) src(%arg7 : memref<10000xf32, #tpu.memory_space<hbm>>) dst(%arg15 : memref<10000xf32, #tpu.memory_space<vmem>>)
      tpu.yield
    }) : () -> ()
    "tpu.region"() ({
      %run_scoped3A = tpu.sem_alloc : memref<!tpu.dma_semaphore, #tpu.memory_space<semaphore_mem>>
      %dma_start3A = tpu.memref_slice %arg2[%mul3A_2] : memref<320000xi32, #tpu.memory_space<hbm>> -> memref<10000xi32, #tpu.memory_space<hbm>>
      %dma_start3A_8 = tpu.memref_slice %arg2[%mul3A_2] : memref<320000xi32, #tpu.memory_space<hbm>> -> memref<10000xi32, #tpu.memory_space<hbm>>
      tpu.enqueue_dma source(%dma_start3A_8 : memref<10000xi32, #tpu.memory_space<hbm>>) target(%arg16 : memref<10000xi32, #tpu.memory_space<vmem>>) target_semaphore(%run_scoped3A : memref<!tpu.dma_semaphore, #tpu.memory_space<semaphore_mem>>)
      %dma_wait3A = tpu.memref_slice %arg2[%mul3A_2] : memref<320000xi32, #tpu.memory_space<hbm>> -> memref<10000xi32, #tpu.memory_space<hbm>>
      %dma_wait3A_9 = tpu.memref_slice %arg2[%mul3A_2] : memref<320000xi32, #tpu.memory_space<hbm>> -> memref<10000xi32, #tpu.memory_space<hbm>>
      tpu.wait_dma2 semaphore(%run_scoped3A : memref<!tpu.dma_semaphore, #tpu.memory_space<semaphore_mem>>) src(%dma_wait3A_9 : memref<10000xi32, #tpu.memory_space<hbm>>) dst(%arg16 : memref<10000xi32, #tpu.memory_space<vmem>>)
      tpu.yield
    }) : () -> ()
    "tpu.region"() ({
      %run_scoped3A = tpu.sem_alloc : memref<!tpu.dma_semaphore, #tpu.memory_space<semaphore_mem>>
      %dma_start3A = tpu.memref_slice %arg3[%mul3A_2] : memref<320000xi32, #tpu.memory_space<hbm>> -> memref<10000xi32, #tpu.memory_space<hbm>>
      %dma_start3A_8 = tpu.memref_slice %arg3[%mul3A_2] : memref<320000xi32, #tpu.memory_space<hbm>> -> memref<10000xi32, #tpu.memory_space<hbm>>
      tpu.enqueue_dma source(%dma_start3A_8 : memref<10000xi32, #tpu.memory_space<hbm>>) target(%arg17 : memref<10000xi32, #tpu.memory_space<vmem>>) target_semaphore(%run_scoped3A : memref<!tpu.dma_semaphore, #tpu.memory_space<semaphore_mem>>)
      %dma_wait3A = tpu.memref_slice %arg3[%mul3A_2] : memref<320000xi32, #tpu.memory_space<hbm>> -> memref<10000xi32, #tpu.memory_space<hbm>>
      %dma_wait3A_9 = tpu.memref_slice %arg3[%mul3A_2] : memref<320000xi32, #tpu.memory_space<hbm>> -> memref<10000xi32, #tpu.memory_space<hbm>>
      tpu.wait_dma2 semaphore(%run_scoped3A : memref<!tpu.dma_semaphore, #tpu.memory_space<semaphore_mem>>) src(%dma_wait3A_9 : memref<10000xi32, #tpu.memory_space<hbm>>) dst(%arg17 : memref<10000xi32, #tpu.memory_space<vmem>>)
      tpu.yield
    }) : () -> ()
    %scan3A = arith.constant 0 : i32
    %scan3A_3 = arith.constant 0 : i32
    %scan3A_4 = arith.constant 625 : i32
    %scan3A_5 = arith.addi %scan3A_3, %scan3A_4 : i32
    %scan3A_6 = arith.constant 1 : i32
    scf.for %scan3A_8 = %scan3A_3 to %scan3A_5 step %scan3A_6  : i32 {
      %mul3A_9 = arith.constant 16 : i32
      %mul3A_10 = arith.muli %scan3A_8, %mul3A_9 : i32
      %get3A = arith.index_cast %mul3A_10 : i32 to index
      %get3A_11 = tpu.vector_load %arg16[%get3A] {strides = array<i32>} : memref<10000xi32, #tpu.memory_space<vmem>>, vector<16xi32>,
      %get3A_12 = arith.index_cast %mul3A_10 : i32 to index
      %get3A_13 = tpu.vector_load %arg17[%get3A_12] {strides = array<i32>} : memref<10000xi32, #tpu.memory_space<vmem>>, vector<16xi32>,
      %gather3A = tpu.vector_load_idx %arg12[%get3A_11] : memref<10000xf32, #tpu.memory_space<vmem>>[vector<16xi32>], vector<16xf32>,
      %gather3A_14 = tpu.vector_load_idx %arg13[%get3A_11] : memref<10000xf32, #tpu.memory_space<vmem>>[vector<16xi32>], vector<16xf32>,
      %gather3A_15 = tpu.vector_load_idx %arg14[%get3A_11] : memref<10000xf32, #tpu.memory_space<vmem>>[vector<16xi32>], vector<16xf32>,
      %gather3A_16 = tpu.vector_load_idx %arg12[%get3A_13] : memref<10000xf32, #tpu.memory_space<vmem>>[vector<16xi32>], vector<16xf32>,
      %gather3A_17 = tpu.vector_load_idx %arg13[%get3A_13] : memref<10000xf32, #tpu.memory_space<vmem>>[vector<16xi32>], vector<16xf32>,
      %gather3A_18 = tpu.vector_load_idx %arg14[%get3A_13] : memref<10000xf32, #tpu.memory_space<vmem>>[vector<16xi32>], vector<16xf32>,
      %gather3A_19 = tpu.vector_load_idx %arg15[%get3A_11] : memref<10000xf32, #tpu.memory_space<vmem>>[vector<16xi32>], vector<16xf32>,
      %sub3A = arith.subf %gather3A_16, %gather3A : vector<16xf32>
      %swap3A = arith.index_cast %mul3A_10 : i32 to index
      %swap3A_20 = tpu.vector_load %arg18[%swap3A] {strides = array<i32>} : memref<10000xf32, #tpu.memory_space<vmem>>, vector<16xf32>,
      tpu.vector_store %arg18[%swap3A], %sub3A {strides = array<i32>} : memref<10000xf32, #tpu.memory_space<vmem>>, vector<16xf32>,
      %sub3A_21 = arith.subf %gather3A_17, %gather3A_14 : vector<16xf32>
      %swap3A_22 = arith.index_cast %mul3A_10 : i32 to index
      %swap3A_23 = tpu.vector_load %arg19[%swap3A_22] {strides = array<i32>} : memref<10000xf32, #tpu.memory_space<vmem>>, vector<16xf32>,
      tpu.vector_store %arg19[%swap3A_22], %sub3A_21 {strides = array<i32>} : memref<10000xf32, #tpu.memory_space<vmem>>, vector<16xf32>,
      %sub3A_24 = arith.subf %gather3A_18, %gather3A_15 : vector<16xf32>
      %swap3A_25 = arith.index_cast %mul3A_10 : i32 to index
      %swap3A_26 = tpu.vector_load %arg20[%swap3A_25] {strides = array<i32>} : memref<10000xf32, #tpu.memory_space<vmem>>, vector<16xf32>,
      tpu.vector_store %arg20[%swap3A_25], %sub3A_24 {strides = array<i32>} : memref<10000xf32, #tpu.memory_space<vmem>>, vector<16xf32>,
      %swap3A_27 = arith.index_cast %mul3A_10 : i32 to index
      %swap3A_28 = tpu.vector_load %arg21[%swap3A_27] {strides = array<i32>} : memref<10000xf32, #tpu.memory_space<vmem>>, vector<16xf32>,
      tpu.vector_store %arg21[%swap3A_27], %gather3A_19 {strides = array<i32>} : memref<10000xf32, #tpu.memory_space<vmem>>, vector<16xf32>,
    }
    %scan3A_7 = arith.constant 625 : i32
    "tpu.region"() ({
      %run_scoped3A = tpu.sem_alloc : memref<!tpu.dma_semaphore, #tpu.memory_space<semaphore_mem>>
      %dma_start3A = tpu.memref_slice %arg8[%mul3A_2] : memref<320000xf32, #tpu.memory_space<hbm>> -> memref<10000xf32, #tpu.memory_space<hbm>>
      %dma_start3A_8 = tpu.memref_slice %arg8[%mul3A_2] : memref<320000xf32, #tpu.memory_space<hbm>> -> memref<10000xf32, #tpu.memory_space<hbm>>
      tpu.enqueue_dma source(%arg18 : memref<10000xf32, #tpu.memory_space<vmem>>) target(%dma_start3A_8 : memref<10000xf32, #tpu.memory_space<hbm>>) target_semaphore(%run_scoped3A : memref<!tpu.dma_semaphore, #tpu.memory_space<semaphore_mem>>)
      %dma_wait3A = tpu.memref_slice %arg8[%mul3A_2] : memref<320000xf32, #tpu.memory_space<hbm>> -> memref<10000xf32, #tpu.memory_space<hbm>>
      %dma_wait3A_9 = tpu.memref_slice %arg8[%mul3A_2] : memref<320000xf32, #tpu.memory_space<hbm>> -> memref<10000xf32, #tpu.memory_space<hbm>>
      tpu.wait_dma2 semaphore(%run_scoped3A : memref<!tpu.dma_semaphore, #tpu.memory_space<semaphore_mem>>) src(%arg18 : memref<10000xf32, #tpu.memory_space<vmem>>) dst(%dma_wait3A_9 : memref<10000xf32, #tpu.memory_space<hbm>>)
      tpu.yield
    }) : () -> ()
    "tpu.region"() ({
      %run_scoped3A = tpu.sem_alloc : memref<!tpu.dma_semaphore, #tpu.memory_space<semaphore_mem>>
      %dma_start3A = tpu.memref_slice %arg9[%mul3A_2] : memref<320000xf32, #tpu.memory_space<hbm>> -> memref<10000xf32, #tpu.memory_space<hbm>>
      %dma_start3A_8 = tpu.memref_slice %arg9[%mul3A_2] : memref<320000xf32, #tpu.memory_space<hbm>> -> memref<10000xf32, #tpu.memory_space<hbm>>
      tpu.enqueue_dma source(%arg19 : memref<10000xf32, #tpu.memory_space<vmem>>) target(%dma_start3A_8 : memref<10000xf32, #tpu.memory_space<hbm>>) target_semaphore(%run_scoped3A : memref<!tpu.dma_semaphore, #tpu.memory_space<semaphore_mem>>)
      %dma_wait3A = tpu.memref_slice %arg9[%mul3A_2] : memref<320000xf32, #tpu.memory_space<hbm>> -> memref<10000xf32, #tpu.memory_space<hbm>>
      %dma_wait3A_9 = tpu.memref_slice %arg9[%mul3A_2] : memref<320000xf32, #tpu.memory_space<hbm>> -> memref<10000xf32, #tpu.memory_space<hbm>>
      tpu.wait_dma2 semaphore(%run_scoped3A : memref<!tpu.dma_semaphore, #tpu.memory_space<semaphore_mem>>) src(%arg19 : memref<10000xf32, #tpu.memory_space<vmem>>) dst(%dma_wait3A_9 : memref<10000xf32, #tpu.memory_space<hbm>>)
      tpu.yield
    }) : () -> ()
    "tpu.region"() ({
      %run_scoped3A = tpu.sem_alloc : memref<!tpu.dma_semaphore, #tpu.memory_space<semaphore_mem>>
      %dma_start3A = tpu.memref_slice %arg10[%mul3A_2] : memref<320000xf32, #tpu.memory_space<hbm>> -> memref<10000xf32, #tpu.memory_space<hbm>>
      %dma_start3A_8 = tpu.memref_slice %arg10[%mul3A_2] : memref<320000xf32, #tpu.memory_space<hbm>> -> memref<10000xf32, #tpu.memory_space<hbm>>
      tpu.enqueue_dma source(%arg20 : memref<10000xf32, #tpu.memory_space<vmem>>) target(%dma_start3A_8 : memref<10000xf32, #tpu.memory_space<hbm>>) target_semaphore(%run_scoped3A : memref<!tpu.dma_semaphore, #tpu.memory_space<semaphore_mem>>)
      %dma_wait3A = tpu.memref_slice %arg10[%mul3A_2] : memref<320000xf32, #tpu.memory_space<hbm>> -> memref<10000xf32, #tpu.memory_space<hbm>>
      %dma_wait3A_9 = tpu.memref_slice %arg10[%mul3A_2] : memref<320000xf32, #tpu.memory_space<hbm>> -> memref<10000xf32, #tpu.memory_space<hbm>>
      tpu.wait_dma2 semaphore(%run_scoped3A : memref<!tpu.dma_semaphore, #tpu.memory_space<semaphore_mem>>) src(%arg20 : memref<10000xf32, #tpu.memory_space<vmem>>) dst(%dma_wait3A_9 : memref<10000xf32, #tpu.memory_space<hbm>>)
      tpu.yield
    }) : () -> ()
    "tpu.region"() ({
      %run_scoped3A = tpu.sem_alloc : memref<!tpu.dma_semaphore, #tpu.memory_space<semaphore_mem>>
      %dma_start3A = tpu.memref_slice %arg11[%mul3A_2] : memref<320000xf32, #tpu.memory_space<hbm>> -> memref<10000xf32, #tpu.memory_space<hbm>>
      %dma_start3A_8 = tpu.memref_slice %arg11[%mul3A_2] : memref<320000xf32, #tpu.memory_space<hbm>> -> memref<10000xf32, #tpu.memory_space<hbm>>
      tpu.enqueue_dma source(%arg21 : memref<10000xf32, #tpu.memory_space<vmem>>) target(%dma_start3A_8 : memref<10000xf32, #tpu.memory_space<hbm>>) target_semaphore(%run_scoped3A : memref<!tpu.dma_semaphore, #tpu.memory_space<semaphore_mem>>)
      %dma_wait3A = tpu.memref_slice %arg11[%mul3A_2] : memref<320000xf32, #tpu.memory_space<hbm>> -> memref<10000xf32, #tpu.memory_space<hbm>>
      %dma_wait3A_9 = tpu.memref_slice %arg11[%mul3A_2] : memref<320000xf32, #tpu.memory_space<hbm>> -> memref<10000xf32, #tpu.memory_space<hbm>>
      tpu.wait_dma2 semaphore(%run_scoped3A : memref<!tpu.dma_semaphore, #tpu.memory_space<semaphore_mem>>) src(%arg21 : memref<10000xf32, #tpu.memory_space<vmem>>) dst(%dma_wait3A_9 : memref<10000xf32, #tpu.memory_space<hbm>>)
      tpu.yield
    }) : () -> ()
    return
  }
}

#map = affine_map<(d0, d1) -> (0, 0)>
#map1 = affine_map<(d0, d1) -> (0)>
module attributes {stable_mosaic.version = 14 : i64} {
  func.func @_sc_scatter128_body(%arg0: i32, %arg1: i32, %arg2: memref<160000x128xf32, #tpu.memory_space<hbm>>, %arg3: memref<160000xi32, #tpu.memory_space<hbm>>, %arg4: memref<10240x128xf32, #tpu.memory_space<hbm>>, %arg5: memref<10240x128xf32, #tpu.memory_space<hbm>>, %arg6: memref<10240x128xf32, #tpu.memory_space<hbm>>, %arg7: memref<10240x128xf32, #tpu.memory_space<hbm>>, %arg8: memref<10240x128xf32, #tpu.memory_space<vmem_shared>>, %arg9: memref<40x128xf32, #tpu.memory_space<vmem>>, %arg10: memref<40x128xf32, #tpu.memory_space<vmem>>, %arg11: memref<40xi32, #tpu.memory_space<vmem>>, %arg12: memref<40xi32, #tpu.memory_space<vmem>>, %arg13: memref<!tpu.dma_semaphore, #tpu.memory_space<semaphore_mem>>, %arg14: memref<!tpu.dma_semaphore, #tpu.memory_space<semaphore_mem>>, %arg15: memref<!tpu.dma_semaphore, #tpu.memory_space<semaphore_mem>>, %arg16: memref<!tpu.dma_semaphore, #tpu.memory_space<semaphore_mem>>) attributes {dimension_semantics = [#tpu.dimension_semantics<core_parallel>, #tpu.dimension_semantics<subcore_parallel>], iteration_bounds = array<i64: 2, 16>, scalar_prefetch = 0 : i64, scratch_operands = 9 : i64, tpu.core_type = #tpu.core_type<sc_vector_subcore>, window_params = [{transform_indices = #map}, {transform_indices = #map1}, {transform_indices = #map}, {transform_indices = #map}, {transform_indices = #map}, {transform_indices = #map}]} {
    %eq3A = arith.constant 0 : i32
    %eq3A_0 = arith.cmpi eq, %arg0, %eq3A : i32
    %convert_element_type3A = arith.extui %eq3A_0 : i1 to i32
    %cond3A = arith.constant 0 : i32
    %cond3A_1 = arith.cmpi ne, %convert_element_type3A, %cond3A : i32
    scf.if %cond3A_1 {
      %mul3A_50 = arith.constant 640 : i32
      %mul3A_51 = arith.muli %arg1, %mul3A_50 : i32
      %mul3A_52 = arith.constant 640 : i32
      %mul3A_53 = arith.muli %arg1, %mul3A_52 : i32
      "tpu.region"() ({
        %run_scoped3A = tpu.sem_alloc : memref<!tpu.dma_semaphore, #tpu.memory_space<semaphore_mem>>
        %dma_start3A_54 = arith.constant 0 : i32
        %dma_start3A_55 = tpu.memref_slice %arg8[%mul3A_53, %dma_start3A_54] : memref<10240x128xf32, #tpu.memory_space<vmem_shared>> -> memref<640x128xf32, #tpu.memory_space<vmem_shared>>
        %dma_start3A_56 = arith.constant 0 : i32
        %dma_start3A_57 = tpu.memref_slice %arg4[%mul3A_51, %dma_start3A_56] : memref<10240x128xf32, #tpu.memory_space<hbm>> -> memref<640x128xf32, #tpu.memory_space<hbm>>
        tpu.enqueue_dma source(%dma_start3A_57 : memref<640x128xf32, #tpu.memory_space<hbm>>) target(%dma_start3A_55 : memref<640x128xf32, #tpu.memory_space<vmem_shared>>) target_semaphore(%run_scoped3A : memref<!tpu.dma_semaphore, #tpu.memory_space<semaphore_mem>>)
        %dma_wait3A_58 = arith.constant 0 : i32
        %dma_wait3A_59 = tpu.memref_slice %arg8[%mul3A_53, %dma_wait3A_58] : memref<10240x128xf32, #tpu.memory_space<vmem_shared>> -> memref<640x128xf32, #tpu.memory_space<vmem_shared>>
        %dma_wait3A_60 = arith.constant 0 : i32
        %dma_wait3A_61 = tpu.memref_slice %arg4[%mul3A_51, %dma_wait3A_60] : memref<10240x128xf32, #tpu.memory_space<hbm>> -> memref<640x128xf32, #tpu.memory_space<hbm>>
        tpu.wait_dma2 semaphore(%run_scoped3A : memref<!tpu.dma_semaphore, #tpu.memory_space<semaphore_mem>>) src(%dma_wait3A_61 : memref<640x128xf32, #tpu.memory_space<hbm>>) dst(%dma_wait3A_59 : memref<640x128xf32, #tpu.memory_space<vmem_shared>>)
        tpu.yield
      }) : () -> ()
    } else {
    }
    %eq3A_2 = arith.constant 1 : i32
    %eq3A_3 = arith.cmpi eq, %arg0, %eq3A_2 : i32
    %convert_element_type3A_4 = arith.extui %eq3A_3 : i1 to i32
    %cond3A_5 = arith.constant 0 : i32
    %cond3A_6 = arith.cmpi ne, %convert_element_type3A_4, %cond3A_5 : i32
    scf.if %cond3A_6 {
      %mul3A_50 = arith.constant 640 : i32
      %mul3A_51 = arith.muli %arg1, %mul3A_50 : i32
      %mul3A_52 = arith.constant 640 : i32
      %mul3A_53 = arith.muli %arg1, %mul3A_52 : i32
      "tpu.region"() ({
        %run_scoped3A = tpu.sem_alloc : memref<!tpu.dma_semaphore, #tpu.memory_space<semaphore_mem>>
        %dma_start3A_54 = arith.constant 0 : i32
        %dma_start3A_55 = tpu.memref_slice %arg8[%mul3A_53, %dma_start3A_54] : memref<10240x128xf32, #tpu.memory_space<vmem_shared>> -> memref<640x128xf32, #tpu.memory_space<vmem_shared>>
        %dma_start3A_56 = arith.constant 0 : i32
        %dma_start3A_57 = tpu.memref_slice %arg5[%mul3A_51, %dma_start3A_56] : memref<10240x128xf32, #tpu.memory_space<hbm>> -> memref<640x128xf32, #tpu.memory_space<hbm>>
        tpu.enqueue_dma source(%dma_start3A_57 : memref<640x128xf32, #tpu.memory_space<hbm>>) target(%dma_start3A_55 : memref<640x128xf32, #tpu.memory_space<vmem_shared>>) target_semaphore(%run_scoped3A : memref<!tpu.dma_semaphore, #tpu.memory_space<semaphore_mem>>)
        %dma_wait3A_58 = arith.constant 0 : i32
        %dma_wait3A_59 = tpu.memref_slice %arg8[%mul3A_53, %dma_wait3A_58] : memref<10240x128xf32, #tpu.memory_space<vmem_shared>> -> memref<640x128xf32, #tpu.memory_space<vmem_shared>>
        %dma_wait3A_60 = arith.constant 0 : i32
        %dma_wait3A_61 = tpu.memref_slice %arg5[%mul3A_51, %dma_wait3A_60] : memref<10240x128xf32, #tpu.memory_space<hbm>> -> memref<640x128xf32, #tpu.memory_space<hbm>>
        tpu.wait_dma2 semaphore(%run_scoped3A : memref<!tpu.dma_semaphore, #tpu.memory_space<semaphore_mem>>) src(%dma_wait3A_61 : memref<640x128xf32, #tpu.memory_space<hbm>>) dst(%dma_wait3A_59 : memref<640x128xf32, #tpu.memory_space<vmem_shared>>)
        tpu.yield
      }) : () -> ()
    } else {
    }
    %barrier3A = arith.constant 0 : index
    tpu.barrier barrier_id(%barrier3A)
    %mul3A = arith.constant 80000 : i32
    %mul3A_7 = arith.muli %arg0, %mul3A : i32
    %mul3A_8 = arith.constant 5000 : i32
    %mul3A_9 = arith.muli %arg1, %mul3A_8 : i32
    %add3A = arith.addi %mul3A_7, %mul3A_9 : i32
    %add3A_10 = arith.constant 0 : i32
    %add3A_11 = arith.addi %add3A, %add3A_10 : i32
    %dma_start3A = arith.constant 0 : i32
    %dma_start3A_12 = tpu.memref_slice %arg2[%add3A_11, %dma_start3A] : memref<160000x128xf32, #tpu.memory_space<hbm>> -> memref<40x128xf32, #tpu.memory_space<hbm>>
    %dma_start3A_13 = arith.constant 0 : i32
    %dma_start3A_14 = tpu.memref_slice %arg2[%add3A_11, %dma_start3A_13] : memref<160000x128xf32, #tpu.memory_space<hbm>> -> memref<40x128xf32, #tpu.memory_space<hbm>>
    tpu.enqueue_dma source(%dma_start3A_14 : memref<40x128xf32, #tpu.memory_space<hbm>>) target(%arg9 : memref<40x128xf32, #tpu.memory_space<vmem>>) target_semaphore(%arg13 : memref<!tpu.dma_semaphore, #tpu.memory_space<semaphore_mem>>)
    %dma_start3A_15 = tpu.memref_slice %arg3[%add3A_11] : memref<160000xi32, #tpu.memory_space<hbm>> -> memref<40xi32, #tpu.memory_space<hbm>>
    %dma_start3A_16 = tpu.memref_slice %arg3[%add3A_11] : memref<160000xi32, #tpu.memory_space<hbm>> -> memref<40xi32, #tpu.memory_space<hbm>>
    tpu.enqueue_dma source(%dma_start3A_16 : memref<40xi32, #tpu.memory_space<hbm>>) target(%arg11 : memref<40xi32, #tpu.memory_space<vmem>>) target_semaphore(%arg15 : memref<!tpu.dma_semaphore, #tpu.memory_space<semaphore_mem>>)
    %add3A_17 = arith.constant 40 : i32
    %add3A_18 = arith.addi %add3A, %add3A_17 : i32
    %dma_start3A_19 = arith.constant 0 : i32
    %dma_start3A_20 = tpu.memref_slice %arg2[%add3A_18, %dma_start3A_19] : memref<160000x128xf32, #tpu.memory_space<hbm>> -> memref<40x128xf32, #tpu.memory_space<hbm>>
    %dma_start3A_21 = arith.constant 0 : i32
    %dma_start3A_22 = tpu.memref_slice %arg2[%add3A_18, %dma_start3A_21] : memref<160000x128xf32, #tpu.memory_space<hbm>> -> memref<40x128xf32, #tpu.memory_space<hbm>>
    tpu.enqueue_dma source(%dma_start3A_22 : memref<40x128xf32, #tpu.memory_space<hbm>>) target(%arg10 : memref<40x128xf32, #tpu.memory_space<vmem>>) target_semaphore(%arg14 : memref<!tpu.dma_semaphore, #tpu.memory_space<semaphore_mem>>)
    %dma_start3A_23 = tpu.memref_slice %arg3[%add3A_18] : memref<160000xi32, #tpu.memory_space<hbm>> -> memref<40xi32, #tpu.memory_space<hbm>>
    %dma_start3A_24 = tpu.memref_slice %arg3[%add3A_18] : memref<160000xi32, #tpu.memory_space<hbm>> -> memref<40xi32, #tpu.memory_space<hbm>>
    tpu.enqueue_dma source(%dma_start3A_24 : memref<40xi32, #tpu.memory_space<hbm>>) target(%arg12 : memref<40xi32, #tpu.memory_space<vmem>>) target_semaphore(%arg16 : memref<!tpu.dma_semaphore, #tpu.memory_space<semaphore_mem>>)
    %scan3A = arith.constant 0 : i32
    %scan3A_25 = arith.constant 0 : i32
    %scan3A_26 = arith.constant 62 : i32
    %scan3A_27 = arith.addi %scan3A_25, %scan3A_26 : i32
    %scan3A_28 = arith.constant 1 : i32
    scf.for %scan3A_50 = %scan3A_25 to %scan3A_27 step %scan3A_28  : i32 {
      %dma_wait3A_51 = arith.constant 0 : i32
      %dma_wait3A_52 = arith.constant 0 : i32
      %dma_wait3A_53 = tpu.memref_slice %arg2[%dma_wait3A_51, %dma_wait3A_52] : memref<160000x128xf32, #tpu.memory_space<hbm>> -> memref<40x128xf32, #tpu.memory_space<hbm>>
      %dma_wait3A_54 = arith.constant 0 : i32
      %dma_wait3A_55 = arith.constant 0 : i32
      %dma_wait3A_56 = tpu.memref_slice %arg2[%dma_wait3A_54, %dma_wait3A_55] : memref<160000x128xf32, #tpu.memory_space<hbm>> -> memref<40x128xf32, #tpu.memory_space<hbm>>
      tpu.wait_dma2 semaphore(%arg13 : memref<!tpu.dma_semaphore, #tpu.memory_space<semaphore_mem>>) src(%dma_wait3A_56 : memref<40x128xf32, #tpu.memory_space<hbm>>) dst(%arg9 : memref<40x128xf32, #tpu.memory_space<vmem>>)
      %dma_wait3A_57 = arith.constant 0 : i32
      %dma_wait3A_58 = tpu.memref_slice %arg3[%dma_wait3A_57] : memref<160000xi32, #tpu.memory_space<hbm>> -> memref<40xi32, #tpu.memory_space<hbm>>
      %dma_wait3A_59 = arith.constant 0 : i32
      %dma_wait3A_60 = tpu.memref_slice %arg3[%dma_wait3A_59] : memref<160000xi32, #tpu.memory_space<hbm>> -> memref<40xi32, #tpu.memory_space<hbm>>
      tpu.wait_dma2 semaphore(%arg15 : memref<!tpu.dma_semaphore, #tpu.memory_space<semaphore_mem>>) src(%dma_wait3A_60 : memref<40xi32, #tpu.memory_space<hbm>>) dst(%arg11 : memref<40xi32, #tpu.memory_space<vmem>>)
      "tpu.region"() ({
        %run_scoped3A = tpu.sem_alloc : memref<!tpu.dma_semaphore, #tpu.memory_space<semaphore_mem>>
        %dma_start3A_88 = arith.constant 0 : i32
        %dma_start3A_89 = arith.constant 0 : i32
        %dma_start3A_90 = tpu.memref_slice %arg8[%dma_start3A_88, %dma_start3A_89] : memref<10240x128xf32, #tpu.memory_space<vmem_shared>> -> memref<10240x128xf32, #tpu.memory_space<vmem_shared>>
        tpu.enqueue_indirect_dma source(%arg9 : memref<40x128xf32, #tpu.memory_space<vmem>>) target(%dma_start3A_90 : memref<10240x128xf32, #tpu.memory_space<vmem_shared>>) offsets(%arg11 : memref<40xi32, #tpu.memory_space<vmem>>) semaphore(%run_scoped3A : memref<!tpu.dma_semaphore, #tpu.memory_space<semaphore_mem>>) {add = true}
        %dma_wait3A_91 = arith.constant 0 : i32
        %dma_wait3A_92 = arith.constant 0 : i32
        %dma_wait3A_93 = tpu.memref_slice %arg8[%dma_wait3A_91, %dma_wait3A_92] : memref<10240x128xf32, #tpu.memory_space<vmem_shared>> -> memref<10240x128xf32, #tpu.memory_space<vmem_shared>>
        tpu.wait_indirect_dma semaphore(%run_scoped3A : memref<!tpu.dma_semaphore, #tpu.memory_space<semaphore_mem>>) src(%arg9 : memref<40x128xf32, #tpu.memory_space<vmem>>) dst(%dma_wait3A_93 : memref<10240x128xf32, #tpu.memory_space<vmem_shared>>)
        tpu.yield
      }) : () -> ()
      %mul3A_61 = arith.constant 2 : i32
      %mul3A_62 = arith.muli %mul3A_61, %scan3A_50 : i32
      %add3A_63 = arith.constant 2 : i32
      %add3A_64 = arith.addi %mul3A_62, %add3A_63 : i32
      %lt3A = arith.constant 125 : i32
      %lt3A_65 = arith.cmpi slt, %add3A_64, %lt3A : i32
      %convert_element_type3A_66 = arith.extui %lt3A_65 : i1 to i32
      %cond3A_67 = arith.constant 0 : i32
      %cond3A_68 = arith.cmpi ne, %convert_element_type3A_66, %cond3A_67 : i32
      scf.if %cond3A_68 {
        %mul3A_88 = arith.constant 2 : i32
        %mul3A_89 = arith.muli %mul3A_88, %scan3A_50 : i32
        %add3A_90 = arith.constant 2 : i32
        %add3A_91 = arith.addi %mul3A_89, %add3A_90 : i32
        %mul3A_92 = arith.constant 40 : i32
        %mul3A_93 = arith.muli %add3A_91, %mul3A_92 : i32
        %add3A_94 = arith.addi %add3A, %mul3A_93 : i32
        %dma_start3A_95 = arith.constant 0 : i32
        %dma_start3A_96 = tpu.memref_slice %arg2[%add3A_94, %dma_start3A_95] : memref<160000x128xf32, #tpu.memory_space<hbm>> -> memref<40x128xf32, #tpu.memory_space<hbm>>
        %dma_start3A_97 = arith.constant 0 : i32
        %dma_start3A_98 = tpu.memref_slice %arg2[%add3A_94, %dma_start3A_97] : memref<160000x128xf32, #tpu.memory_space<hbm>> -> memref<40x128xf32, #tpu.memory_space<hbm>>
        tpu.enqueue_dma source(%dma_start3A_98 : memref<40x128xf32, #tpu.memory_space<hbm>>) target(%arg9 : memref<40x128xf32, #tpu.memory_space<vmem>>) target_semaphore(%arg13 : memref<!tpu.dma_semaphore, #tpu.memory_space<semaphore_mem>>)
        %dma_start3A_99 = tpu.memref_slice %arg3[%add3A_94] : memref<160000xi32, #tpu.memory_space<hbm>> -> memref<40xi32, #tpu.memory_space<hbm>>
        %dma_start3A_100 = tpu.memref_slice %arg3[%add3A_94] : memref<160000xi32, #tpu.memory_space<hbm>> -> memref<40xi32, #tpu.memory_space<hbm>>
        tpu.enqueue_dma source(%dma_start3A_100 : memref<40xi32, #tpu.memory_space<hbm>>) target(%arg11 : memref<40xi32, #tpu.memory_space<vmem>>) target_semaphore(%arg15 : memref<!tpu.dma_semaphore, #tpu.memory_space<semaphore_mem>>)
      } else {
      }
      %dma_wait3A_69 = arith.constant 0 : i32
      %dma_wait3A_70 = arith.constant 0 : i32
      %dma_wait3A_71 = tpu.memref_slice %arg2[%dma_wait3A_69, %dma_wait3A_70] : memref<160000x128xf32, #tpu.memory_space<hbm>> -> memref<40x128xf32, #tpu.memory_space<hbm>>
      %dma_wait3A_72 = arith.constant 0 : i32
      %dma_wait3A_73 = arith.constant 0 : i32
      %dma_wait3A_74 = tpu.memref_slice %arg2[%dma_wait3A_72, %dma_wait3A_73] : memref<160000x128xf32, #tpu.memory_space<hbm>> -> memref<40x128xf32, #tpu.memory_space<hbm>>
      tpu.wait_dma2 semaphore(%arg14 : memref<!tpu.dma_semaphore, #tpu.memory_space<semaphore_mem>>) src(%dma_wait3A_74 : memref<40x128xf32, #tpu.memory_space<hbm>>) dst(%arg10 : memref<40x128xf32, #tpu.memory_space<vmem>>)
      %dma_wait3A_75 = arith.constant 0 : i32
      %dma_wait3A_76 = tpu.memref_slice %arg3[%dma_wait3A_75] : memref<160000xi32, #tpu.memory_space<hbm>> -> memref<40xi32, #tpu.memory_space<hbm>>
      %dma_wait3A_77 = arith.constant 0 : i32
      %dma_wait3A_78 = tpu.memref_slice %arg3[%dma_wait3A_77] : memref<160000xi32, #tpu.memory_space<hbm>> -> memref<40xi32, #tpu.memory_space<hbm>>
      tpu.wait_dma2 semaphore(%arg16 : memref<!tpu.dma_semaphore, #tpu.memory_space<semaphore_mem>>) src(%dma_wait3A_78 : memref<40xi32, #tpu.memory_space<hbm>>) dst(%arg12 : memref<40xi32, #tpu.memory_space<vmem>>)
      "tpu.region"() ({
        %run_scoped3A = tpu.sem_alloc : memref<!tpu.dma_semaphore, #tpu.memory_space<semaphore_mem>>
        %dma_start3A_88 = arith.constant 0 : i32
        %dma_start3A_89 = arith.constant 0 : i32
        %dma_start3A_90 = tpu.memref_slice %arg8[%dma_start3A_88, %dma_start3A_89] : memref<10240x128xf32, #tpu.memory_space<vmem_shared>> -> memref<10240x128xf32, #tpu.memory_space<vmem_shared>>
        tpu.enqueue_indirect_dma source(%arg10 : memref<40x128xf32, #tpu.memory_space<vmem>>) target(%dma_start3A_90 : memref<10240x128xf32, #tpu.memory_space<vmem_shared>>) offsets(%arg12 : memref<40xi32, #tpu.memory_space<vmem>>) semaphore(%run_scoped3A : memref<!tpu.dma_semaphore, #tpu.memory_space<semaphore_mem>>) {add = true}
        %dma_wait3A_91 = arith.constant 0 : i32
        %dma_wait3A_92 = arith.constant 0 : i32
        %dma_wait3A_93 = tpu.memref_slice %arg8[%dma_wait3A_91, %dma_wait3A_92] : memref<10240x128xf32, #tpu.memory_space<vmem_shared>> -> memref<10240x128xf32, #tpu.memory_space<vmem_shared>>
        tpu.wait_indirect_dma semaphore(%run_scoped3A : memref<!tpu.dma_semaphore, #tpu.memory_space<semaphore_mem>>) src(%arg10 : memref<40x128xf32, #tpu.memory_space<vmem>>) dst(%dma_wait3A_93 : memref<10240x128xf32, #tpu.memory_space<vmem_shared>>)
        tpu.yield
      }) : () -> ()
      %mul3A_79 = arith.constant 2 : i32
      %mul3A_80 = arith.muli %mul3A_79, %scan3A_50 : i32
      %add3A_81 = arith.constant 3 : i32
      %add3A_82 = arith.addi %mul3A_80, %add3A_81 : i32
      %lt3A_83 = arith.constant 125 : i32
      %lt3A_84 = arith.cmpi slt, %add3A_82, %lt3A_83 : i32
      %convert_element_type3A_85 = arith.extui %lt3A_84 : i1 to i32
      %cond3A_86 = arith.constant 0 : i32
      %cond3A_87 = arith.cmpi ne, %convert_element_type3A_85, %cond3A_86 : i32
      scf.if %cond3A_87 {
        %mul3A_88 = arith.constant 2 : i32
        %mul3A_89 = arith.muli %mul3A_88, %scan3A_50 : i32
        %add3A_90 = arith.constant 3 : i32
        %add3A_91 = arith.addi %mul3A_89, %add3A_90 : i32
        %mul3A_92 = arith.constant 40 : i32
        %mul3A_93 = arith.muli %add3A_91, %mul3A_92 : i32
        %add3A_94 = arith.addi %add3A, %mul3A_93 : i32
        %dma_start3A_95 = arith.constant 0 : i32
        %dma_start3A_96 = tpu.memref_slice %arg2[%add3A_94, %dma_start3A_95] : memref<160000x128xf32, #tpu.memory_space<hbm>> -> memref<40x128xf32, #tpu.memory_space<hbm>>
        %dma_start3A_97 = arith.constant 0 : i32
        %dma_start3A_98 = tpu.memref_slice %arg2[%add3A_94, %dma_start3A_97] : memref<160000x128xf32, #tpu.memory_space<hbm>> -> memref<40x128xf32, #tpu.memory_space<hbm>>
        tpu.enqueue_dma source(%dma_start3A_98 : memref<40x128xf32, #tpu.memory_space<hbm>>) target(%arg10 : memref<40x128xf32, #tpu.memory_space<vmem>>) target_semaphore(%arg14 : memref<!tpu.dma_semaphore, #tpu.memory_space<semaphore_mem>>)
        %dma_start3A_99 = tpu.memref_slice %arg3[%add3A_94] : memref<160000xi32, #tpu.memory_space<hbm>> -> memref<40xi32, #tpu.memory_space<hbm>>
        %dma_start3A_100 = tpu.memref_slice %arg3[%add3A_94] : memref<160000xi32, #tpu.memory_space<hbm>> -> memref<40xi32, #tpu.memory_space<hbm>>
        tpu.enqueue_dma source(%dma_start3A_100 : memref<40xi32, #tpu.memory_space<hbm>>) target(%arg12 : memref<40xi32, #tpu.memory_space<vmem>>) target_semaphore(%arg16 : memref<!tpu.dma_semaphore, #tpu.memory_space<semaphore_mem>>)
      } else {
      }
    }
    %scan3A_29 = arith.constant 62 : i32
    %dma_wait3A = arith.constant 0 : i32
    %dma_wait3A_30 = arith.constant 0 : i32
    %dma_wait3A_31 = tpu.memref_slice %arg2[%dma_wait3A, %dma_wait3A_30] : memref<160000x128xf32, #tpu.memory_space<hbm>> -> memref<40x128xf32, #tpu.memory_space<hbm>>
    %dma_wait3A_32 = arith.constant 0 : i32
    %dma_wait3A_33 = arith.constant 0 : i32
    %dma_wait3A_34 = tpu.memref_slice %arg2[%dma_wait3A_32, %dma_wait3A_33] : memref<160000x128xf32, #tpu.memory_space<hbm>> -> memref<40x128xf32, #tpu.memory_space<hbm>>
    tpu.wait_dma2 semaphore(%arg13 : memref<!tpu.dma_semaphore, #tpu.memory_space<semaphore_mem>>) src(%dma_wait3A_34 : memref<40x128xf32, #tpu.memory_space<hbm>>) dst(%arg9 : memref<40x128xf32, #tpu.memory_space<vmem>>)
    %dma_wait3A_35 = arith.constant 0 : i32
    %dma_wait3A_36 = tpu.memref_slice %arg3[%dma_wait3A_35] : memref<160000xi32, #tpu.memory_space<hbm>> -> memref<40xi32, #tpu.memory_space<hbm>>
    %dma_wait3A_37 = arith.constant 0 : i32
    %dma_wait3A_38 = tpu.memref_slice %arg3[%dma_wait3A_37] : memref<160000xi32, #tpu.memory_space<hbm>> -> memref<40xi32, #tpu.memory_space<hbm>>
    tpu.wait_dma2 semaphore(%arg15 : memref<!tpu.dma_semaphore, #tpu.memory_space<semaphore_mem>>) src(%dma_wait3A_38 : memref<40xi32, #tpu.memory_space<hbm>>) dst(%arg11 : memref<40xi32, #tpu.memory_space<vmem>>)
    "tpu.region"() ({
      %run_scoped3A = tpu.sem_alloc : memref<!tpu.dma_semaphore, #tpu.memory_space<semaphore_mem>>
      %dma_start3A_50 = arith.constant 0 : i32
      %dma_start3A_51 = arith.constant 0 : i32
      %dma_start3A_52 = tpu.memref_slice %arg8[%dma_start3A_50, %dma_start3A_51] : memref<10240x128xf32, #tpu.memory_space<vmem_shared>> -> memref<10240x128xf32, #tpu.memory_space<vmem_shared>>
      tpu.enqueue_indirect_dma source(%arg9 : memref<40x128xf32, #tpu.memory_space<vmem>>) target(%dma_start3A_52 : memref<10240x128xf32, #tpu.memory_space<vmem_shared>>) offsets(%arg11 : memref<40xi32, #tpu.memory_space<vmem>>) semaphore(%run_scoped3A : memref<!tpu.dma_semaphore, #tpu.memory_space<semaphore_mem>>) {add = true}
      %dma_wait3A_53 = arith.constant 0 : i32
      %dma_wait3A_54 = arith.constant 0 : i32
      %dma_wait3A_55 = tpu.memref_slice %arg8[%dma_wait3A_53, %dma_wait3A_54] : memref<10240x128xf32, #tpu.memory_space<vmem_shared>> -> memref<10240x128xf32, #tpu.memory_space<vmem_shared>>
      tpu.wait_indirect_dma semaphore(%run_scoped3A : memref<!tpu.dma_semaphore, #tpu.memory_space<semaphore_mem>>) src(%arg9 : memref<40x128xf32, #tpu.memory_space<vmem>>) dst(%dma_wait3A_55 : memref<10240x128xf32, #tpu.memory_space<vmem_shared>>)
      tpu.yield
    }) : () -> ()
    %barrier3A_39 = arith.constant 0 : index
    tpu.barrier barrier_id(%barrier3A_39)
    %eq3A_40 = arith.constant 0 : i32
    %eq3A_41 = arith.cmpi eq, %arg0, %eq3A_40 : i32
    %convert_element_type3A_42 = arith.extui %eq3A_41 : i1 to i32
    %cond3A_43 = arith.constant 0 : i32
    %cond3A_44 = arith.cmpi ne, %convert_element_type3A_42, %cond3A_43 : i32
    scf.if %cond3A_44 {
      %mul3A_50 = arith.constant 640 : i32
      %mul3A_51 = arith.muli %arg1, %mul3A_50 : i32
      %mul3A_52 = arith.constant 640 : i32
      %mul3A_53 = arith.muli %arg1, %mul3A_52 : i32
      "tpu.region"() ({
        %run_scoped3A = tpu.sem_alloc : memref<!tpu.dma_semaphore, #tpu.memory_space<semaphore_mem>>
        %dma_start3A_54 = arith.constant 0 : i32
        %dma_start3A_55 = tpu.memref_slice %arg6[%mul3A_53, %dma_start3A_54] : memref<10240x128xf32, #tpu.memory_space<hbm>> -> memref<640x128xf32, #tpu.memory_space<hbm>>
        %dma_start3A_56 = arith.constant 0 : i32
        %dma_start3A_57 = tpu.memref_slice %arg8[%mul3A_51, %dma_start3A_56] : memref<10240x128xf32, #tpu.memory_space<vmem_shared>> -> memref<640x128xf32, #tpu.memory_space<vmem_shared>>
        tpu.enqueue_dma source(%dma_start3A_57 : memref<640x128xf32, #tpu.memory_space<vmem_shared>>) target(%dma_start3A_55 : memref<640x128xf32, #tpu.memory_space<hbm>>) target_semaphore(%run_scoped3A : memref<!tpu.dma_semaphore, #tpu.memory_space<semaphore_mem>>)
        %dma_wait3A_58 = arith.constant 0 : i32
        %dma_wait3A_59 = tpu.memref_slice %arg6[%mul3A_53, %dma_wait3A_58] : memref<10240x128xf32, #tpu.memory_space<hbm>> -> memref<640x128xf32, #tpu.memory_space<hbm>>
        %dma_wait3A_60 = arith.constant 0 : i32
        %dma_wait3A_61 = tpu.memref_slice %arg8[%mul3A_51, %dma_wait3A_60] : memref<10240x128xf32, #tpu.memory_space<vmem_shared>> -> memref<640x128xf32, #tpu.memory_space<vmem_shared>>
        tpu.wait_dma2 semaphore(%run_scoped3A : memref<!tpu.dma_semaphore, #tpu.memory_space<semaphore_mem>>) src(%dma_wait3A_61 : memref<640x128xf32, #tpu.memory_space<vmem_shared>>) dst(%dma_wait3A_59 : memref<640x128xf32, #tpu.memory_space<hbm>>)
        tpu.yield
      }) : () -> ()
    } else {
    }
    %eq3A_45 = arith.constant 1 : i32
    %eq3A_46 = arith.cmpi eq, %arg0, %eq3A_45 : i32
    %convert_element_type3A_47 = arith.extui %eq3A_46 : i1 to i32
    %cond3A_48 = arith.constant 0 : i32
    %cond3A_49 = arith.cmpi ne, %convert_element_type3A_47, %cond3A_48 : i32
    scf.if %cond3A_49 {
      %mul3A_50 = arith.constant 640 : i32
      %mul3A_51 = arith.muli %arg1, %mul3A_50 : i32
      %mul3A_52 = arith.constant 640 : i32
      %mul3A_53 = arith.muli %arg1, %mul3A_52 : i32
      "tpu.region"() ({
        %run_scoped3A = tpu.sem_alloc : memref<!tpu.dma_semaphore, #tpu.memory_space<semaphore_mem>>
        %dma_start3A_54 = arith.constant 0 : i32
        %dma_start3A_55 = tpu.memref_slice %arg7[%mul3A_53, %dma_start3A_54] : memref<10240x128xf32, #tpu.memory_space<hbm>> -> memref<640x128xf32, #tpu.memory_space<hbm>>
        %dma_start3A_56 = arith.constant 0 : i32
        %dma_start3A_57 = tpu.memref_slice %arg8[%mul3A_51, %dma_start3A_56] : memref<10240x128xf32, #tpu.memory_space<vmem_shared>> -> memref<640x128xf32, #tpu.memory_space<vmem_shared>>
        tpu.enqueue_dma source(%dma_start3A_57 : memref<640x128xf32, #tpu.memory_space<vmem_shared>>) target(%dma_start3A_55 : memref<640x128xf32, #tpu.memory_space<hbm>>) target_semaphore(%run_scoped3A : memref<!tpu.dma_semaphore, #tpu.memory_space<semaphore_mem>>)
        %dma_wait3A_58 = arith.constant 0 : i32
        %dma_wait3A_59 = tpu.memref_slice %arg7[%mul3A_53, %dma_wait3A_58] : memref<10240x128xf32, #tpu.memory_space<hbm>> -> memref<640x128xf32, #tpu.memory_space<hbm>>
        %dma_wait3A_60 = arith.constant 0 : i32
        %dma_wait3A_61 = tpu.memref_slice %arg8[%mul3A_51, %dma_wait3A_60] : memref<10240x128xf32, #tpu.memory_space<vmem_shared>> -> memref<640x128xf32, #tpu.memory_space<vmem_shared>>
        tpu.wait_dma2 semaphore(%run_scoped3A : memref<!tpu.dma_semaphore, #tpu.memory_space<semaphore_mem>>) src(%dma_wait3A_61 : memref<640x128xf32, #tpu.memory_space<vmem_shared>>) dst(%dma_wait3A_59 : memref<640x128xf32, #tpu.memory_space<hbm>>)
        tpu.yield
      }) : () -> ()
    } else {
    }
    return
  }
}

#map = affine_map<(d0, d1) -> (0, 0)>
#map1 = affine_map<(d0, d1) -> (0)>
module attributes {stable_mosaic.version = 14 : i64} {
  func.func @_sc_scatter_body(%arg0: i32, %arg1: i32, %arg2: memref<160000x16xf32, #tpu.memory_space<hbm>>, %arg3: memref<160000xi32, #tpu.memory_space<hbm>>, %arg4: memref<10240x16xf32, #tpu.memory_space<hbm>>, %arg5: memref<10240x16xf32, #tpu.memory_space<hbm>>, %arg6: memref<10240x16xf32, #tpu.memory_space<hbm>>, %arg7: memref<10240x16xf32, #tpu.memory_space<hbm>>, %arg8: memref<10240x16xf32, #tpu.memory_space<vmem_shared>>, %arg9: memref<1000x16xf32, #tpu.memory_space<vmem>>, %arg10: memref<1000xi32, #tpu.memory_space<vmem>>) attributes {dimension_semantics = [#tpu.dimension_semantics<core_parallel>, #tpu.dimension_semantics<subcore_parallel>], iteration_bounds = array<i64: 2, 16>, scalar_prefetch = 0 : i64, scratch_operands = 3 : i64, tpu.core_type = #tpu.core_type<sc_vector_subcore>, window_params = [{transform_indices = #map}, {transform_indices = #map1}, {transform_indices = #map}, {transform_indices = #map}, {transform_indices = #map}, {transform_indices = #map}]} {
    %eq3A = arith.constant 0 : i32
    %eq3A_0 = arith.cmpi eq, %arg0, %eq3A : i32
    %convert_element_type3A = arith.extui %eq3A_0 : i1 to i32
    %cond3A = arith.constant 0 : i32
    %cond3A_1 = arith.cmpi ne, %convert_element_type3A, %cond3A : i32
    scf.if %cond3A_1 {
      %mul3A_26 = arith.constant 640 : i32
      %mul3A_27 = arith.muli %arg1, %mul3A_26 : i32
      %mul3A_28 = arith.constant 640 : i32
      %mul3A_29 = arith.muli %arg1, %mul3A_28 : i32
      "tpu.region"() ({
        %run_scoped3A = tpu.sem_alloc : memref<!tpu.dma_semaphore, #tpu.memory_space<semaphore_mem>>
        %dma_start3A = arith.constant 0 : i32
        %dma_start3A_30 = tpu.memref_slice %arg8[%mul3A_29, %dma_start3A] : memref<10240x16xf32, #tpu.memory_space<vmem_shared>> -> memref<640x16xf32, #tpu.memory_space<vmem_shared>>
        %dma_start3A_31 = arith.constant 0 : i32
        %dma_start3A_32 = tpu.memref_slice %arg4[%mul3A_27, %dma_start3A_31] : memref<10240x16xf32, #tpu.memory_space<hbm>> -> memref<640x16xf32, #tpu.memory_space<hbm>>
        tpu.enqueue_dma source(%dma_start3A_32 : memref<640x16xf32, #tpu.memory_space<hbm>>) target(%dma_start3A_30 : memref<640x16xf32, #tpu.memory_space<vmem_shared>>) target_semaphore(%run_scoped3A : memref<!tpu.dma_semaphore, #tpu.memory_space<semaphore_mem>>)
        %dma_wait3A = arith.constant 0 : i32
        %dma_wait3A_33 = tpu.memref_slice %arg8[%mul3A_29, %dma_wait3A] : memref<10240x16xf32, #tpu.memory_space<vmem_shared>> -> memref<640x16xf32, #tpu.memory_space<vmem_shared>>
        %dma_wait3A_34 = arith.constant 0 : i32
        %dma_wait3A_35 = tpu.memref_slice %arg4[%mul3A_27, %dma_wait3A_34] : memref<10240x16xf32, #tpu.memory_space<hbm>> -> memref<640x16xf32, #tpu.memory_space<hbm>>
        tpu.wait_dma2 semaphore(%run_scoped3A : memref<!tpu.dma_semaphore, #tpu.memory_space<semaphore_mem>>) src(%dma_wait3A_35 : memref<640x16xf32, #tpu.memory_space<hbm>>) dst(%dma_wait3A_33 : memref<640x16xf32, #tpu.memory_space<vmem_shared>>)
        tpu.yield
      }) : () -> ()
    } else {
    }
    %eq3A_2 = arith.constant 1 : i32
    %eq3A_3 = arith.cmpi eq, %arg0, %eq3A_2 : i32
    %convert_element_type3A_4 = arith.extui %eq3A_3 : i1 to i32
    %cond3A_5 = arith.constant 0 : i32
    %cond3A_6 = arith.cmpi ne, %convert_element_type3A_4, %cond3A_5 : i32
    scf.if %cond3A_6 {
      %mul3A_26 = arith.constant 640 : i32
      %mul3A_27 = arith.muli %arg1, %mul3A_26 : i32
      %mul3A_28 = arith.constant 640 : i32
      %mul3A_29 = arith.muli %arg1, %mul3A_28 : i32
      "tpu.region"() ({
        %run_scoped3A = tpu.sem_alloc : memref<!tpu.dma_semaphore, #tpu.memory_space<semaphore_mem>>
        %dma_start3A = arith.constant 0 : i32
        %dma_start3A_30 = tpu.memref_slice %arg8[%mul3A_29, %dma_start3A] : memref<10240x16xf32, #tpu.memory_space<vmem_shared>> -> memref<640x16xf32, #tpu.memory_space<vmem_shared>>
        %dma_start3A_31 = arith.constant 0 : i32
        %dma_start3A_32 = tpu.memref_slice %arg5[%mul3A_27, %dma_start3A_31] : memref<10240x16xf32, #tpu.memory_space<hbm>> -> memref<640x16xf32, #tpu.memory_space<hbm>>
        tpu.enqueue_dma source(%dma_start3A_32 : memref<640x16xf32, #tpu.memory_space<hbm>>) target(%dma_start3A_30 : memref<640x16xf32, #tpu.memory_space<vmem_shared>>) target_semaphore(%run_scoped3A : memref<!tpu.dma_semaphore, #tpu.memory_space<semaphore_mem>>)
        %dma_wait3A = arith.constant 0 : i32
        %dma_wait3A_33 = tpu.memref_slice %arg8[%mul3A_29, %dma_wait3A] : memref<10240x16xf32, #tpu.memory_space<vmem_shared>> -> memref<640x16xf32, #tpu.memory_space<vmem_shared>>
        %dma_wait3A_34 = arith.constant 0 : i32
        %dma_wait3A_35 = tpu.memref_slice %arg5[%mul3A_27, %dma_wait3A_34] : memref<10240x16xf32, #tpu.memory_space<hbm>> -> memref<640x16xf32, #tpu.memory_space<hbm>>
        tpu.wait_dma2 semaphore(%run_scoped3A : memref<!tpu.dma_semaphore, #tpu.memory_space<semaphore_mem>>) src(%dma_wait3A_35 : memref<640x16xf32, #tpu.memory_space<hbm>>) dst(%dma_wait3A_33 : memref<640x16xf32, #tpu.memory_space<vmem_shared>>)
        tpu.yield
      }) : () -> ()
    } else {
    }
    %barrier3A = arith.constant 0 : index
    tpu.barrier barrier_id(%barrier3A)
    %mul3A = arith.constant 80000 : i32
    %mul3A_7 = arith.muli %arg0, %mul3A : i32
    %mul3A_8 = arith.constant 5000 : i32
    %mul3A_9 = arith.muli %arg1, %mul3A_8 : i32
    %add3A = arith.addi %mul3A_7, %mul3A_9 : i32
    %scan3A = arith.constant 0 : i32
    %scan3A_10 = arith.constant 0 : i32
    %scan3A_11 = arith.constant 5 : i32
    %scan3A_12 = arith.addi %scan3A_10, %scan3A_11 : i32
    %scan3A_13 = arith.constant 1 : i32
    scf.for %scan3A_26 = %scan3A_10 to %scan3A_12 step %scan3A_13  : i32 {
      %mul3A_27 = arith.constant 1000 : i32
      %mul3A_28 = arith.muli %scan3A_26, %mul3A_27 : i32
      %add3A_29 = arith.addi %add3A, %mul3A_28 : i32
      "tpu.region"() ({
        %run_scoped3A = tpu.sem_alloc : memref<!tpu.dma_semaphore, #tpu.memory_space<semaphore_mem>>
        %dma_start3A = arith.constant 0 : i32
        %dma_start3A_30 = tpu.memref_slice %arg2[%add3A_29, %dma_start3A] : memref<160000x16xf32, #tpu.memory_space<hbm>> -> memref<1000x16xf32, #tpu.memory_space<hbm>>
        %dma_start3A_31 = arith.constant 0 : i32
        %dma_start3A_32 = tpu.memref_slice %arg2[%add3A_29, %dma_start3A_31] : memref<160000x16xf32, #tpu.memory_space<hbm>> -> memref<1000x16xf32, #tpu.memory_space<hbm>>
        tpu.enqueue_dma source(%dma_start3A_32 : memref<1000x16xf32, #tpu.memory_space<hbm>>) target(%arg9 : memref<1000x16xf32, #tpu.memory_space<vmem>>) target_semaphore(%run_scoped3A : memref<!tpu.dma_semaphore, #tpu.memory_space<semaphore_mem>>)
        %dma_wait3A = arith.constant 0 : i32
        %dma_wait3A_33 = tpu.memref_slice %arg2[%add3A_29, %dma_wait3A] : memref<160000x16xf32, #tpu.memory_space<hbm>> -> memref<1000x16xf32, #tpu.memory_space<hbm>>
        %dma_wait3A_34 = arith.constant 0 : i32
        %dma_wait3A_35 = tpu.memref_slice %arg2[%add3A_29, %dma_wait3A_34] : memref<160000x16xf32, #tpu.memory_space<hbm>> -> memref<1000x16xf32, #tpu.memory_space<hbm>>
        tpu.wait_dma2 semaphore(%run_scoped3A : memref<!tpu.dma_semaphore, #tpu.memory_space<semaphore_mem>>) src(%dma_wait3A_35 : memref<1000x16xf32, #tpu.memory_space<hbm>>) dst(%arg9 : memref<1000x16xf32, #tpu.memory_space<vmem>>)
        tpu.yield
      }) : () -> ()
      "tpu.region"() ({
        %run_scoped3A = tpu.sem_alloc : memref<!tpu.dma_semaphore, #tpu.memory_space<semaphore_mem>>
        %dma_start3A = tpu.memref_slice %arg3[%add3A_29] : memref<160000xi32, #tpu.memory_space<hbm>> -> memref<1000xi32, #tpu.memory_space<hbm>>
        %dma_start3A_30 = tpu.memref_slice %arg3[%add3A_29] : memref<160000xi32, #tpu.memory_space<hbm>> -> memref<1000xi32, #tpu.memory_space<hbm>>
        tpu.enqueue_dma source(%dma_start3A_30 : memref<1000xi32, #tpu.memory_space<hbm>>) target(%arg10 : memref<1000xi32, #tpu.memory_space<vmem>>) target_semaphore(%run_scoped3A : memref<!tpu.dma_semaphore, #tpu.memory_space<semaphore_mem>>)
        %dma_wait3A = tpu.memref_slice %arg3[%add3A_29] : memref<160000xi32, #tpu.memory_space<hbm>> -> memref<1000xi32, #tpu.memory_space<hbm>>
        %dma_wait3A_31 = tpu.memref_slice %arg3[%add3A_29] : memref<160000xi32, #tpu.memory_space<hbm>> -> memref<1000xi32, #tpu.memory_space<hbm>>
        tpu.wait_dma2 semaphore(%run_scoped3A : memref<!tpu.dma_semaphore, #tpu.memory_space<semaphore_mem>>) src(%dma_wait3A_31 : memref<1000xi32, #tpu.memory_space<hbm>>) dst(%arg10 : memref<1000xi32, #tpu.memory_space<vmem>>)
        tpu.yield
      }) : () -> ()
      "tpu.region"() ({
        %run_scoped3A = tpu.sem_alloc : memref<!tpu.dma_semaphore, #tpu.memory_space<semaphore_mem>>
        %dma_start3A = arith.constant 0 : i32
        %dma_start3A_30 = arith.constant 0 : i32
        %dma_start3A_31 = tpu.memref_slice %arg8[%dma_start3A, %dma_start3A_30] : memref<10240x16xf32, #tpu.memory_space<vmem_shared>> -> memref<10240x16xf32, #tpu.memory_space<vmem_shared>>
        tpu.enqueue_indirect_dma source(%arg9 : memref<1000x16xf32, #tpu.memory_space<vmem>>) target(%dma_start3A_31 : memref<10240x16xf32, #tpu.memory_space<vmem_shared>>) offsets(%arg10 : memref<1000xi32, #tpu.memory_space<vmem>>) semaphore(%run_scoped3A : memref<!tpu.dma_semaphore, #tpu.memory_space<semaphore_mem>>) {add = true}
        %dma_wait3A = arith.constant 0 : i32
        %dma_wait3A_32 = arith.constant 0 : i32
        %dma_wait3A_33 = tpu.memref_slice %arg8[%dma_wait3A, %dma_wait3A_32] : memref<10240x16xf32, #tpu.memory_space<vmem_shared>> -> memref<10240x16xf32, #tpu.memory_space<vmem_shared>>
        tpu.wait_indirect_dma semaphore(%run_scoped3A : memref<!tpu.dma_semaphore, #tpu.memory_space<semaphore_mem>>) src(%arg9 : memref<1000x16xf32, #tpu.memory_space<vmem>>) dst(%dma_wait3A_33 : memref<10240x16xf32, #tpu.memory_space<vmem_shared>>)
        tpu.yield
      }) : () -> ()
    }
    %scan3A_14 = arith.constant 5 : i32
    %barrier3A_15 = arith.constant 0 : index
    tpu.barrier barrier_id(%barrier3A_15)
    %eq3A_16 = arith.constant 0 : i32
    %eq3A_17 = arith.cmpi eq, %arg0, %eq3A_16 : i32
    %convert_element_type3A_18 = arith.extui %eq3A_17 : i1 to i32
    %cond3A_19 = arith.constant 0 : i32
    %cond3A_20 = arith.cmpi ne, %convert_element_type3A_18, %cond3A_19 : i32
    scf.if %cond3A_20 {
      %mul3A_26 = arith.constant 640 : i32
      %mul3A_27 = arith.muli %arg1, %mul3A_26 : i32
      %mul3A_28 = arith.constant 640 : i32
      %mul3A_29 = arith.muli %arg1, %mul3A_28 : i32
      "tpu.region"() ({
        %run_scoped3A = tpu.sem_alloc : memref<!tpu.dma_semaphore, #tpu.memory_space<semaphore_mem>>
        %dma_start3A = arith.constant 0 : i32
        %dma_start3A_30 = tpu.memref_slice %arg6[%mul3A_29, %dma_start3A] : memref<10240x16xf32, #tpu.memory_space<hbm>> -> memref<640x16xf32, #tpu.memory_space<hbm>>
        %dma_start3A_31 = arith.constant 0 : i32
        %dma_start3A_32 = tpu.memref_slice %arg8[%mul3A_27, %dma_start3A_31] : memref<10240x16xf32, #tpu.memory_space<vmem_shared>> -> memref<640x16xf32, #tpu.memory_space<vmem_shared>>
        tpu.enqueue_dma source(%dma_start3A_32 : memref<640x16xf32, #tpu.memory_space<vmem_shared>>) target(%dma_start3A_30 : memref<640x16xf32, #tpu.memory_space<hbm>>) target_semaphore(%run_scoped3A : memref<!tpu.dma_semaphore, #tpu.memory_space<semaphore_mem>>)
        %dma_wait3A = arith.constant 0 : i32
        %dma_wait3A_33 = tpu.memref_slice %arg6[%mul3A_29, %dma_wait3A] : memref<10240x16xf32, #tpu.memory_space<hbm>> -> memref<640x16xf32, #tpu.memory_space<hbm>>
        %dma_wait3A_34 = arith.constant 0 : i32
        %dma_wait3A_35 = tpu.memref_slice %arg8[%mul3A_27, %dma_wait3A_34] : memref<10240x16xf32, #tpu.memory_space<vmem_shared>> -> memref<640x16xf32, #tpu.memory_space<vmem_shared>>
        tpu.wait_dma2 semaphore(%run_scoped3A : memref<!tpu.dma_semaphore, #tpu.memory_space<semaphore_mem>>) src(%dma_wait3A_35 : memref<640x16xf32, #tpu.memory_space<vmem_shared>>) dst(%dma_wait3A_33 : memref<640x16xf32, #tpu.memory_space<hbm>>)
        tpu.yield
      }) : () -> ()
    } else {
    }
    %eq3A_21 = arith.constant 1 : i32
    %eq3A_22 = arith.cmpi eq, %arg0, %eq3A_21 : i32
    %convert_element_type3A_23 = arith.extui %eq3A_22 : i1 to i32
    %cond3A_24 = arith.constant 0 : i32
    %cond3A_25 = arith.cmpi ne, %convert_element_type3A_23, %cond3A_24 : i32
    scf.if %cond3A_25 {
      %mul3A_26 = arith.constant 640 : i32
      %mul3A_27 = arith.muli %arg1, %mul3A_26 : i32
      %mul3A_28 = arith.constant 640 : i32
      %mul3A_29 = arith.muli %arg1, %mul3A_28 : i32
      "tpu.region"() ({
        %run_scoped3A = tpu.sem_alloc : memref<!tpu.dma_semaphore, #tpu.memory_space<semaphore_mem>>
        %dma_start3A = arith.constant 0 : i32
        %dma_start3A_30 = tpu.memref_slice %arg7[%mul3A_29, %dma_start3A] : memref<10240x16xf32, #tpu.memory_space<hbm>> -> memref<640x16xf32, #tpu.memory_space<hbm>>
        %dma_start3A_31 = arith.constant 0 : i32
        %dma_start3A_32 = tpu.memref_slice %arg8[%mul3A_27, %dma_start3A_31] : memref<10240x16xf32, #tpu.memory_space<vmem_shared>> -> memref<640x16xf32, #tpu.memory_space<vmem_shared>>
        tpu.enqueue_dma source(%dma_start3A_32 : memref<640x16xf32, #tpu.memory_space<vmem_shared>>) target(%dma_start3A_30 : memref<640x16xf32, #tpu.memory_space<hbm>>) target_semaphore(%run_scoped3A : memref<!tpu.dma_semaphore, #tpu.memory_space<semaphore_mem>>)
        %dma_wait3A = arith.constant 0 : i32
        %dma_wait3A_33 = tpu.memref_slice %arg7[%mul3A_29, %dma_wait3A] : memref<10240x16xf32, #tpu.memory_space<hbm>> -> memref<640x16xf32, #tpu.memory_space<hbm>>
        %dma_wait3A_34 = arith.constant 0 : i32
        %dma_wait3A_35 = tpu.memref_slice %arg8[%mul3A_27, %dma_wait3A_34] : memref<10240x16xf32, #tpu.memory_space<vmem_shared>> -> memref<640x16xf32, #tpu.memory_space<vmem_shared>>
        tpu.wait_dma2 semaphore(%run_scoped3A : memref<!tpu.dma_semaphore, #tpu.memory_space<semaphore_mem>>) src(%dma_wait3A_35 : memref<640x16xf32, #tpu.memory_space<vmem_shared>>) dst(%dma_wait3A_33 : memref<640x16xf32, #tpu.memory_space<hbm>>)
        tpu.yield
      }) : () -> ()
    } else {
    }
    return
  }
}

#map = affine_map<(d0, d1) -> (0, 0)>
#map1 = affine_map<(d0, d1) -> (0)>
module attributes {stable_mosaic.version = 14 : i64} {
  func.func @_sc_scatter_body(%arg0: i32, %arg1: i32, %arg2: memref<160000x16xf32, #tpu.memory_space<hbm>>, %arg3: memref<160000xi32, #tpu.memory_space<hbm>>, %arg4: memref<10240x16xf32, #tpu.memory_space<hbm>>, %arg5: memref<10240x16xf32, #tpu.memory_space<hbm>>, %arg6: memref<10240x16xf32, #tpu.memory_space<hbm>>, %arg7: memref<10240x16xf32, #tpu.memory_space<hbm>>, %arg8: memref<10240x16xf32, #tpu.memory_space<vmem_shared>>, %arg9: memref<1000x16xf32, #tpu.memory_space<vmem>>, %arg10: memref<1000xi32, #tpu.memory_space<vmem>>) attributes {dimension_semantics = [#tpu.dimension_semantics<core_parallel>, #tpu.dimension_semantics<subcore_parallel>], iteration_bounds = array<i64: 2, 16>, scalar_prefetch = 0 : i64, scratch_operands = 3 : i64, tpu.core_type = #tpu.core_type<sc_vector_subcore>, window_params = [{transform_indices = #map}, {transform_indices = #map1}, {transform_indices = #map}, {transform_indices = #map}, {transform_indices = #map}, {transform_indices = #map}]} {
    %eq3A = arith.constant 0 : i32
    %eq3A_0 = arith.cmpi eq, %arg0, %eq3A : i32
    %convert_element_type3A = arith.extui %eq3A_0 : i1 to i32
    %cond3A = arith.constant 0 : i32
    %cond3A_1 = arith.cmpi ne, %convert_element_type3A, %cond3A : i32
    scf.if %cond3A_1 {
      %mul3A_26 = arith.constant 640 : i32
      %mul3A_27 = arith.muli %arg1, %mul3A_26 : i32
      %mul3A_28 = arith.constant 640 : i32
      %mul3A_29 = arith.muli %arg1, %mul3A_28 : i32
      "tpu.region"() ({
        %run_scoped3A = tpu.sem_alloc : memref<!tpu.dma_semaphore, #tpu.memory_space<semaphore_mem>>
        %dma_start3A = arith.constant 0 : i32
        %dma_start3A_30 = tpu.memref_slice %arg8[%mul3A_29, %dma_start3A] : memref<10240x16xf32, #tpu.memory_space<vmem_shared>> -> memref<640x16xf32, #tpu.memory_space<vmem_shared>>
        %dma_start3A_31 = arith.constant 0 : i32
        %dma_start3A_32 = tpu.memref_slice %arg4[%mul3A_27, %dma_start3A_31] : memref<10240x16xf32, #tpu.memory_space<hbm>> -> memref<640x16xf32, #tpu.memory_space<hbm>>
        tpu.enqueue_dma source(%dma_start3A_32 : memref<640x16xf32, #tpu.memory_space<hbm>>) target(%dma_start3A_30 : memref<640x16xf32, #tpu.memory_space<vmem_shared>>) target_semaphore(%run_scoped3A : memref<!tpu.dma_semaphore, #tpu.memory_space<semaphore_mem>>)
        %dma_wait3A = arith.constant 0 : i32
        %dma_wait3A_33 = tpu.memref_slice %arg8[%mul3A_29, %dma_wait3A] : memref<10240x16xf32, #tpu.memory_space<vmem_shared>> -> memref<640x16xf32, #tpu.memory_space<vmem_shared>>
        %dma_wait3A_34 = arith.constant 0 : i32
        %dma_wait3A_35 = tpu.memref_slice %arg4[%mul3A_27, %dma_wait3A_34] : memref<10240x16xf32, #tpu.memory_space<hbm>> -> memref<640x16xf32, #tpu.memory_space<hbm>>
        tpu.wait_dma2 semaphore(%run_scoped3A : memref<!tpu.dma_semaphore, #tpu.memory_space<semaphore_mem>>) src(%dma_wait3A_35 : memref<640x16xf32, #tpu.memory_space<hbm>>) dst(%dma_wait3A_33 : memref<640x16xf32, #tpu.memory_space<vmem_shared>>)
        tpu.yield
      }) : () -> ()
    } else {
    }
    %eq3A_2 = arith.constant 1 : i32
    %eq3A_3 = arith.cmpi eq, %arg0, %eq3A_2 : i32
    %convert_element_type3A_4 = arith.extui %eq3A_3 : i1 to i32
    %cond3A_5 = arith.constant 0 : i32
    %cond3A_6 = arith.cmpi ne, %convert_element_type3A_4, %cond3A_5 : i32
    scf.if %cond3A_6 {
      %mul3A_26 = arith.constant 640 : i32
      %mul3A_27 = arith.muli %arg1, %mul3A_26 : i32
      %mul3A_28 = arith.constant 640 : i32
      %mul3A_29 = arith.muli %arg1, %mul3A_28 : i32
      "tpu.region"() ({
        %run_scoped3A = tpu.sem_alloc : memref<!tpu.dma_semaphore, #tpu.memory_space<semaphore_mem>>
        %dma_start3A = arith.constant 0 : i32
        %dma_start3A_30 = tpu.memref_slice %arg8[%mul3A_29, %dma_start3A] : memref<10240x16xf32, #tpu.memory_space<vmem_shared>> -> memref<640x16xf32, #tpu.memory_space<vmem_shared>>
        %dma_start3A_31 = arith.constant 0 : i32
        %dma_start3A_32 = tpu.memref_slice %arg5[%mul3A_27, %dma_start3A_31] : memref<10240x16xf32, #tpu.memory_space<hbm>> -> memref<640x16xf32, #tpu.memory_space<hbm>>
        tpu.enqueue_dma source(%dma_start3A_32 : memref<640x16xf32, #tpu.memory_space<hbm>>) target(%dma_start3A_30 : memref<640x16xf32, #tpu.memory_space<vmem_shared>>) target_semaphore(%run_scoped3A : memref<!tpu.dma_semaphore, #tpu.memory_space<semaphore_mem>>)
        %dma_wait3A = arith.constant 0 : i32
        %dma_wait3A_33 = tpu.memref_slice %arg8[%mul3A_29, %dma_wait3A] : memref<10240x16xf32, #tpu.memory_space<vmem_shared>> -> memref<640x16xf32, #tpu.memory_space<vmem_shared>>
        %dma_wait3A_34 = arith.constant 0 : i32
        %dma_wait3A_35 = tpu.memref_slice %arg5[%mul3A_27, %dma_wait3A_34] : memref<10240x16xf32, #tpu.memory_space<hbm>> -> memref<640x16xf32, #tpu.memory_space<hbm>>
        tpu.wait_dma2 semaphore(%run_scoped3A : memref<!tpu.dma_semaphore, #tpu.memory_space<semaphore_mem>>) src(%dma_wait3A_35 : memref<640x16xf32, #tpu.memory_space<hbm>>) dst(%dma_wait3A_33 : memref<640x16xf32, #tpu.memory_space<vmem_shared>>)
        tpu.yield
      }) : () -> ()
    } else {
    }
    %barrier3A = arith.constant 0 : index
    tpu.barrier barrier_id(%barrier3A)
    %mul3A = arith.constant 80000 : i32
    %mul3A_7 = arith.muli %arg0, %mul3A : i32
    %mul3A_8 = arith.constant 5000 : i32
    %mul3A_9 = arith.muli %arg1, %mul3A_8 : i32
    %add3A = arith.addi %mul3A_7, %mul3A_9 : i32
    %scan3A = arith.constant 0 : i32
    %scan3A_10 = arith.constant 0 : i32
    %scan3A_11 = arith.constant 5 : i32
    %scan3A_12 = arith.addi %scan3A_10, %scan3A_11 : i32
    %scan3A_13 = arith.constant 1 : i32
    scf.for %scan3A_26 = %scan3A_10 to %scan3A_12 step %scan3A_13  : i32 {
      %mul3A_27 = arith.constant 1000 : i32
      %mul3A_28 = arith.muli %scan3A_26, %mul3A_27 : i32
      %add3A_29 = arith.addi %add3A, %mul3A_28 : i32
      "tpu.region"() ({
        %run_scoped3A = tpu.sem_alloc : memref<!tpu.dma_semaphore, #tpu.memory_space<semaphore_mem>>
        %dma_start3A = arith.constant 0 : i32
        %dma_start3A_30 = tpu.memref_slice %arg2[%add3A_29, %dma_start3A] : memref<160000x16xf32, #tpu.memory_space<hbm>> -> memref<1000x16xf32, #tpu.memory_space<hbm>>
        %dma_start3A_31 = arith.constant 0 : i32
        %dma_start3A_32 = tpu.memref_slice %arg2[%add3A_29, %dma_start3A_31] : memref<160000x16xf32, #tpu.memory_space<hbm>> -> memref<1000x16xf32, #tpu.memory_space<hbm>>
        tpu.enqueue_dma source(%dma_start3A_32 : memref<1000x16xf32, #tpu.memory_space<hbm>>) target(%arg9 : memref<1000x16xf32, #tpu.memory_space<vmem>>) target_semaphore(%run_scoped3A : memref<!tpu.dma_semaphore, #tpu.memory_space<semaphore_mem>>)
        %dma_wait3A = arith.constant 0 : i32
        %dma_wait3A_33 = tpu.memref_slice %arg2[%add3A_29, %dma_wait3A] : memref<160000x16xf32, #tpu.memory_space<hbm>> -> memref<1000x16xf32, #tpu.memory_space<hbm>>
        %dma_wait3A_34 = arith.constant 0 : i32
        %dma_wait3A_35 = tpu.memref_slice %arg2[%add3A_29, %dma_wait3A_34] : memref<160000x16xf32, #tpu.memory_space<hbm>> -> memref<1000x16xf32, #tpu.memory_space<hbm>>
        tpu.wait_dma2 semaphore(%run_scoped3A : memref<!tpu.dma_semaphore, #tpu.memory_space<semaphore_mem>>) src(%dma_wait3A_35 : memref<1000x16xf32, #tpu.memory_space<hbm>>) dst(%arg9 : memref<1000x16xf32, #tpu.memory_space<vmem>>)
        tpu.yield
      }) : () -> ()
      "tpu.region"() ({
        %run_scoped3A = tpu.sem_alloc : memref<!tpu.dma_semaphore, #tpu.memory_space<semaphore_mem>>
        %dma_start3A = tpu.memref_slice %arg3[%add3A_29] : memref<160000xi32, #tpu.memory_space<hbm>> -> memref<1000xi32, #tpu.memory_space<hbm>>
        %dma_start3A_30 = tpu.memref_slice %arg3[%add3A_29] : memref<160000xi32, #tpu.memory_space<hbm>> -> memref<1000xi32, #tpu.memory_space<hbm>>
        tpu.enqueue_dma source(%dma_start3A_30 : memref<1000xi32, #tpu.memory_space<hbm>>) target(%arg10 : memref<1000xi32, #tpu.memory_space<vmem>>) target_semaphore(%run_scoped3A : memref<!tpu.dma_semaphore, #tpu.memory_space<semaphore_mem>>)
        %dma_wait3A = tpu.memref_slice %arg3[%add3A_29] : memref<160000xi32, #tpu.memory_space<hbm>> -> memref<1000xi32, #tpu.memory_space<hbm>>
        %dma_wait3A_31 = tpu.memref_slice %arg3[%add3A_29] : memref<160000xi32, #tpu.memory_space<hbm>> -> memref<1000xi32, #tpu.memory_space<hbm>>
        tpu.wait_dma2 semaphore(%run_scoped3A : memref<!tpu.dma_semaphore, #tpu.memory_space<semaphore_mem>>) src(%dma_wait3A_31 : memref<1000xi32, #tpu.memory_space<hbm>>) dst(%arg10 : memref<1000xi32, #tpu.memory_space<vmem>>)
        tpu.yield
      }) : () -> ()
      "tpu.region"() ({
        %run_scoped3A = tpu.sem_alloc : memref<!tpu.dma_semaphore, #tpu.memory_space<semaphore_mem>>
        %dma_start3A = arith.constant 0 : i32
        %dma_start3A_30 = arith.constant 0 : i32
        %dma_start3A_31 = tpu.memref_slice %arg8[%dma_start3A, %dma_start3A_30] : memref<10240x16xf32, #tpu.memory_space<vmem_shared>> -> memref<10240x16xf32, #tpu.memory_space<vmem_shared>>
        tpu.enqueue_indirect_dma source(%arg9 : memref<1000x16xf32, #tpu.memory_space<vmem>>) target(%dma_start3A_31 : memref<10240x16xf32, #tpu.memory_space<vmem_shared>>) offsets(%arg10 : memref<1000xi32, #tpu.memory_space<vmem>>) semaphore(%run_scoped3A : memref<!tpu.dma_semaphore, #tpu.memory_space<semaphore_mem>>) {add = true}
        %dma_wait3A = arith.constant 0 : i32
        %dma_wait3A_32 = arith.constant 0 : i32
        %dma_wait3A_33 = tpu.memref_slice %arg8[%dma_wait3A, %dma_wait3A_32] : memref<10240x16xf32, #tpu.memory_space<vmem_shared>> -> memref<10240x16xf32, #tpu.memory_space<vmem_shared>>
        tpu.wait_indirect_dma semaphore(%run_scoped3A : memref<!tpu.dma_semaphore, #tpu.memory_space<semaphore_mem>>) src(%arg9 : memref<1000x16xf32, #tpu.memory_space<vmem>>) dst(%dma_wait3A_33 : memref<10240x16xf32, #tpu.memory_space<vmem_shared>>)
        tpu.yield
      }) : () -> ()
    }
    %scan3A_14 = arith.constant 5 : i32
    %barrier3A_15 = arith.constant 0 : index
    tpu.barrier barrier_id(%barrier3A_15)
    %eq3A_16 = arith.constant 0 : i32
    %eq3A_17 = arith.cmpi eq, %arg0, %eq3A_16 : i32
    %convert_element_type3A_18 = arith.extui %eq3A_17 : i1 to i32
    %cond3A_19 = arith.constant 0 : i32
    %cond3A_20 = arith.cmpi ne, %convert_element_type3A_18, %cond3A_19 : i32
    scf.if %cond3A_20 {
      %mul3A_26 = arith.constant 640 : i32
      %mul3A_27 = arith.muli %arg1, %mul3A_26 : i32
      %mul3A_28 = arith.constant 640 : i32
      %mul3A_29 = arith.muli %arg1, %mul3A_28 : i32
      "tpu.region"() ({
        %run_scoped3A = tpu.sem_alloc : memref<!tpu.dma_semaphore, #tpu.memory_space<semaphore_mem>>
        %dma_start3A = arith.constant 0 : i32
        %dma_start3A_30 = tpu.memref_slice %arg6[%mul3A_29, %dma_start3A] : memref<10240x16xf32, #tpu.memory_space<hbm>> -> memref<640x16xf32, #tpu.memory_space<hbm>>
        %dma_start3A_31 = arith.constant 0 : i32
        %dma_start3A_32 = tpu.memref_slice %arg8[%mul3A_27, %dma_start3A_31] : memref<10240x16xf32, #tpu.memory_space<vmem_shared>> -> memref<640x16xf32, #tpu.memory_space<vmem_shared>>
        tpu.enqueue_dma source(%dma_start3A_32 : memref<640x16xf32, #tpu.memory_space<vmem_shared>>) target(%dma_start3A_30 : memref<640x16xf32, #tpu.memory_space<hbm>>) target_semaphore(%run_scoped3A : memref<!tpu.dma_semaphore, #tpu.memory_space<semaphore_mem>>)
        %dma_wait3A = arith.constant 0 : i32
        %dma_wait3A_33 = tpu.memref_slice %arg6[%mul3A_29, %dma_wait3A] : memref<10240x16xf32, #tpu.memory_space<hbm>> -> memref<640x16xf32, #tpu.memory_space<hbm>>
        %dma_wait3A_34 = arith.constant 0 : i32
        %dma_wait3A_35 = tpu.memref_slice %arg8[%mul3A_27, %dma_wait3A_34] : memref<10240x16xf32, #tpu.memory_space<vmem_shared>> -> memref<640x16xf32, #tpu.memory_space<vmem_shared>>
        tpu.wait_dma2 semaphore(%run_scoped3A : memref<!tpu.dma_semaphore, #tpu.memory_space<semaphore_mem>>) src(%dma_wait3A_35 : memref<640x16xf32, #tpu.memory_space<vmem_shared>>) dst(%dma_wait3A_33 : memref<640x16xf32, #tpu.memory_space<hbm>>)
        tpu.yield
      }) : () -> ()
    } else {
    }
    %eq3A_21 = arith.constant 1 : i32
    %eq3A_22 = arith.cmpi eq, %arg0, %eq3A_21 : i32
    %convert_element_type3A_23 = arith.extui %eq3A_22 : i1 to i32
    %cond3A_24 = arith.constant 0 : i32
    %cond3A_25 = arith.cmpi ne, %convert_element_type3A_23, %cond3A_24 : i32
    scf.if %cond3A_25 {
      %mul3A_26 = arith.constant 640 : i32
      %mul3A_27 = arith.muli %arg1, %mul3A_26 : i32
      %mul3A_28 = arith.constant 640 : i32
      %mul3A_29 = arith.muli %arg1, %mul3A_28 : i32
      "tpu.region"() ({
        %run_scoped3A = tpu.sem_alloc : memref<!tpu.dma_semaphore, #tpu.memory_space<semaphore_mem>>
        %dma_start3A = arith.constant 0 : i32
        %dma_start3A_30 = tpu.memref_slice %arg7[%mul3A_29, %dma_start3A] : memref<10240x16xf32, #tpu.memory_space<hbm>> -> memref<640x16xf32, #tpu.memory_space<hbm>>
        %dma_start3A_31 = arith.constant 0 : i32
        %dma_start3A_32 = tpu.memref_slice %arg8[%mul3A_27, %dma_start3A_31] : memref<10240x16xf32, #tpu.memory_space<vmem_shared>> -> memref<640x16xf32, #tpu.memory_space<vmem_shared>>
        tpu.enqueue_dma source(%dma_start3A_32 : memref<640x16xf32, #tpu.memory_space<vmem_shared>>) target(%dma_start3A_30 : memref<640x16xf32, #tpu.memory_space<hbm>>) target_semaphore(%run_scoped3A : memref<!tpu.dma_semaphore, #tpu.memory_space<semaphore_mem>>)
        %dma_wait3A = arith.constant 0 : i32
        %dma_wait3A_33 = tpu.memref_slice %arg7[%mul3A_29, %dma_wait3A] : memref<10240x16xf32, #tpu.memory_space<hbm>> -> memref<640x16xf32, #tpu.memory_space<hbm>>
        %dma_wait3A_34 = arith.constant 0 : i32
        %dma_wait3A_35 = tpu.memref_slice %arg8[%mul3A_27, %dma_wait3A_34] : memref<10240x16xf32, #tpu.memory_space<vmem_shared>> -> memref<640x16xf32, #tpu.memory_space<vmem_shared>>
        tpu.wait_dma2 semaphore(%run_scoped3A : memref<!tpu.dma_semaphore, #tpu.memory_space<semaphore_mem>>) src(%dma_wait3A_35 : memref<640x16xf32, #tpu.memory_space<vmem_shared>>) dst(%dma_wait3A_33 : memref<640x16xf32, #tpu.memory_space<hbm>>)
        tpu.yield
      }) : () -> ()
    } else {
    }
    return
  }
}

#map = affine_map<(d0, d1) -> (0, 0)>
#map1 = affine_map<(d0, d1) -> (0)>
module attributes {stable_mosaic.version = 14 : i64} {
  func.func @_sc_scatter128_body(%arg0: i32, %arg1: i32, %arg2: memref<160000x128xf32, #tpu.memory_space<hbm>>, %arg3: memref<160000xi32, #tpu.memory_space<hbm>>, %arg4: memref<10240x128xf32, #tpu.memory_space<hbm>>, %arg5: memref<10240x128xf32, #tpu.memory_space<hbm>>, %arg6: memref<10240x128xf32, #tpu.memory_space<hbm>>, %arg7: memref<10240x128xf32, #tpu.memory_space<hbm>>, %arg8: memref<10240x128xf32, #tpu.memory_space<vmem_shared>>, %arg9: memref<40x128xf32, #tpu.memory_space<vmem>>, %arg10: memref<40x128xf32, #tpu.memory_space<vmem>>, %arg11: memref<40xi32, #tpu.memory_space<vmem>>, %arg12: memref<40xi32, #tpu.memory_space<vmem>>, %arg13: memref<!tpu.dma_semaphore, #tpu.memory_space<semaphore_mem>>, %arg14: memref<!tpu.dma_semaphore, #tpu.memory_space<semaphore_mem>>, %arg15: memref<!tpu.dma_semaphore, #tpu.memory_space<semaphore_mem>>, %arg16: memref<!tpu.dma_semaphore, #tpu.memory_space<semaphore_mem>>) attributes {dimension_semantics = [#tpu.dimension_semantics<core_parallel>, #tpu.dimension_semantics<subcore_parallel>], iteration_bounds = array<i64: 2, 16>, scalar_prefetch = 0 : i64, scratch_operands = 9 : i64, tpu.core_type = #tpu.core_type<sc_vector_subcore>, window_params = [{transform_indices = #map}, {transform_indices = #map1}, {transform_indices = #map}, {transform_indices = #map}, {transform_indices = #map}, {transform_indices = #map}]} {
    %eq3A = arith.constant 0 : i32
    %eq3A_0 = arith.cmpi eq, %arg0, %eq3A : i32
    %convert_element_type3A = arith.extui %eq3A_0 : i1 to i32
    %cond3A = arith.constant 0 : i32
    %cond3A_1 = arith.cmpi ne, %convert_element_type3A, %cond3A : i32
    scf.if %cond3A_1 {
      %mul3A_50 = arith.constant 640 : i32
      %mul3A_51 = arith.muli %arg1, %mul3A_50 : i32
      %mul3A_52 = arith.constant 640 : i32
      %mul3A_53 = arith.muli %arg1, %mul3A_52 : i32
      "tpu.region"() ({
        %run_scoped3A = tpu.sem_alloc : memref<!tpu.dma_semaphore, #tpu.memory_space<semaphore_mem>>
        %dma_start3A_54 = arith.constant 0 : i32
        %dma_start3A_55 = tpu.memref_slice %arg8[%mul3A_53, %dma_start3A_54] : memref<10240x128xf32, #tpu.memory_space<vmem_shared>> -> memref<640x128xf32, #tpu.memory_space<vmem_shared>>
        %dma_start3A_56 = arith.constant 0 : i32
        %dma_start3A_57 = tpu.memref_slice %arg4[%mul3A_51, %dma_start3A_56] : memref<10240x128xf32, #tpu.memory_space<hbm>> -> memref<640x128xf32, #tpu.memory_space<hbm>>
        tpu.enqueue_dma source(%dma_start3A_57 : memref<640x128xf32, #tpu.memory_space<hbm>>) target(%dma_start3A_55 : memref<640x128xf32, #tpu.memory_space<vmem_shared>>) target_semaphore(%run_scoped3A : memref<!tpu.dma_semaphore, #tpu.memory_space<semaphore_mem>>)
        %dma_wait3A_58 = arith.constant 0 : i32
        %dma_wait3A_59 = tpu.memref_slice %arg8[%mul3A_53, %dma_wait3A_58] : memref<10240x128xf32, #tpu.memory_space<vmem_shared>> -> memref<640x128xf32, #tpu.memory_space<vmem_shared>>
        %dma_wait3A_60 = arith.constant 0 : i32
        %dma_wait3A_61 = tpu.memref_slice %arg4[%mul3A_51, %dma_wait3A_60] : memref<10240x128xf32, #tpu.memory_space<hbm>> -> memref<640x128xf32, #tpu.memory_space<hbm>>
        tpu.wait_dma2 semaphore(%run_scoped3A : memref<!tpu.dma_semaphore, #tpu.memory_space<semaphore_mem>>) src(%dma_wait3A_61 : memref<640x128xf32, #tpu.memory_space<hbm>>) dst(%dma_wait3A_59 : memref<640x128xf32, #tpu.memory_space<vmem_shared>>)
        tpu.yield
      }) : () -> ()
    } else {
    }
    %eq3A_2 = arith.constant 1 : i32
    %eq3A_3 = arith.cmpi eq, %arg0, %eq3A_2 : i32
    %convert_element_type3A_4 = arith.extui %eq3A_3 : i1 to i32
    %cond3A_5 = arith.constant 0 : i32
    %cond3A_6 = arith.cmpi ne, %convert_element_type3A_4, %cond3A_5 : i32
    scf.if %cond3A_6 {
      %mul3A_50 = arith.constant 640 : i32
      %mul3A_51 = arith.muli %arg1, %mul3A_50 : i32
      %mul3A_52 = arith.constant 640 : i32
      %mul3A_53 = arith.muli %arg1, %mul3A_52 : i32
      "tpu.region"() ({
        %run_scoped3A = tpu.sem_alloc : memref<!tpu.dma_semaphore, #tpu.memory_space<semaphore_mem>>
        %dma_start3A_54 = arith.constant 0 : i32
        %dma_start3A_55 = tpu.memref_slice %arg8[%mul3A_53, %dma_start3A_54] : memref<10240x128xf32, #tpu.memory_space<vmem_shared>> -> memref<640x128xf32, #tpu.memory_space<vmem_shared>>
        %dma_start3A_56 = arith.constant 0 : i32
        %dma_start3A_57 = tpu.memref_slice %arg5[%mul3A_51, %dma_start3A_56] : memref<10240x128xf32, #tpu.memory_space<hbm>> -> memref<640x128xf32, #tpu.memory_space<hbm>>
        tpu.enqueue_dma source(%dma_start3A_57 : memref<640x128xf32, #tpu.memory_space<hbm>>) target(%dma_start3A_55 : memref<640x128xf32, #tpu.memory_space<vmem_shared>>) target_semaphore(%run_scoped3A : memref<!tpu.dma_semaphore, #tpu.memory_space<semaphore_mem>>)
        %dma_wait3A_58 = arith.constant 0 : i32
        %dma_wait3A_59 = tpu.memref_slice %arg8[%mul3A_53, %dma_wait3A_58] : memref<10240x128xf32, #tpu.memory_space<vmem_shared>> -> memref<640x128xf32, #tpu.memory_space<vmem_shared>>
        %dma_wait3A_60 = arith.constant 0 : i32
        %dma_wait3A_61 = tpu.memref_slice %arg5[%mul3A_51, %dma_wait3A_60] : memref<10240x128xf32, #tpu.memory_space<hbm>> -> memref<640x128xf32, #tpu.memory_space<hbm>>
        tpu.wait_dma2 semaphore(%run_scoped3A : memref<!tpu.dma_semaphore, #tpu.memory_space<semaphore_mem>>) src(%dma_wait3A_61 : memref<640x128xf32, #tpu.memory_space<hbm>>) dst(%dma_wait3A_59 : memref<640x128xf32, #tpu.memory_space<vmem_shared>>)
        tpu.yield
      }) : () -> ()
    } else {
    }
    %barrier3A = arith.constant 0 : index
    tpu.barrier barrier_id(%barrier3A)
    %mul3A = arith.constant 80000 : i32
    %mul3A_7 = arith.muli %arg0, %mul3A : i32
    %mul3A_8 = arith.constant 5000 : i32
    %mul3A_9 = arith.muli %arg1, %mul3A_8 : i32
    %add3A = arith.addi %mul3A_7, %mul3A_9 : i32
    %add3A_10 = arith.constant 0 : i32
    %add3A_11 = arith.addi %add3A, %add3A_10 : i32
    %dma_start3A = arith.constant 0 : i32
    %dma_start3A_12 = tpu.memref_slice %arg2[%add3A_11, %dma_start3A] : memref<160000x128xf32, #tpu.memory_space<hbm>> -> memref<40x128xf32, #tpu.memory_space<hbm>>
    %dma_start3A_13 = arith.constant 0 : i32
    %dma_start3A_14 = tpu.memref_slice %arg2[%add3A_11, %dma_start3A_13] : memref<160000x128xf32, #tpu.memory_space<hbm>> -> memref<40x128xf32, #tpu.memory_space<hbm>>
    tpu.enqueue_dma source(%dma_start3A_14 : memref<40x128xf32, #tpu.memory_space<hbm>>) target(%arg9 : memref<40x128xf32, #tpu.memory_space<vmem>>) target_semaphore(%arg13 : memref<!tpu.dma_semaphore, #tpu.memory_space<semaphore_mem>>)
    %dma_start3A_15 = tpu.memref_slice %arg3[%add3A_11] : memref<160000xi32, #tpu.memory_space<hbm>> -> memref<40xi32, #tpu.memory_space<hbm>>
    %dma_start3A_16 = tpu.memref_slice %arg3[%add3A_11] : memref<160000xi32, #tpu.memory_space<hbm>> -> memref<40xi32, #tpu.memory_space<hbm>>
    tpu.enqueue_dma source(%dma_start3A_16 : memref<40xi32, #tpu.memory_space<hbm>>) target(%arg11 : memref<40xi32, #tpu.memory_space<vmem>>) target_semaphore(%arg15 : memref<!tpu.dma_semaphore, #tpu.memory_space<semaphore_mem>>)
    %add3A_17 = arith.constant 40 : i32
    %add3A_18 = arith.addi %add3A, %add3A_17 : i32
    %dma_start3A_19 = arith.constant 0 : i32
    %dma_start3A_20 = tpu.memref_slice %arg2[%add3A_18, %dma_start3A_19] : memref<160000x128xf32, #tpu.memory_space<hbm>> -> memref<40x128xf32, #tpu.memory_space<hbm>>
    %dma_start3A_21 = arith.constant 0 : i32
    %dma_start3A_22 = tpu.memref_slice %arg2[%add3A_18, %dma_start3A_21] : memref<160000x128xf32, #tpu.memory_space<hbm>> -> memref<40x128xf32, #tpu.memory_space<hbm>>
    tpu.enqueue_dma source(%dma_start3A_22 : memref<40x128xf32, #tpu.memory_space<hbm>>) target(%arg10 : memref<40x128xf32, #tpu.memory_space<vmem>>) target_semaphore(%arg14 : memref<!tpu.dma_semaphore, #tpu.memory_space<semaphore_mem>>)
    %dma_start3A_23 = tpu.memref_slice %arg3[%add3A_18] : memref<160000xi32, #tpu.memory_space<hbm>> -> memref<40xi32, #tpu.memory_space<hbm>>
    %dma_start3A_24 = tpu.memref_slice %arg3[%add3A_18] : memref<160000xi32, #tpu.memory_space<hbm>> -> memref<40xi32, #tpu.memory_space<hbm>>
    tpu.enqueue_dma source(%dma_start3A_24 : memref<40xi32, #tpu.memory_space<hbm>>) target(%arg12 : memref<40xi32, #tpu.memory_space<vmem>>) target_semaphore(%arg16 : memref<!tpu.dma_semaphore, #tpu.memory_space<semaphore_mem>>)
    %scan3A = arith.constant 0 : i32
    %scan3A_25 = arith.constant 0 : i32
    %scan3A_26 = arith.constant 62 : i32
    %scan3A_27 = arith.addi %scan3A_25, %scan3A_26 : i32
    %scan3A_28 = arith.constant 1 : i32
    scf.for %scan3A_50 = %scan3A_25 to %scan3A_27 step %scan3A_28  : i32 {
      %dma_wait3A_51 = arith.constant 0 : i32
      %dma_wait3A_52 = arith.constant 0 : i32
      %dma_wait3A_53 = tpu.memref_slice %arg2[%dma_wait3A_51, %dma_wait3A_52] : memref<160000x128xf32, #tpu.memory_space<hbm>> -> memref<40x128xf32, #tpu.memory_space<hbm>>
      %dma_wait3A_54 = arith.constant 0 : i32
      %dma_wait3A_55 = arith.constant 0 : i32
      %dma_wait3A_56 = tpu.memref_slice %arg2[%dma_wait3A_54, %dma_wait3A_55] : memref<160000x128xf32, #tpu.memory_space<hbm>> -> memref<40x128xf32, #tpu.memory_space<hbm>>
      tpu.wait_dma2 semaphore(%arg13 : memref<!tpu.dma_semaphore, #tpu.memory_space<semaphore_mem>>) src(%dma_wait3A_56 : memref<40x128xf32, #tpu.memory_space<hbm>>) dst(%arg9 : memref<40x128xf32, #tpu.memory_space<vmem>>)
      %dma_wait3A_57 = arith.constant 0 : i32
      %dma_wait3A_58 = tpu.memref_slice %arg3[%dma_wait3A_57] : memref<160000xi32, #tpu.memory_space<hbm>> -> memref<40xi32, #tpu.memory_space<hbm>>
      %dma_wait3A_59 = arith.constant 0 : i32
      %dma_wait3A_60 = tpu.memref_slice %arg3[%dma_wait3A_59] : memref<160000xi32, #tpu.memory_space<hbm>> -> memref<40xi32, #tpu.memory_space<hbm>>
      tpu.wait_dma2 semaphore(%arg15 : memref<!tpu.dma_semaphore, #tpu.memory_space<semaphore_mem>>) src(%dma_wait3A_60 : memref<40xi32, #tpu.memory_space<hbm>>) dst(%arg11 : memref<40xi32, #tpu.memory_space<vmem>>)
      "tpu.region"() ({
        %run_scoped3A = tpu.sem_alloc : memref<!tpu.dma_semaphore, #tpu.memory_space<semaphore_mem>>
        %dma_start3A_88 = arith.constant 0 : i32
        %dma_start3A_89 = arith.constant 0 : i32
        %dma_start3A_90 = tpu.memref_slice %arg8[%dma_start3A_88, %dma_start3A_89] : memref<10240x128xf32, #tpu.memory_space<vmem_shared>> -> memref<10240x128xf32, #tpu.memory_space<vmem_shared>>
        tpu.enqueue_indirect_dma source(%arg9 : memref<40x128xf32, #tpu.memory_space<vmem>>) target(%dma_start3A_90 : memref<10240x128xf32, #tpu.memory_space<vmem_shared>>) offsets(%arg11 : memref<40xi32, #tpu.memory_space<vmem>>) semaphore(%run_scoped3A : memref<!tpu.dma_semaphore, #tpu.memory_space<semaphore_mem>>) {add = true}
        %dma_wait3A_91 = arith.constant 0 : i32
        %dma_wait3A_92 = arith.constant 0 : i32
        %dma_wait3A_93 = tpu.memref_slice %arg8[%dma_wait3A_91, %dma_wait3A_92] : memref<10240x128xf32, #tpu.memory_space<vmem_shared>> -> memref<10240x128xf32, #tpu.memory_space<vmem_shared>>
        tpu.wait_indirect_dma semaphore(%run_scoped3A : memref<!tpu.dma_semaphore, #tpu.memory_space<semaphore_mem>>) src(%arg9 : memref<40x128xf32, #tpu.memory_space<vmem>>) dst(%dma_wait3A_93 : memref<10240x128xf32, #tpu.memory_space<vmem_shared>>)
        tpu.yield
      }) : () -> ()
      %mul3A_61 = arith.constant 2 : i32
      %mul3A_62 = arith.muli %mul3A_61, %scan3A_50 : i32
      %add3A_63 = arith.constant 2 : i32
      %add3A_64 = arith.addi %mul3A_62, %add3A_63 : i32
      %lt3A = arith.constant 125 : i32
      %lt3A_65 = arith.cmpi slt, %add3A_64, %lt3A : i32
      %convert_element_type3A_66 = arith.extui %lt3A_65 : i1 to i32
      %cond3A_67 = arith.constant 0 : i32
      %cond3A_68 = arith.cmpi ne, %convert_element_type3A_66, %cond3A_67 : i32
      scf.if %cond3A_68 {
        %mul3A_88 = arith.constant 2 : i32
        %mul3A_89 = arith.muli %mul3A_88, %scan3A_50 : i32
        %add3A_90 = arith.constant 2 : i32
        %add3A_91 = arith.addi %mul3A_89, %add3A_90 : i32
        %mul3A_92 = arith.constant 40 : i32
        %mul3A_93 = arith.muli %add3A_91, %mul3A_92 : i32
        %add3A_94 = arith.addi %add3A, %mul3A_93 : i32
        %dma_start3A_95 = arith.constant 0 : i32
        %dma_start3A_96 = tpu.memref_slice %arg2[%add3A_94, %dma_start3A_95] : memref<160000x128xf32, #tpu.memory_space<hbm>> -> memref<40x128xf32, #tpu.memory_space<hbm>>
        %dma_start3A_97 = arith.constant 0 : i32
        %dma_start3A_98 = tpu.memref_slice %arg2[%add3A_94, %dma_start3A_97] : memref<160000x128xf32, #tpu.memory_space<hbm>> -> memref<40x128xf32, #tpu.memory_space<hbm>>
        tpu.enqueue_dma source(%dma_start3A_98 : memref<40x128xf32, #tpu.memory_space<hbm>>) target(%arg9 : memref<40x128xf32, #tpu.memory_space<vmem>>) target_semaphore(%arg13 : memref<!tpu.dma_semaphore, #tpu.memory_space<semaphore_mem>>)
        %dma_start3A_99 = tpu.memref_slice %arg3[%add3A_94] : memref<160000xi32, #tpu.memory_space<hbm>> -> memref<40xi32, #tpu.memory_space<hbm>>
        %dma_start3A_100 = tpu.memref_slice %arg3[%add3A_94] : memref<160000xi32, #tpu.memory_space<hbm>> -> memref<40xi32, #tpu.memory_space<hbm>>
        tpu.enqueue_dma source(%dma_start3A_100 : memref<40xi32, #tpu.memory_space<hbm>>) target(%arg11 : memref<40xi32, #tpu.memory_space<vmem>>) target_semaphore(%arg15 : memref<!tpu.dma_semaphore, #tpu.memory_space<semaphore_mem>>)
      } else {
      }
      %dma_wait3A_69 = arith.constant 0 : i32
      %dma_wait3A_70 = arith.constant 0 : i32
      %dma_wait3A_71 = tpu.memref_slice %arg2[%dma_wait3A_69, %dma_wait3A_70] : memref<160000x128xf32, #tpu.memory_space<hbm>> -> memref<40x128xf32, #tpu.memory_space<hbm>>
      %dma_wait3A_72 = arith.constant 0 : i32
      %dma_wait3A_73 = arith.constant 0 : i32
      %dma_wait3A_74 = tpu.memref_slice %arg2[%dma_wait3A_72, %dma_wait3A_73] : memref<160000x128xf32, #tpu.memory_space<hbm>> -> memref<40x128xf32, #tpu.memory_space<hbm>>
      tpu.wait_dma2 semaphore(%arg14 : memref<!tpu.dma_semaphore, #tpu.memory_space<semaphore_mem>>) src(%dma_wait3A_74 : memref<40x128xf32, #tpu.memory_space<hbm>>) dst(%arg10 : memref<40x128xf32, #tpu.memory_space<vmem>>)
      %dma_wait3A_75 = arith.constant 0 : i32
      %dma_wait3A_76 = tpu.memref_slice %arg3[%dma_wait3A_75] : memref<160000xi32, #tpu.memory_space<hbm>> -> memref<40xi32, #tpu.memory_space<hbm>>
      %dma_wait3A_77 = arith.constant 0 : i32
      %dma_wait3A_78 = tpu.memref_slice %arg3[%dma_wait3A_77] : memref<160000xi32, #tpu.memory_space<hbm>> -> memref<40xi32, #tpu.memory_space<hbm>>
      tpu.wait_dma2 semaphore(%arg16 : memref<!tpu.dma_semaphore, #tpu.memory_space<semaphore_mem>>) src(%dma_wait3A_78 : memref<40xi32, #tpu.memory_space<hbm>>) dst(%arg12 : memref<40xi32, #tpu.memory_space<vmem>>)
      "tpu.region"() ({
        %run_scoped3A = tpu.sem_alloc : memref<!tpu.dma_semaphore, #tpu.memory_space<semaphore_mem>>
        %dma_start3A_88 = arith.constant 0 : i32
        %dma_start3A_89 = arith.constant 0 : i32
        %dma_start3A_90 = tpu.memref_slice %arg8[%dma_start3A_88, %dma_start3A_89] : memref<10240x128xf32, #tpu.memory_space<vmem_shared>> -> memref<10240x128xf32, #tpu.memory_space<vmem_shared>>
        tpu.enqueue_indirect_dma source(%arg10 : memref<40x128xf32, #tpu.memory_space<vmem>>) target(%dma_start3A_90 : memref<10240x128xf32, #tpu.memory_space<vmem_shared>>) offsets(%arg12 : memref<40xi32, #tpu.memory_space<vmem>>) semaphore(%run_scoped3A : memref<!tpu.dma_semaphore, #tpu.memory_space<semaphore_mem>>) {add = true}
        %dma_wait3A_91 = arith.constant 0 : i32
        %dma_wait3A_92 = arith.constant 0 : i32
        %dma_wait3A_93 = tpu.memref_slice %arg8[%dma_wait3A_91, %dma_wait3A_92] : memref<10240x128xf32, #tpu.memory_space<vmem_shared>> -> memref<10240x128xf32, #tpu.memory_space<vmem_shared>>
        tpu.wait_indirect_dma semaphore(%run_scoped3A : memref<!tpu.dma_semaphore, #tpu.memory_space<semaphore_mem>>) src(%arg10 : memref<40x128xf32, #tpu.memory_space<vmem>>) dst(%dma_wait3A_93 : memref<10240x128xf32, #tpu.memory_space<vmem_shared>>)
        tpu.yield
      }) : () -> ()
      %mul3A_79 = arith.constant 2 : i32
      %mul3A_80 = arith.muli %mul3A_79, %scan3A_50 : i32
      %add3A_81 = arith.constant 3 : i32
      %add3A_82 = arith.addi %mul3A_80, %add3A_81 : i32
      %lt3A_83 = arith.constant 125 : i32
      %lt3A_84 = arith.cmpi slt, %add3A_82, %lt3A_83 : i32
      %convert_element_type3A_85 = arith.extui %lt3A_84 : i1 to i32
      %cond3A_86 = arith.constant 0 : i32
      %cond3A_87 = arith.cmpi ne, %convert_element_type3A_85, %cond3A_86 : i32
      scf.if %cond3A_87 {
        %mul3A_88 = arith.constant 2 : i32
        %mul3A_89 = arith.muli %mul3A_88, %scan3A_50 : i32
        %add3A_90 = arith.constant 3 : i32
        %add3A_91 = arith.addi %mul3A_89, %add3A_90 : i32
        %mul3A_92 = arith.constant 40 : i32
        %mul3A_93 = arith.muli %add3A_91, %mul3A_92 : i32
        %add3A_94 = arith.addi %add3A, %mul3A_93 : i32
        %dma_start3A_95 = arith.constant 0 : i32
        %dma_start3A_96 = tpu.memref_slice %arg2[%add3A_94, %dma_start3A_95] : memref<160000x128xf32, #tpu.memory_space<hbm>> -> memref<40x128xf32, #tpu.memory_space<hbm>>
        %dma_start3A_97 = arith.constant 0 : i32
        %dma_start3A_98 = tpu.memref_slice %arg2[%add3A_94, %dma_start3A_97] : memref<160000x128xf32, #tpu.memory_space<hbm>> -> memref<40x128xf32, #tpu.memory_space<hbm>>
        tpu.enqueue_dma source(%dma_start3A_98 : memref<40x128xf32, #tpu.memory_space<hbm>>) target(%arg10 : memref<40x128xf32, #tpu.memory_space<vmem>>) target_semaphore(%arg14 : memref<!tpu.dma_semaphore, #tpu.memory_space<semaphore_mem>>)
        %dma_start3A_99 = tpu.memref_slice %arg3[%add3A_94] : memref<160000xi32, #tpu.memory_space<hbm>> -> memref<40xi32, #tpu.memory_space<hbm>>
        %dma_start3A_100 = tpu.memref_slice %arg3[%add3A_94] : memref<160000xi32, #tpu.memory_space<hbm>> -> memref<40xi32, #tpu.memory_space<hbm>>
        tpu.enqueue_dma source(%dma_start3A_100 : memref<40xi32, #tpu.memory_space<hbm>>) target(%arg12 : memref<40xi32, #tpu.memory_space<vmem>>) target_semaphore(%arg16 : memref<!tpu.dma_semaphore, #tpu.memory_space<semaphore_mem>>)
      } else {
      }
    }
    %scan3A_29 = arith.constant 62 : i32
    %dma_wait3A = arith.constant 0 : i32
    %dma_wait3A_30 = arith.constant 0 : i32
    %dma_wait3A_31 = tpu.memref_slice %arg2[%dma_wait3A, %dma_wait3A_30] : memref<160000x128xf32, #tpu.memory_space<hbm>> -> memref<40x128xf32, #tpu.memory_space<hbm>>
    %dma_wait3A_32 = arith.constant 0 : i32
    %dma_wait3A_33 = arith.constant 0 : i32
    %dma_wait3A_34 = tpu.memref_slice %arg2[%dma_wait3A_32, %dma_wait3A_33] : memref<160000x128xf32, #tpu.memory_space<hbm>> -> memref<40x128xf32, #tpu.memory_space<hbm>>
    tpu.wait_dma2 semaphore(%arg13 : memref<!tpu.dma_semaphore, #tpu.memory_space<semaphore_mem>>) src(%dma_wait3A_34 : memref<40x128xf32, #tpu.memory_space<hbm>>) dst(%arg9 : memref<40x128xf32, #tpu.memory_space<vmem>>)
    %dma_wait3A_35 = arith.constant 0 : i32
    %dma_wait3A_36 = tpu.memref_slice %arg3[%dma_wait3A_35] : memref<160000xi32, #tpu.memory_space<hbm>> -> memref<40xi32, #tpu.memory_space<hbm>>
    %dma_wait3A_37 = arith.constant 0 : i32
    %dma_wait3A_38 = tpu.memref_slice %arg3[%dma_wait3A_37] : memref<160000xi32, #tpu.memory_space<hbm>> -> memref<40xi32, #tpu.memory_space<hbm>>
    tpu.wait_dma2 semaphore(%arg15 : memref<!tpu.dma_semaphore, #tpu.memory_space<semaphore_mem>>) src(%dma_wait3A_38 : memref<40xi32, #tpu.memory_space<hbm>>) dst(%arg11 : memref<40xi32, #tpu.memory_space<vmem>>)
    "tpu.region"() ({
      %run_scoped3A = tpu.sem_alloc : memref<!tpu.dma_semaphore, #tpu.memory_space<semaphore_mem>>
      %dma_start3A_50 = arith.constant 0 : i32
      %dma_start3A_51 = arith.constant 0 : i32
      %dma_start3A_52 = tpu.memref_slice %arg8[%dma_start3A_50, %dma_start3A_51] : memref<10240x128xf32, #tpu.memory_space<vmem_shared>> -> memref<10240x128xf32, #tpu.memory_space<vmem_shared>>
      tpu.enqueue_indirect_dma source(%arg9 : memref<40x128xf32, #tpu.memory_space<vmem>>) target(%dma_start3A_52 : memref<10240x128xf32, #tpu.memory_space<vmem_shared>>) offsets(%arg11 : memref<40xi32, #tpu.memory_space<vmem>>) semaphore(%run_scoped3A : memref<!tpu.dma_semaphore, #tpu.memory_space<semaphore_mem>>) {add = true}
      %dma_wait3A_53 = arith.constant 0 : i32
      %dma_wait3A_54 = arith.constant 0 : i32
      %dma_wait3A_55 = tpu.memref_slice %arg8[%dma_wait3A_53, %dma_wait3A_54] : memref<10240x128xf32, #tpu.memory_space<vmem_shared>> -> memref<10240x128xf32, #tpu.memory_space<vmem_shared>>
      tpu.wait_indirect_dma semaphore(%run_scoped3A : memref<!tpu.dma_semaphore, #tpu.memory_space<semaphore_mem>>) src(%arg9 : memref<40x128xf32, #tpu.memory_space<vmem>>) dst(%dma_wait3A_55 : memref<10240x128xf32, #tpu.memory_space<vmem_shared>>)
      tpu.yield
    }) : () -> ()
    %barrier3A_39 = arith.constant 0 : index
    tpu.barrier barrier_id(%barrier3A_39)
    %eq3A_40 = arith.constant 0 : i32
    %eq3A_41 = arith.cmpi eq, %arg0, %eq3A_40 : i32
    %convert_element_type3A_42 = arith.extui %eq3A_41 : i1 to i32
    %cond3A_43 = arith.constant 0 : i32
    %cond3A_44 = arith.cmpi ne, %convert_element_type3A_42, %cond3A_43 : i32
    scf.if %cond3A_44 {
      %mul3A_50 = arith.constant 640 : i32
      %mul3A_51 = arith.muli %arg1, %mul3A_50 : i32
      %mul3A_52 = arith.constant 640 : i32
      %mul3A_53 = arith.muli %arg1, %mul3A_52 : i32
      "tpu.region"() ({
        %run_scoped3A = tpu.sem_alloc : memref<!tpu.dma_semaphore, #tpu.memory_space<semaphore_mem>>
        %dma_start3A_54 = arith.constant 0 : i32
        %dma_start3A_55 = tpu.memref_slice %arg6[%mul3A_53, %dma_start3A_54] : memref<10240x128xf32, #tpu.memory_space<hbm>> -> memref<640x128xf32, #tpu.memory_space<hbm>>
        %dma_start3A_56 = arith.constant 0 : i32
        %dma_start3A_57 = tpu.memref_slice %arg8[%mul3A_51, %dma_start3A_56] : memref<10240x128xf32, #tpu.memory_space<vmem_shared>> -> memref<640x128xf32, #tpu.memory_space<vmem_shared>>
        tpu.enqueue_dma source(%dma_start3A_57 : memref<640x128xf32, #tpu.memory_space<vmem_shared>>) target(%dma_start3A_55 : memref<640x128xf32, #tpu.memory_space<hbm>>) target_semaphore(%run_scoped3A : memref<!tpu.dma_semaphore, #tpu.memory_space<semaphore_mem>>)
        %dma_wait3A_58 = arith.constant 0 : i32
        %dma_wait3A_59 = tpu.memref_slice %arg6[%mul3A_53, %dma_wait3A_58] : memref<10240x128xf32, #tpu.memory_space<hbm>> -> memref<640x128xf32, #tpu.memory_space<hbm>>
        %dma_wait3A_60 = arith.constant 0 : i32
        %dma_wait3A_61 = tpu.memref_slice %arg8[%mul3A_51, %dma_wait3A_60] : memref<10240x128xf32, #tpu.memory_space<vmem_shared>> -> memref<640x128xf32, #tpu.memory_space<vmem_shared>>
        tpu.wait_dma2 semaphore(%run_scoped3A : memref<!tpu.dma_semaphore, #tpu.memory_space<semaphore_mem>>) src(%dma_wait3A_61 : memref<640x128xf32, #tpu.memory_space<vmem_shared>>) dst(%dma_wait3A_59 : memref<640x128xf32, #tpu.memory_space<hbm>>)
        tpu.yield
      }) : () -> ()
    } else {
    }
    %eq3A_45 = arith.constant 1 : i32
    %eq3A_46 = arith.cmpi eq, %arg0, %eq3A_45 : i32
    %convert_element_type3A_47 = arith.extui %eq3A_46 : i1 to i32
    %cond3A_48 = arith.constant 0 : i32
    %cond3A_49 = arith.cmpi ne, %convert_element_type3A_47, %cond3A_48 : i32
    scf.if %cond3A_49 {
      %mul3A_50 = arith.constant 640 : i32
      %mul3A_51 = arith.muli %arg1, %mul3A_50 : i32
      %mul3A_52 = arith.constant 640 : i32
      %mul3A_53 = arith.muli %arg1, %mul3A_52 : i32
      "tpu.region"() ({
        %run_scoped3A = tpu.sem_alloc : memref<!tpu.dma_semaphore, #tpu.memory_space<semaphore_mem>>
        %dma_start3A_54 = arith.constant 0 : i32
        %dma_start3A_55 = tpu.memref_slice %arg7[%mul3A_53, %dma_start3A_54] : memref<10240x128xf32, #tpu.memory_space<hbm>> -> memref<640x128xf32, #tpu.memory_space<hbm>>
        %dma_start3A_56 = arith.constant 0 : i32
        %dma_start3A_57 = tpu.memref_slice %arg8[%mul3A_51, %dma_start3A_56] : memref<10240x128xf32, #tpu.memory_space<vmem_shared>> -> memref<640x128xf32, #tpu.memory_space<vmem_shared>>
        tpu.enqueue_dma source(%dma_start3A_57 : memref<640x128xf32, #tpu.memory_space<vmem_shared>>) target(%dma_start3A_55 : memref<640x128xf32, #tpu.memory_space<hbm>>) target_semaphore(%run_scoped3A : memref<!tpu.dma_semaphore, #tpu.memory_space<semaphore_mem>>)
        %dma_wait3A_58 = arith.constant 0 : i32
        %dma_wait3A_59 = tpu.memref_slice %arg7[%mul3A_53, %dma_wait3A_58] : memref<10240x128xf32, #tpu.memory_space<hbm>> -> memref<640x128xf32, #tpu.memory_space<hbm>>
        %dma_wait3A_60 = arith.constant 0 : i32
        %dma_wait3A_61 = tpu.memref_slice %arg8[%mul3A_51, %dma_wait3A_60] : memref<10240x128xf32, #tpu.memory_space<vmem_shared>> -> memref<640x128xf32, #tpu.memory_space<vmem_shared>>
        tpu.wait_dma2 semaphore(%run_scoped3A : memref<!tpu.dma_semaphore, #tpu.memory_space<semaphore_mem>>) src(%dma_wait3A_61 : memref<640x128xf32, #tpu.memory_space<vmem_shared>>) dst(%dma_wait3A_59 : memref<640x128xf32, #tpu.memory_space<hbm>>)
        tpu.yield
      }) : () -> ()
    } else {
    }
    return
  }
}

module attributes {stable_mosaic.version = 14 : i64} {
  func.func @_tc_edge_body(%arg0: i32, %arg1: memref<1x1x6400xf32, #tpu.memory_space<vmem>>, %arg2: memref<1x1x6400xf32, #tpu.memory_space<vmem>>, %arg3: memref<1x1x6400xf32, #tpu.memory_space<vmem>>, %arg4: memref<1x1x6400xf32, #tpu.memory_space<vmem>>, %arg5: memref<1x1x6400xf32, #tpu.memory_space<vmem>>, %arg6: memref<1x1x6400xf32, #tpu.memory_space<vmem>>, %arg7: memref<1x1x6400xf32, #tpu.memory_space<vmem>>, %arg8: memref<10x16xf32, #tpu.memory_space<vmem>>, %arg9: memref<8x96xf32, #tpu.memory_space<vmem>>, %arg10: memref<1x96xf32, #tpu.memory_space<vmem>>, %arg11: memref<96x96xf32, #tpu.memory_space<vmem>>, %arg12: memref<1x96xf32, #tpu.memory_space<vmem>>, %arg13: memref<96x48xf32, #tpu.memory_space<vmem>>, %arg14: memref<1x48xf32, #tpu.memory_space<vmem>>, %arg15: memref<4x9xf32, #tpu.memory_space<vmem>>, %arg16: memref<4x9xf32, #tpu.memory_space<vmem>>, %arg17: memref<1x9xf32, #tpu.memory_space<vmem>>, %arg18: memref<9x144xf32, #tpu.memory_space<vmem>>, %arg19: memref<48x144xf32, #tpu.memory_space<vmem>>, %arg20: memref<16x48xf32, #tpu.memory_space<vmem>>, %arg21: memref<8x6400xf32, #tpu.memory_space<vmem>>, %arg22: memref<9x6400xf32, #tpu.memory_space<vmem>>, %arg23: memref<6400x128xf32, #tpu.memory_space<vmem>>, %arg24: memref<6400x16xf32, #tpu.memory_space<vmem>>) attributes {dimension_semantics = [#tpu.dimension_semantics<arbitrary>], iteration_bounds = array<i64: 25>, scalar_prefetch = 0 : i64, scratch_operands = 0 : i64, tpu.core_type = #tpu.core_type<tc>, window_params = [{transform_indices = @transform_0, window_bounds = array<i64: 1, 1, 6400>}, {transform_indices = @transform_1, window_bounds = array<i64: 1, 1, 6400>}, {transform_indices = @transform_2, window_bounds = array<i64: 1, 1, 6400>}, {transform_indices = @transform_3, window_bounds = array<i64: 1, 1, 6400>}, {transform_indices = @transform_4, window_bounds = array<i64: 1, 1, 6400>}, {transform_indices = @transform_5, window_bounds = array<i64: 1, 1, 6400>}, {transform_indices = @transform_6, window_bounds = array<i64: 1, 1, 6400>}, {pipeline_mode = #tpu.pipeline_mode<synchronous>, transform_indices = @transform_7, window_bounds = array<i64: 10, 16>}, {pipeline_mode = #tpu.pipeline_mode<synchronous>, transform_indices = @transform_8, window_bounds = array<i64: 8, 96>}, {pipeline_mode = #tpu.pipeline_mode<synchronous>, transform_indices = @transform_9, window_bounds = array<i64: 1, 96>}, {pipeline_mode = #tpu.pipeline_mode<synchronous>, transform_indices = @transform_10, window_bounds = array<i64: 96, 96>}, {pipeline_mode = #tpu.pipeline_mode<synchronous>, transform_indices = @transform_11, window_bounds = array<i64: 1, 96>}, {pipeline_mode = #tpu.pipeline_mode<synchronous>, transform_indices = @transform_12, window_bounds = array<i64: 96, 48>}, {pipeline_mode = #tpu.pipeline_mode<synchronous>, transform_indices = @transform_13, window_bounds = array<i64: 1, 48>}, {pipeline_mode = #tpu.pipeline_mode<synchronous>, transform_indices = @transform_14, window_bounds = array<i64: 4, 9>}, {pipeline_mode = #tpu.pipeline_mode<synchronous>, transform_indices = @transform_15, window_bounds = array<i64: 4, 9>}, {pipeline_mode = #tpu.pipeline_mode<synchronous>, transform_indices = @transform_16, window_bounds = array<i64: 1, 9>}, {pipeline_mode = #tpu.pipeline_mode<synchronous>, transform_indices = @transform_17, window_bounds = array<i64: 9, 144>}, {pipeline_mode = #tpu.pipeline_mode<synchronous>, transform_indices = @transform_18, window_bounds = array<i64: 48, 144>}, {pipeline_mode = #tpu.pipeline_mode<synchronous>, transform_indices = @transform_19, window_bounds = array<i64: 16, 48>}, {transform_indices = @transform_20, window_bounds = array<i64: 8, 6400>}, {transform_indices = @transform_21, window_bounds = array<i64: 9, 6400>}, {transform_indices = @transform_22, window_bounds = array<i64: 6400, 128>}, {transform_indices = @transform_23, window_bounds = array<i64: 6400, 16>}]} {
    %get3A = arith.constant 0 : index
    %get3A_0 = arith.constant 0 : index
    %get3A_1 = arith.constant 0 : index
    %get3A_2 = vector.load %arg1[%get3A, %get3A_0, %get3A_1] : memref<1x1x6400xf32, #tpu.memory_space<vmem>>, vector<1x1x6400xf32>
    %get3A_3 = vector.shape_cast %get3A_2 : vector<1x1x6400xf32> to vector<6400xf32>
    %get3A_4 = arith.constant 0 : index
    %get3A_5 = arith.constant 0 : index
    %get3A_6 = arith.constant 0 : index
    %get3A_7 = vector.load %arg4[%get3A_4, %get3A_5, %get3A_6] : memref<1x1x6400xf32, #tpu.memory_space<vmem>>, vector<1x1x6400xf32>
    %get3A_8 = vector.shape_cast %get3A_7 : vector<1x1x6400xf32> to vector<6400xf32>
    %add3A = arith.addf %get3A_3, %get3A_8 : vector<6400xf32>
    %get3A_9 = arith.constant 0 : index
    %get3A_10 = arith.constant 0 : index
    %get3A_11 = arith.constant 0 : index
    %get3A_12 = vector.load %arg2[%get3A_9, %get3A_10, %get3A_11] : memref<1x1x6400xf32, #tpu.memory_space<vmem>>, vector<1x1x6400xf32>
    %get3A_13 = vector.shape_cast %get3A_12 : vector<1x1x6400xf32> to vector<6400xf32>
    %get3A_14 = arith.constant 0 : index
    %get3A_15 = arith.constant 0 : index
    %get3A_16 = arith.constant 0 : index
    %get3A_17 = vector.load %arg5[%get3A_14, %get3A_15, %get3A_16] : memref<1x1x6400xf32, #tpu.memory_space<vmem>>, vector<1x1x6400xf32>
    %get3A_18 = vector.shape_cast %get3A_17 : vector<1x1x6400xf32> to vector<6400xf32>
    %add3A_19 = arith.addf %get3A_13, %get3A_18 : vector<6400xf32>
    %get3A_20 = arith.constant 0 : index
    %get3A_21 = arith.constant 0 : index
    %get3A_22 = arith.constant 0 : index
    %get3A_23 = vector.load %arg3[%get3A_20, %get3A_21, %get3A_22] : memref<1x1x6400xf32, #tpu.memory_space<vmem>>, vector<1x1x6400xf32>
    %get3A_24 = vector.shape_cast %get3A_23 : vector<1x1x6400xf32> to vector<6400xf32>
    %get3A_25 = arith.constant 0 : index
    %get3A_26 = arith.constant 0 : index
    %get3A_27 = arith.constant 0 : index
    %get3A_28 = vector.load %arg6[%get3A_25, %get3A_26, %get3A_27] : memref<1x1x6400xf32, #tpu.memory_space<vmem>>, vector<1x1x6400xf32>
    %get3A_29 = vector.shape_cast %get3A_28 : vector<1x1x6400xf32> to vector<6400xf32>
    %add3A_30 = arith.addf %get3A_24, %get3A_29 : vector<6400xf32>
    %mul3A = arith.mulf %add3A, %add3A : vector<6400xf32>
    %mul3A_31 = arith.mulf %add3A_19, %add3A_19 : vector<6400xf32>
    %add3A_32 = arith.addf %mul3A, %mul3A_31 : vector<6400xf32>
    %mul3A_33 = arith.mulf %add3A_30, %add3A_30 : vector<6400xf32>
    %add3A_34 = arith.addf %add3A_32, %mul3A_33 : vector<6400xf32>
    %add3A_35 = arith.constant 9.99999996E-13 : f32
    %add3A_36 = vector.broadcast %add3A_35 : f32 to vector<6400xf32>
    %add3A_37 = arith.addf %add3A_34, %add3A_36 : vector<6400xf32>
    %sqrt3A = math.sqrt %add3A_37 : vector<6400xf32>
    %div3A = arith.constant 1.000000e+00 : f32
    %div3A_38 = vector.broadcast %div3A : f32 to vector<6400xf32>
    %div3A_39 = arith.divf %div3A_38, %sqrt3A : vector<6400xf32>
    %mul3A_40 = arith.constant 3.14159274 : f32
    %mul3A_41 = vector.broadcast %mul3A_40 : f32 to vector<6400xf32>
    %mul3A_42 = arith.mulf %mul3A_41, %sqrt3A : vector<6400xf32>
    %div3A_43 = arith.constant 5.000000e+00 : f32
    %div3A_44 = vector.broadcast %div3A_43 : f32 to vector<6400xf32>
    %div3A_45 = arith.divf %mul3A_42, %div3A_44 : vector<6400xf32>
    %cos3A = math.cos %div3A_45 : vector<6400xf32>
    %add3A_46 = arith.constant 1.000000e+00 : f32
    %add3A_47 = vector.broadcast %add3A_46 : f32 to vector<6400xf32>
    %add3A_48 = arith.addf %cos3A, %add3A_47 : vector<6400xf32>
    %mul3A_49 = arith.constant 5.000000e-01 : f32
    %mul3A_50 = vector.broadcast %mul3A_49 : f32 to vector<6400xf32>
    %mul3A_51 = arith.mulf %mul3A_50, %add3A_48 : vector<6400xf32>
    %lt3A = arith.constant 5.000000e+00 : f32
    %lt3A_52 = vector.broadcast %lt3A : f32 to vector<6400xf32>
    %lt3A_53 = arith.cmpf olt, %sqrt3A, %lt3A_52 : vector<6400xf32>
    %convert_element_type3A = arith.extui %lt3A_53 : vector<6400xi1> to vector<6400xi32>
    %convert_element_type3A_54 = arith.sitofp %convert_element_type3A : vector<6400xi32> to vector<6400xf32>
    %mul3A_55 = arith.mulf %mul3A_51, %convert_element_type3A_54 : vector<6400xf32>
    %reshape3A = vector.shape_cast %sqrt3A : vector<6400xf32> to vector<1x6400xf32>
    %reshape3A_56 = vector.shape_cast %div3A_39 : vector<6400xf32> to vector<1x6400xf32>
    %reshape3A_57 = vector.shape_cast %mul3A_55 : vector<6400xf32> to vector<1x6400xf32>
    %iota3A = tpu.iota {dimensions = array<i32: 0>} : vector<8x1xi32>
    %convert_element_type3A_58 = arith.sitofp %iota3A : vector<8x1xi32> to vector<8x1xf32>
    %add3A_59 = arith.constant 1.000000e+00 : f32
    %add3A_60 = vector.broadcast %add3A_59 : f32 to vector<8x1xf32>
    %add3A_61 = arith.addf %convert_element_type3A_58, %add3A_60 : vector<8x1xf32>
    %mul3A_62 = arith.constant 0.628318548 : f32
    %mul3A_63 = vector.broadcast %mul3A_62 : f32 to vector<8x1xf32>
    %mul3A_64 = arith.mulf %add3A_61, %mul3A_63 : vector<8x1xf32>
    %mul3A_65 = vector.broadcast %mul3A_64 : vector<8x1xf32> to vector<8x6400xf32>
    %mul3A_66 = vector.broadcast %reshape3A : vector<1x6400xf32> to vector<8x6400xf32>
    %mul3A_67 = arith.mulf %mul3A_65, %mul3A_66 : vector<8x6400xf32>
    %sin3A = math.sin %mul3A_67 : vector<8x6400xf32>
    %mul3A_68 = arith.constant 0.632455527 : f32
    %mul3A_69 = vector.broadcast %mul3A_68 : f32 to vector<8x6400xf32>
    %mul3A_70 = arith.mulf %mul3A_69, %sin3A : vector<8x6400xf32>
    %mul3A_71 = vector.broadcast %reshape3A_56 : vector<1x6400xf32> to vector<8x6400xf32>
    %mul3A_72 = arith.mulf %mul3A_70, %mul3A_71 : vector<8x6400xf32>
    %mul3A_73 = vector.broadcast %reshape3A_57 : vector<1x6400xf32> to vector<8x6400xf32>
    %mul3A_74 = arith.mulf %mul3A_72, %mul3A_73 : vector<8x6400xf32>
    %swap3A = arith.constant 0 : index
    %swap3A_75 = arith.constant 0 : index
    %swap3A_76 = vector.load %arg21[%swap3A, %swap3A_75] : memref<8x6400xf32, #tpu.memory_space<vmem>>, vector<8x6400xf32>
    tpu.vector_store %arg21[%swap3A, %swap3A_75], %mul3A_74 {strides = array<i32>} : memref<8x6400xf32, #tpu.memory_space<vmem>>, vector<8x6400xf32>,
    %mul3A_77 = arith.mulf %add3A, %div3A_39 : vector<6400xf32>
    %reshape3A_78 = vector.shape_cast %mul3A_77 : vector<6400xf32> to vector<1x6400xf32>
    %mul3A_79 = arith.mulf %add3A_19, %div3A_39 : vector<6400xf32>
    %reshape3A_80 = vector.shape_cast %mul3A_79 : vector<6400xf32> to vector<1x6400xf32>
    %mul3A_81 = arith.mulf %add3A_30, %div3A_39 : vector<6400xf32>
    %reshape3A_82 = vector.shape_cast %mul3A_81 : vector<6400xf32> to vector<1x6400xf32>
    %broadcast_in_dim3A = arith.constant 1.000000e+00 : f32
    %broadcast_in_dim3A_83 = vector.broadcast %broadcast_in_dim3A : f32 to vector<1x6400xf32>
    %concatenate3A = tpu.concatenate %broadcast_in_dim3A_83, %reshape3A_78, %reshape3A_80, %reshape3A_82 in 0 : vector<1x6400xf32>, vector<1x6400xf32>, vector<1x6400xf32>, vector<1x6400xf32> -> vector<4x6400xf32>
    %get3A_84 = arith.constant 0 : index
    %get3A_85 = arith.constant 0 : index
    %get3A_86 = vector.load %arg15[%get3A_84, %get3A_85] : memref<4x9xf32, #tpu.memory_space<vmem>>, vector<4x9xf32>
    %dot_general3A = arith.constant dense<0.000000e+00> : vector<6400x9xf32>
    %dot_general3A_87 = tpu.matmul %concatenate3A, %get3A_86, %dot_general3A {dimension_numbers = #tpu.dot_dimension_numbers<[0], [0], [1], [1], [0, 1, 1, 1], [], []>, transpose_lhs_hint = false} : vector<4x6400xf32>, vector<4x9xf32>, vector<6400x9xf32> -> vector<6400x9xf32>
    %get3A_88 = arith.constant 0 : index
    %get3A_89 = arith.constant 0 : index
    %get3A_90 = vector.load %arg16[%get3A_88, %get3A_89] : memref<4x9xf32, #tpu.memory_space<vmem>>, vector<4x9xf32>
    %dot_general3A_91 = arith.constant dense<0.000000e+00> : vector<6400x9xf32>
    %dot_general3A_92 = tpu.matmul %concatenate3A, %get3A_90, %dot_general3A_91 {dimension_numbers = #tpu.dot_dimension_numbers<[0], [0], [1], [1], [0, 1, 1, 1], [], []>, transpose_lhs_hint = false} : vector<4x6400xf32>, vector<4x9xf32>, vector<6400x9xf32> -> vector<6400x9xf32>
    %mul3A_93 = arith.mulf %dot_general3A_87, %dot_general3A_92 : vector<6400x9xf32>
    %get3A_94 = arith.constant 0 : index
    %get3A_95 = arith.constant 0 : index
    %get3A_96 = vector.load %arg17[%get3A_94, %get3A_95] : memref<1x9xf32, #tpu.memory_space<vmem>>, vector<1x9xf32>
    %get3A_97 = vector.shape_cast %get3A_96 : vector<1x9xf32> to vector<9xf32>
    %broadcast_in_dim3A_98 = vector.shape_cast %get3A_97 : vector<9xf32> to vector<1x9xf32>
    %add3A_99 = vector.broadcast %broadcast_in_dim3A_98 : vector<1x9xf32> to vector<6400x9xf32>
    %add3A_100 = arith.addf %mul3A_93, %add3A_99 : vector<6400x9xf32>
    %broadcast_in_dim3A_101 = arith.constant 1.000000e+00 : f32
    %broadcast_in_dim3A_102 = vector.broadcast %broadcast_in_dim3A_101 : f32 to vector<1x6400xf32>
    %mul3A_103 = arith.constant 1.73205078 : f32
    %mul3A_104 = vector.broadcast %mul3A_103 : f32 to vector<1x6400xf32>
    %mul3A_105 = arith.mulf %mul3A_104, %reshape3A_78 : vector<1x6400xf32>
    %mul3A_106 = arith.constant 1.73205078 : f32
    %mul3A_107 = vector.broadcast %mul3A_106 : f32 to vector<1x6400xf32>
    %mul3A_108 = arith.mulf %mul3A_107, %reshape3A_80 : vector<1x6400xf32>
    %mul3A_109 = arith.constant 1.73205078 : f32
    %mul3A_110 = vector.broadcast %mul3A_109 : f32 to vector<1x6400xf32>
    %mul3A_111 = arith.mulf %mul3A_110, %reshape3A_82 : vector<1x6400xf32>
    %mul3A_112 = arith.constant 3.87298346 : f32
    %mul3A_113 = vector.broadcast %mul3A_112 : f32 to vector<1x6400xf32>
    %mul3A_114 = arith.mulf %mul3A_113, %reshape3A_78 : vector<1x6400xf32>
    %mul3A_115 = arith.mulf %mul3A_114, %reshape3A_80 : vector<1x6400xf32>
    %mul3A_116 = arith.constant 3.87298346 : f32
    %mul3A_117 = vector.broadcast %mul3A_116 : f32 to vector<1x6400xf32>
    %mul3A_118 = arith.mulf %mul3A_117, %reshape3A_80 : vector<1x6400xf32>
    %mul3A_119 = arith.mulf %mul3A_118, %reshape3A_82 : vector<1x6400xf32>
    %mul3A_120 = arith.constant 3.000000e+00 : f32
    %mul3A_121 = vector.broadcast %mul3A_120 : f32 to vector<1x6400xf32>
    %mul3A_122 = arith.mulf %mul3A_121, %reshape3A_82 : vector<1x6400xf32>
    %mul3A_123 = arith.mulf %mul3A_122, %reshape3A_82 : vector<1x6400xf32>
    %sub3A = arith.constant 1.000000e+00 : f32
    %sub3A_124 = vector.broadcast %sub3A : f32 to vector<1x6400xf32>
    %sub3A_125 = arith.subf %mul3A_123, %sub3A_124 : vector<1x6400xf32>
    %mul3A_126 = arith.constant 1.11803401 : f32
    %mul3A_127 = vector.broadcast %mul3A_126 : f32 to vector<1x6400xf32>
    %mul3A_128 = arith.mulf %mul3A_127, %sub3A_125 : vector<1x6400xf32>
    %mul3A_129 = arith.constant 3.87298346 : f32
    %mul3A_130 = vector.broadcast %mul3A_129 : f32 to vector<1x6400xf32>
    %mul3A_131 = arith.mulf %mul3A_130, %reshape3A_78 : vector<1x6400xf32>
    %mul3A_132 = arith.mulf %mul3A_131, %reshape3A_82 : vector<1x6400xf32>
    %mul3A_133 = arith.mulf %reshape3A_78, %reshape3A_78 : vector<1x6400xf32>
    %mul3A_134 = arith.mulf %reshape3A_80, %reshape3A_80 : vector<1x6400xf32>
    %sub3A_135 = arith.subf %mul3A_133, %mul3A_134 : vector<1x6400xf32>
    %mul3A_136 = arith.constant 1.93649173 : f32
    %mul3A_137 = vector.broadcast %mul3A_136 : f32 to vector<1x6400xf32>
    %mul3A_138 = arith.mulf %mul3A_137, %sub3A_135 : vector<1x6400xf32>
    %concatenate3A_139 = tpu.concatenate %broadcast_in_dim3A_102, %mul3A_105, %mul3A_108, %mul3A_111, %mul3A_115, %mul3A_119, %mul3A_128, %mul3A_132, %mul3A_138 in 0 : vector<1x6400xf32>, vector<1x6400xf32>, vector<1x6400xf32>, vector<1x6400xf32>, vector<1x6400xf32>, vector<1x6400xf32>, vector<1x6400xf32>, vector<1x6400xf32>, vector<1x6400xf32> -> vector<9x6400xf32>
    %swap3A_140 = arith.constant 0 : index
    %swap3A_141 = arith.constant 0 : index
    %swap3A_142 = vector.load %arg22[%swap3A_140, %swap3A_141] : memref<9x6400xf32, #tpu.memory_space<vmem>>, vector<9x6400xf32>
    tpu.vector_store %arg22[%swap3A_140, %swap3A_141], %concatenate3A_139 {strides = array<i32>} : memref<9x6400xf32, #tpu.memory_space<vmem>>, vector<9x6400xf32>,
    %get3A_143 = arith.constant 0 : index
    %get3A_144 = arith.constant 0 : index
    %get3A_145 = arith.constant 0 : index
    %get3A_146 = vector.load %arg7[%get3A_143, %get3A_144, %get3A_145] : memref<1x1x6400xf32, #tpu.memory_space<vmem>>, vector<1x1x6400xf32>
    %get3A_147 = vector.shape_cast %get3A_146 : vector<1x1x6400xf32> to vector<6400xf32>
    %broadcast_in_dim3A_148 = vector.shape_cast %get3A_147 : vector<6400xf32> to vector<6400x1xf32>
    %iota3A_149 = tpu.iota {dimensions = array<i32: 1>} : vector<6400x10xi32>
    %convert_element_type3A_150 = arith.sitofp %iota3A_149 : vector<6400x10xi32> to vector<6400x10xf32>
    %eq3A = vector.broadcast %broadcast_in_dim3A_148 : vector<6400x1xf32> to vector<6400x10xf32>
    %eq3A_151 = arith.cmpf oeq, %eq3A, %convert_element_type3A_150 : vector<6400x10xf32>
    %convert_element_type3A_152 = arith.extui %eq3A_151 : vector<6400x10xi1> to vector<6400x10xi32>
    %convert_element_type3A_153 = arith.sitofp %convert_element_type3A_152 : vector<6400x10xi32> to vector<6400x10xf32>
    %get3A_154 = arith.constant 0 : index
    %get3A_155 = arith.constant 0 : index
    %get3A_156 = vector.load %arg8[%get3A_154, %get3A_155] : memref<10x16xf32, #tpu.memory_space<vmem>>, vector<10x16xf32>
    %dot_general3A_157 = arith.constant dense<0.000000e+00> : vector<6400x16xf32>
    %dot_general3A_158 = tpu.matmul %convert_element_type3A_153, %get3A_156, %dot_general3A_157 {dimension_numbers = #tpu.dot_dimension_numbers<[1], [0], [0], [1], [0, 0, 1, 1], [], []>, transpose_lhs_hint = false} : vector<6400x10xf32>, vector<10x16xf32>, vector<6400x16xf32> -> vector<6400x16xf32>
    %get3A_159 = arith.constant 0 : index
    %get3A_160 = arith.constant 0 : index
    %get3A_161 = vector.load %arg9[%get3A_159, %get3A_160] : memref<8x96xf32, #tpu.memory_space<vmem>>, vector<8x96xf32>
    %dot_general3A_162 = arith.constant dense<0.000000e+00> : vector<6400x96xf32>
    %dot_general3A_163 = tpu.matmul %mul3A_74, %get3A_161, %dot_general3A_162 {dimension_numbers = #tpu.dot_dimension_numbers<[0], [0], [1], [1], [0, 1, 1, 1], [], []>, transpose_lhs_hint = false} : vector<8x6400xf32>, vector<8x96xf32>, vector<6400x96xf32> -> vector<6400x96xf32>
    %get3A_164 = arith.constant 0 : index
    %get3A_165 = arith.constant 0 : index
    %get3A_166 = vector.load %arg10[%get3A_164, %get3A_165] : memref<1x96xf32, #tpu.memory_space<vmem>>, vector<1x96xf32>
    %get3A_167 = vector.shape_cast %get3A_166 : vector<1x96xf32> to vector<96xf32>
    %broadcast_in_dim3A_168 = vector.shape_cast %get3A_167 : vector<96xf32> to vector<1x96xf32>
    %add3A_169 = vector.broadcast %broadcast_in_dim3A_168 : vector<1x96xf32> to vector<6400x96xf32>
    %add3A_170 = arith.addf %dot_general3A_163, %add3A_169 : vector<6400x96xf32>
    %logistic3A = arith.negf %add3A_170 : vector<6400x96xf32>
    %logistic3A_171 = math.exp %logistic3A : vector<6400x96xf32>
    %logistic3A_172 = arith.constant 1.000000e+00 : f32
    %logistic3A_173 = vector.broadcast %logistic3A_172 : f32 to vector<6400x96xf32>
    %logistic3A_174 = arith.addf %logistic3A_173, %logistic3A_171 : vector<6400x96xf32>
    %logistic3A_175 = arith.divf %logistic3A_173, %logistic3A_174 : vector<6400x96xf32>
    %mul3A_176 = arith.mulf %add3A_170, %logistic3A_175 : vector<6400x96xf32>
    %get3A_177 = arith.constant 0 : index
    %get3A_178 = arith.constant 0 : index
    %get3A_179 = vector.load %arg11[%get3A_177, %get3A_178] : memref<96x96xf32, #tpu.memory_space<vmem>>, vector<96x96xf32>
    %dot_general3A_180 = arith.constant dense<0.000000e+00> : vector<6400x96xf32>
    %dot_general3A_181 = tpu.matmul %mul3A_176, %get3A_179, %dot_general3A_180 {dimension_numbers = #tpu.dot_dimension_numbers<[1], [0], [0], [1], [0, 0, 1, 1], [], []>, transpose_lhs_hint = false} : vector<6400x96xf32>, vector<96x96xf32>, vector<6400x96xf32> -> vector<6400x96xf32>
    %get3A_182 = arith.constant 0 : index
    %get3A_183 = arith.constant 0 : index
    %get3A_184 = vector.load %arg12[%get3A_182, %get3A_183] : memref<1x96xf32, #tpu.memory_space<vmem>>, vector<1x96xf32>
    %get3A_185 = vector.shape_cast %get3A_184 : vector<1x96xf32> to vector<96xf32>
    %broadcast_in_dim3A_186 = vector.shape_cast %get3A_185 : vector<96xf32> to vector<1x96xf32>
    %add3A_187 = vector.broadcast %broadcast_in_dim3A_186 : vector<1x96xf32> to vector<6400x96xf32>
    %add3A_188 = arith.addf %dot_general3A_181, %add3A_187 : vector<6400x96xf32>
    %logistic3A_189 = arith.negf %add3A_188 : vector<6400x96xf32>
    %logistic3A_190 = math.exp %logistic3A_189 : vector<6400x96xf32>
    %logistic3A_191 = arith.constant 1.000000e+00 : f32
    %logistic3A_192 = vector.broadcast %logistic3A_191 : f32 to vector<6400x96xf32>
    %logistic3A_193 = arith.addf %logistic3A_192, %logistic3A_190 : vector<6400x96xf32>
    %logistic3A_194 = arith.divf %logistic3A_192, %logistic3A_193 : vector<6400x96xf32>
    %mul3A_195 = arith.mulf %add3A_188, %logistic3A_194 : vector<6400x96xf32>
    %get3A_196 = arith.constant 0 : index
    %get3A_197 = arith.constant 0 : index
    %get3A_198 = vector.load %arg13[%get3A_196, %get3A_197] : memref<96x48xf32, #tpu.memory_space<vmem>>, vector<96x48xf32>
    %dot_general3A_199 = arith.constant dense<0.000000e+00> : vector<6400x48xf32>
    %dot_general3A_200 = tpu.matmul %mul3A_195, %get3A_198, %dot_general3A_199 {dimension_numbers = #tpu.dot_dimension_numbers<[1], [0], [0], [1], [0, 0, 1, 1], [], []>, transpose_lhs_hint = false} : vector<6400x96xf32>, vector<96x48xf32>, vector<6400x48xf32> -> vector<6400x48xf32>
    %get3A_201 = arith.constant 0 : index
    %get3A_202 = arith.constant 0 : index
    %get3A_203 = vector.load %arg14[%get3A_201, %get3A_202] : memref<1x48xf32, #tpu.memory_space<vmem>>, vector<1x48xf32>
    %get3A_204 = vector.shape_cast %get3A_203 : vector<1x48xf32> to vector<48xf32>
    %broadcast_in_dim3A_205 = vector.shape_cast %get3A_204 : vector<48xf32> to vector<1x48xf32>
    %add3A_206 = vector.broadcast %broadcast_in_dim3A_205 : vector<1x48xf32> to vector<6400x48xf32>
    %add3A_207 = arith.addf %dot_general3A_200, %add3A_206 : vector<6400x48xf32>
    %get3A_208 = arith.constant 0 : index
    %get3A_209 = arith.constant 0 : index
    %get3A_210 = vector.load %arg20[%get3A_208, %get3A_209] : memref<16x48xf32, #tpu.memory_space<vmem>>, vector<16x48xf32>
    %dot_general3A_211 = arith.constant dense<0.000000e+00> : vector<6400x48xf32>
    %dot_general3A_212 = tpu.matmul %dot_general3A_158, %get3A_210, %dot_general3A_211 {dimension_numbers = #tpu.dot_dimension_numbers<[1], [0], [0], [1], [0, 0, 1, 1], [], []>, transpose_lhs_hint = false} : vector<6400x16xf32>, vector<16x48xf32>, vector<6400x48xf32> -> vector<6400x48xf32>
    %mul3A_213 = arith.mulf %add3A_207, %dot_general3A_212 : vector<6400x48xf32>
    %get3A_214 = arith.constant 0 : index
    %get3A_215 = arith.constant 0 : index
    %get3A_216 = vector.load %arg18[%get3A_214, %get3A_215] : memref<9x144xf32, #tpu.memory_space<vmem>>, vector<9x144xf32>
    %dot_general3A_217 = arith.constant dense<0.000000e+00> : vector<6400x144xf32>
    %dot_general3A_218 = tpu.matmul %add3A_100, %get3A_216, %dot_general3A_217 {dimension_numbers = #tpu.dot_dimension_numbers<[1], [0], [0], [1], [0, 0, 1, 1], [], []>, transpose_lhs_hint = false} : vector<6400x9xf32>, vector<9x144xf32>, vector<6400x144xf32> -> vector<6400x144xf32>
    %get3A_219 = arith.constant 0 : index
    %get3A_220 = arith.constant 0 : index
    %get3A_221 = vector.load %arg19[%get3A_219, %get3A_220] : memref<48x144xf32, #tpu.memory_space<vmem>>, vector<48x144xf32>
    %dot_general3A_222 = arith.constant dense<0.000000e+00> : vector<6400x144xf32>
    %dot_general3A_223 = tpu.matmul %mul3A_213, %get3A_221, %dot_general3A_222 {dimension_numbers = #tpu.dot_dimension_numbers<[1], [0], [0], [1], [0, 0, 1, 1], [], []>, transpose_lhs_hint = false} : vector<6400x48xf32>, vector<48x144xf32>, vector<6400x144xf32> -> vector<6400x144xf32>
    %mul3A_224 = arith.mulf %dot_general3A_218, %dot_general3A_223 : vector<6400x144xf32>
    %slice3A = vector.extract_strided_slice %mul3A_224 {offsets = [0, 0], sizes = [6400, 128], strides = [1, 1]} : vector<6400x144xf32> to vector<6400x128xf32>
    %swap3A_225 = arith.constant 0 : index
    %swap3A_226 = arith.constant 0 : index
    %swap3A_227 = vector.load %arg23[%swap3A_225, %swap3A_226] : memref<6400x128xf32, #tpu.memory_space<vmem>>, vector<6400x128xf32>
    tpu.vector_store %arg23[%swap3A_225, %swap3A_226], %slice3A {strides = array<i32>} : memref<6400x128xf32, #tpu.memory_space<vmem>>, vector<6400x128xf32>,
    %slice3A_228 = vector.extract_strided_slice %mul3A_224 {offsets = [0, 128], sizes = [6400, 16], strides = [1, 1]} : vector<6400x144xf32> to vector<6400x16xf32>
    %swap3A_229 = arith.constant 0 : index
    %swap3A_230 = arith.constant 0 : index
    %swap3A_231 = vector.load %arg24[%swap3A_229, %swap3A_230] : memref<6400x16xf32, #tpu.memory_space<vmem>>, vector<6400x16xf32>
    tpu.vector_store %arg24[%swap3A_229, %swap3A_230], %slice3A_228 {strides = array<i32>} : memref<6400x16xf32, #tpu.memory_space<vmem>>, vector<6400x16xf32>,
    return
  }
  func.func @transform_0(%arg0: i32) -> (i32, i32, i32) {
    %c0_i32 = arith.constant 0 : i32
    %c0_i32_0 = arith.constant 0 : i32
    %c0_i32_1 = arith.constant 0 : i32
    return %arg0, %c0_i32, %c0_i32_0 : i32, i32, i32
  }
  func.func @transform_1(%arg0: i32) -> (i32, i32, i32) {
    %c0_i32 = arith.constant 0 : i32
    %c0_i32_0 = arith.constant 0 : i32
    %c0_i32_1 = arith.constant 0 : i32
    return %arg0, %c0_i32, %c0_i32_0 : i32, i32, i32
  }
  func.func @transform_2(%arg0: i32) -> (i32, i32, i32) {
    %c0_i32 = arith.constant 0 : i32
    %c0_i32_0 = arith.constant 0 : i32
    %c0_i32_1 = arith.constant 0 : i32
    return %arg0, %c0_i32, %c0_i32_0 : i32, i32, i32
  }
  func.func @transform_3(%arg0: i32) -> (i32, i32, i32) {
    %c0_i32 = arith.constant 0 : i32
    %c0_i32_0 = arith.constant 0 : i32
    %c0_i32_1 = arith.constant 0 : i32
    return %arg0, %c0_i32, %c0_i32_0 : i32, i32, i32
  }
  func.func @transform_4(%arg0: i32) -> (i32, i32, i32) {
    %c0_i32 = arith.constant 0 : i32
    %c0_i32_0 = arith.constant 0 : i32
    %c0_i32_1 = arith.constant 0 : i32
    return %arg0, %c0_i32, %c0_i32_0 : i32, i32, i32
  }
  func.func @transform_5(%arg0: i32) -> (i32, i32, i32) {
    %c0_i32 = arith.constant 0 : i32
    %c0_i32_0 = arith.constant 0 : i32
    %c0_i32_1 = arith.constant 0 : i32
    return %arg0, %c0_i32, %c0_i32_0 : i32, i32, i32
  }
  func.func @transform_6(%arg0: i32) -> (i32, i32, i32) {
    %c0_i32 = arith.constant 0 : i32
    %c0_i32_0 = arith.constant 0 : i32
    %c0_i32_1 = arith.constant 0 : i32
    return %arg0, %c0_i32, %c0_i32_0 : i32, i32, i32
  }
  func.func @transform_7(%arg0: i32) -> (i32, i32) {
    %c0_i32 = arith.constant 0 : i32
    %c0_i32_0 = arith.constant 0 : i32
    %c0_i32_1 = arith.constant 0 : i32
    return %c0_i32, %c0_i32_0 : i32, i32
  }
  func.func @transform_8(%arg0: i32) -> (i32, i32) {
    %c0_i32 = arith.constant 0 : i32
    %c0_i32_0 = arith.constant 0 : i32
    %c0_i32_1 = arith.constant 0 : i32
    return %c0_i32, %c0_i32_0 : i32, i32
  }
  func.func @transform_9(%arg0: i32) -> (i32, i32) {
    %c0_i32 = arith.constant 0 : i32
    %c0_i32_0 = arith.constant 0 : i32
    %c0_i32_1 = arith.constant 0 : i32
    return %c0_i32, %c0_i32_0 : i32, i32
  }
  func.func @transform_10(%arg0: i32) -> (i32, i32) {
    %c0_i32 = arith.constant 0 : i32
    %c0_i32_0 = arith.constant 0 : i32
    %c0_i32_1 = arith.constant 0 : i32
    return %c0_i32, %c0_i32_0 : i32, i32
  }
  func.func @transform_11(%arg0: i32) -> (i32, i32) {
    %c0_i32 = arith.constant 0 : i32
    %c0_i32_0 = arith.constant 0 : i32
    %c0_i32_1 = arith.constant 0 : i32
    return %c0_i32, %c0_i32_0 : i32, i32
  }
  func.func @transform_12(%arg0: i32) -> (i32, i32) {
    %c0_i32 = arith.constant 0 : i32
    %c0_i32_0 = arith.constant 0 : i32
    %c0_i32_1 = arith.constant 0 : i32
    return %c0_i32, %c0_i32_0 : i32, i32
  }
  func.func @transform_13(%arg0: i32) -> (i32, i32) {
    %c0_i32 = arith.constant 0 : i32
    %c0_i32_0 = arith.constant 0 : i32
    %c0_i32_1 = arith.constant 0 : i32
    return %c0_i32, %c0_i32_0 : i32, i32
  }
  func.func @transform_14(%arg0: i32) -> (i32, i32) {
    %c0_i32 = arith.constant 0 : i32
    %c0_i32_0 = arith.constant 0 : i32
    %c0_i32_1 = arith.constant 0 : i32
    return %c0_i32, %c0_i32_0 : i32, i32
  }
  func.func @transform_15(%arg0: i32) -> (i32, i32) {
    %c0_i32 = arith.constant 0 : i32
    %c0_i32_0 = arith.constant 0 : i32
    %c0_i32_1 = arith.constant 0 : i32
    return %c0_i32, %c0_i32_0 : i32, i32
  }
  func.func @transform_16(%arg0: i32) -> (i32, i32) {
    %c0_i32 = arith.constant 0 : i32
    %c0_i32_0 = arith.constant 0 : i32
    %c0_i32_1 = arith.constant 0 : i32
    return %c0_i32, %c0_i32_0 : i32, i32
  }
  func.func @transform_17(%arg0: i32) -> (i32, i32) {
    %c0_i32 = arith.constant 0 : i32
    %c0_i32_0 = arith.constant 0 : i32
    %c0_i32_1 = arith.constant 0 : i32
    return %c0_i32, %c0_i32_0 : i32, i32
  }
  func.func @transform_18(%arg0: i32) -> (i32, i32) {
    %c0_i32 = arith.constant 0 : i32
    %c0_i32_0 = arith.constant 0 : i32
    %c0_i32_1 = arith.constant 0 : i32
    return %c0_i32, %c0_i32_0 : i32, i32
  }
  func.func @transform_19(%arg0: i32) -> (i32, i32) {
    %c0_i32 = arith.constant 0 : i32
    %c0_i32_0 = arith.constant 0 : i32
    %c0_i32_1 = arith.constant 0 : i32
    return %c0_i32, %c0_i32_0 : i32, i32
  }
  func.func @transform_20(%arg0: i32) -> (i32, i32) {
    %c0_i32 = arith.constant 0 : i32
    %c0_i32_0 = arith.constant 0 : i32
    return %c0_i32, %arg0 : i32, i32
  }
  func.func @transform_21(%arg0: i32) -> (i32, i32) {
    %c0_i32 = arith.constant 0 : i32
    %c0_i32_0 = arith.constant 0 : i32
    return %c0_i32, %arg0 : i32, i32
  }
  func.func @transform_22(%arg0: i32) -> (i32, i32) {
    %c0_i32 = arith.constant 0 : i32
    %c0_i32_0 = arith.constant 0 : i32
    return %arg0, %c0_i32 : i32, i32
  }
  func.func @transform_23(%arg0: i32) -> (i32, i32) {
    %c0_i32 = arith.constant 0 : i32
    %c0_i32_0 = arith.constant 0 : i32
    return %arg0, %c0_i32 : i32, i32
  }
}

module attributes {stable_mosaic.version = 14 : i64} {
  func.func @_tc_finish_body(%arg0: i32, %arg1: memref<1280x128xf32, #tpu.memory_space<vmem>>, %arg2: memref<1280x128xf32, #tpu.memory_space<vmem>>, %arg3: memref<1280x16xf32, #tpu.memory_space<vmem>>, %arg4: memref<1280x16xf32, #tpu.memory_space<vmem>>, %arg5: memref<1280x1xf32, #tpu.memory_space<vmem>>, %arg6: memref<128x144xf32, #tpu.memory_space<vmem>>, %arg7: memref<16x144xf32, #tpu.memory_space<vmem>>, %arg8: memref<10x16xf32, #tpu.memory_space<vmem>>, %arg9: memref<10x48xf32, #tpu.memory_space<vmem>>, %arg10: memref<1280x16xf32, #tpu.memory_space<vmem>>) attributes {dimension_semantics = [#tpu.dimension_semantics<arbitrary>], iteration_bounds = array<i64: 8>, scalar_prefetch = 0 : i64, scratch_operands = 0 : i64, tpu.core_type = #tpu.core_type<tc>, window_params = [{transform_indices = @transform_0, window_bounds = array<i64: 1280, 128>}, {transform_indices = @transform_1, window_bounds = array<i64: 1280, 128>}, {transform_indices = @transform_2, window_bounds = array<i64: 1280, 16>}, {transform_indices = @transform_3, window_bounds = array<i64: 1280, 16>}, {transform_indices = @transform_4, window_bounds = array<i64: 1280, 1>}, {pipeline_mode = #tpu.pipeline_mode<synchronous>, transform_indices = @transform_5, window_bounds = array<i64: 128, 144>}, {pipeline_mode = #tpu.pipeline_mode<synchronous>, transform_indices = @transform_6, window_bounds = array<i64: 16, 144>}, {pipeline_mode = #tpu.pipeline_mode<synchronous>, transform_indices = @transform_7, window_bounds = array<i64: 10, 16>}, {pipeline_mode = #tpu.pipeline_mode<synchronous>, transform_indices = @transform_8, window_bounds = array<i64: 10, 48>}, {transform_indices = @transform_9, window_bounds = array<i64: 1280, 16>}]} {
    %get3A = arith.constant 0 : index
    %get3A_0 = arith.constant 0 : index
    %get3A_1 = vector.load %arg1[%get3A, %get3A_0] : memref<1280x128xf32, #tpu.memory_space<vmem>>, vector<1280x128xf32>
    %get3A_2 = arith.constant 0 : index
    %get3A_3 = arith.constant 0 : index
    %get3A_4 = vector.load %arg2[%get3A_2, %get3A_3] : memref<1280x128xf32, #tpu.memory_space<vmem>>, vector<1280x128xf32>
    %add3A = arith.addf %get3A_1, %get3A_4 : vector<1280x128xf32>
    %get3A_5 = arith.constant 0 : index
    %get3A_6 = arith.constant 0 : index
    %get3A_7 = vector.load %arg6[%get3A_5, %get3A_6] : memref<128x144xf32, #tpu.memory_space<vmem>>, vector<128x144xf32>
    %dot_general3A = arith.constant dense<0.000000e+00> : vector<1280x144xf32>
    %dot_general3A_8 = tpu.matmul %add3A, %get3A_7, %dot_general3A {dimension_numbers = #tpu.dot_dimension_numbers<[1], [0], [0], [1], [0, 0, 1, 1], [], []>, transpose_lhs_hint = false} : vector<1280x128xf32>, vector<128x144xf32>, vector<1280x144xf32> -> vector<1280x144xf32>
    %get3A_9 = arith.constant 0 : index
    %get3A_10 = arith.constant 0 : index
    %get3A_11 = vector.load %arg3[%get3A_9, %get3A_10] : memref<1280x16xf32, #tpu.memory_space<vmem>>, vector<1280x16xf32>
    %get3A_12 = arith.constant 0 : index
    %get3A_13 = arith.constant 0 : index
    %get3A_14 = vector.load %arg4[%get3A_12, %get3A_13] : memref<1280x16xf32, #tpu.memory_space<vmem>>, vector<1280x16xf32>
    %add3A_15 = arith.addf %get3A_11, %get3A_14 : vector<1280x16xf32>
    %get3A_16 = arith.constant 0 : index
    %get3A_17 = arith.constant 0 : index
    %get3A_18 = vector.load %arg7[%get3A_16, %get3A_17] : memref<16x144xf32, #tpu.memory_space<vmem>>, vector<16x144xf32>
    %dot_general3A_19 = arith.constant dense<0.000000e+00> : vector<1280x144xf32>
    %dot_general3A_20 = tpu.matmul %add3A_15, %get3A_18, %dot_general3A_19 {dimension_numbers = #tpu.dot_dimension_numbers<[1], [0], [0], [1], [0, 0, 1, 1], [], []>, transpose_lhs_hint = false} : vector<1280x16xf32>, vector<16x144xf32>, vector<1280x144xf32> -> vector<1280x144xf32>
    %add3A_21 = arith.addf %dot_general3A_8, %dot_general3A_20 : vector<1280x144xf32>
    %slice3A = vector.extract_strided_slice %add3A_21 {offsets = [0, 0], sizes = [1280, 16], strides = [1, 1]} : vector<1280x144xf32> to vector<1280x16xf32>
    %slice3A_22 = vector.extract_strided_slice %add3A_21 {offsets = [0, 16], sizes = [1280, 16], strides = [1, 1]} : vector<1280x144xf32> to vector<1280x16xf32>
    %integer_pow3A = arith.mulf %slice3A_22, %slice3A_22 : vector<1280x16xf32>
    %slice3A_23 = vector.extract_strided_slice %add3A_21 {offsets = [0, 32], sizes = [1280, 16], strides = [1, 1]} : vector<1280x144xf32> to vector<1280x16xf32>
    %integer_pow3A_24 = arith.mulf %slice3A_23, %slice3A_23 : vector<1280x16xf32>
    %add3A_25 = arith.addf %integer_pow3A, %integer_pow3A_24 : vector<1280x16xf32>
    %slice3A_26 = vector.extract_strided_slice %add3A_21 {offsets = [0, 48], sizes = [1280, 16], strides = [1, 1]} : vector<1280x144xf32> to vector<1280x16xf32>
    %integer_pow3A_27 = arith.mulf %slice3A_26, %slice3A_26 : vector<1280x16xf32>
    %add3A_28 = arith.addf %add3A_25, %integer_pow3A_27 : vector<1280x16xf32>
    %slice3A_29 = vector.extract_strided_slice %add3A_21 {offsets = [0, 64], sizes = [1280, 16], strides = [1, 1]} : vector<1280x144xf32> to vector<1280x16xf32>
    %integer_pow3A_30 = arith.mulf %slice3A_29, %slice3A_29 : vector<1280x16xf32>
    %slice3A_31 = vector.extract_strided_slice %add3A_21 {offsets = [0, 80], sizes = [1280, 16], strides = [1, 1]} : vector<1280x144xf32> to vector<1280x16xf32>
    %integer_pow3A_32 = arith.mulf %slice3A_31, %slice3A_31 : vector<1280x16xf32>
    %add3A_33 = arith.addf %integer_pow3A_30, %integer_pow3A_32 : vector<1280x16xf32>
    %slice3A_34 = vector.extract_strided_slice %add3A_21 {offsets = [0, 96], sizes = [1280, 16], strides = [1, 1]} : vector<1280x144xf32> to vector<1280x16xf32>
    %integer_pow3A_35 = arith.mulf %slice3A_34, %slice3A_34 : vector<1280x16xf32>
    %add3A_36 = arith.addf %add3A_33, %integer_pow3A_35 : vector<1280x16xf32>
    %slice3A_37 = vector.extract_strided_slice %add3A_21 {offsets = [0, 112], sizes = [1280, 16], strides = [1, 1]} : vector<1280x144xf32> to vector<1280x16xf32>
    %integer_pow3A_38 = arith.mulf %slice3A_37, %slice3A_37 : vector<1280x16xf32>
    %add3A_39 = arith.addf %add3A_36, %integer_pow3A_38 : vector<1280x16xf32>
    %slice3A_40 = vector.extract_strided_slice %add3A_21 {offsets = [0, 128], sizes = [1280, 16], strides = [1, 1]} : vector<1280x144xf32> to vector<1280x16xf32>
    %integer_pow3A_41 = arith.mulf %slice3A_40, %slice3A_40 : vector<1280x16xf32>
    %add3A_42 = arith.addf %add3A_39, %integer_pow3A_41 : vector<1280x16xf32>
    %get3A_43 = arith.constant 0 : index
    %get3A_44 = arith.constant 0 : index
    %get3A_45 = vector.load %arg5[%get3A_43, %get3A_44] : memref<1280x1xf32, #tpu.memory_space<vmem>>, vector<1280x1xf32>
    %squeeze3A = vector.shape_cast %get3A_45 : vector<1280x1xf32> to vector<1280xf32>
    %broadcast_in_dim3A = vector.shape_cast %squeeze3A : vector<1280xf32> to vector<1280x1xf32>
    %iota3A = tpu.iota {dimensions = array<i32: 1>} : vector<1280x10xi32>
    %convert_element_type3A = arith.sitofp %iota3A : vector<1280x10xi32> to vector<1280x10xf32>
    %eq3A = vector.broadcast %broadcast_in_dim3A : vector<1280x1xf32> to vector<1280x10xf32>
    %eq3A_46 = arith.cmpf oeq, %eq3A, %convert_element_type3A : vector<1280x10xf32>
    %convert_element_type3A_47 = arith.extui %eq3A_46 : vector<1280x10xi1> to vector<1280x10xi32>
    %convert_element_type3A_48 = arith.sitofp %convert_element_type3A_47 : vector<1280x10xi32> to vector<1280x10xf32>
    %get3A_49 = arith.constant 0 : index
    %get3A_50 = arith.constant 0 : index
    %get3A_51 = vector.load %arg8[%get3A_49, %get3A_50] : memref<10x16xf32, #tpu.memory_space<vmem>>, vector<10x16xf32>
    %dot_general3A_52 = arith.constant dense<0.000000e+00> : vector<1280x16xf32>
    %dot_general3A_53 = tpu.matmul %convert_element_type3A_48, %get3A_51, %dot_general3A_52 {dimension_numbers = #tpu.dot_dimension_numbers<[1], [0], [0], [1], [0, 0, 1, 1], [], []>, transpose_lhs_hint = false} : vector<1280x10xf32>, vector<10x16xf32>, vector<1280x16xf32> -> vector<1280x16xf32>
    %get3A_54 = arith.constant 0 : index
    %get3A_55 = arith.constant 0 : index
    %get3A_56 = vector.load %arg9[%get3A_54, %get3A_55] : memref<10x48xf32, #tpu.memory_space<vmem>>, vector<10x48xf32>
    %dot_general3A_57 = arith.constant dense<0.000000e+00> : vector<1280x48xf32>
    %dot_general3A_58 = tpu.matmul %convert_element_type3A_48, %get3A_56, %dot_general3A_57 {dimension_numbers = #tpu.dot_dimension_numbers<[1], [0], [0], [1], [0, 0, 1, 1], [], []>, transpose_lhs_hint = false} : vector<1280x10xf32>, vector<10x48xf32>, vector<1280x48xf32> -> vector<1280x48xf32>
    %mul3A = arith.mulf %dot_general3A_53, %slice3A : vector<1280x16xf32>
    %slice3A_59 = vector.extract_strided_slice %dot_general3A_58 {offsets = [0, 0], sizes = [1280, 16], strides = [1, 1]} : vector<1280x48xf32> to vector<1280x16xf32>
    %mul3A_60 = arith.mulf %slice3A_59, %slice3A : vector<1280x16xf32>
    %mul3A_61 = arith.mulf %mul3A_60, %slice3A : vector<1280x16xf32>
    %add3A_62 = arith.addf %mul3A, %mul3A_61 : vector<1280x16xf32>
    %slice3A_63 = vector.extract_strided_slice %dot_general3A_58 {offsets = [0, 16], sizes = [1280, 16], strides = [1, 1]} : vector<1280x48xf32> to vector<1280x16xf32>
    %mul3A_64 = arith.constant 0.577350259 : f32
    %mul3A_65 = vector.broadcast %mul3A_64 : f32 to vector<1280x16xf32>
    %mul3A_66 = arith.mulf %add3A_28, %mul3A_65 : vector<1280x16xf32>
    %mul3A_67 = arith.mulf %slice3A_63, %mul3A_66 : vector<1280x16xf32>
    %add3A_68 = arith.addf %add3A_62, %mul3A_67 : vector<1280x16xf32>
    %slice3A_69 = vector.extract_strided_slice %dot_general3A_58 {offsets = [0, 32], sizes = [1280, 16], strides = [1, 1]} : vector<1280x48xf32> to vector<1280x16xf32>
    %mul3A_70 = arith.constant 0.44721359 : f32
    %mul3A_71 = vector.broadcast %mul3A_70 : f32 to vector<1280x16xf32>
    %mul3A_72 = arith.mulf %add3A_42, %mul3A_71 : vector<1280x16xf32>
    %mul3A_73 = arith.mulf %slice3A_69, %mul3A_72 : vector<1280x16xf32>
    %add3A_74 = arith.addf %add3A_68, %mul3A_73 : vector<1280x16xf32>
    %swap3A = arith.constant 0 : index
    %swap3A_75 = arith.constant 0 : index
    %swap3A_76 = vector.load %arg10[%swap3A, %swap3A_75] : memref<1280x16xf32, #tpu.memory_space<vmem>>, vector<1280x16xf32>
    tpu.vector_store %arg10[%swap3A, %swap3A_75], %add3A_74 {strides = array<i32>} : memref<1280x16xf32, #tpu.memory_space<vmem>>, vector<1280x16xf32>,
    return
  }
  func.func @transform_0(%arg0: i32) -> (i32, i32) {
    %c0_i32 = arith.constant 0 : i32
    %c0_i32_0 = arith.constant 0 : i32
    return %arg0, %c0_i32 : i32, i32
  }
  func.func @transform_1(%arg0: i32) -> (i32, i32) {
    %c0_i32 = arith.constant 0 : i32
    %c0_i32_0 = arith.constant 0 : i32
    return %arg0, %c0_i32 : i32, i32
  }
  func.func @transform_2(%arg0: i32) -> (i32, i32) {
    %c0_i32 = arith.constant 0 : i32
    %c0_i32_0 = arith.constant 0 : i32
    return %arg0, %c0_i32 : i32, i32
  }
  func.func @transform_3(%arg0: i32) -> (i32, i32) {
    %c0_i32 = arith.constant 0 : i32
    %c0_i32_0 = arith.constant 0 : i32
    return %arg0, %c0_i32 : i32, i32
  }
  func.func @transform_4(%arg0: i32) -> (i32, i32) {
    %c0_i32 = arith.constant 0 : i32
    %c0_i32_0 = arith.constant 0 : i32
    return %arg0, %c0_i32 : i32, i32
  }
  func.func @transform_5(%arg0: i32) -> (i32, i32) {
    %c0_i32 = arith.constant 0 : i32
    %c0_i32_0 = arith.constant 0 : i32
    %c0_i32_1 = arith.constant 0 : i32
    return %c0_i32, %c0_i32_0 : i32, i32
  }
  func.func @transform_6(%arg0: i32) -> (i32, i32) {
    %c0_i32 = arith.constant 0 : i32
    %c0_i32_0 = arith.constant 0 : i32
    %c0_i32_1 = arith.constant 0 : i32
    return %c0_i32, %c0_i32_0 : i32, i32
  }
  func.func @transform_7(%arg0: i32) -> (i32, i32) {
    %c0_i32 = arith.constant 0 : i32
    %c0_i32_0 = arith.constant 0 : i32
    %c0_i32_1 = arith.constant 0 : i32
    return %c0_i32, %c0_i32_0 : i32, i32
  }
  func.func @transform_8(%arg0: i32) -> (i32, i32) {
    %c0_i32 = arith.constant 0 : i32
    %c0_i32_0 = arith.constant 0 : i32
    %c0_i32_1 = arith.constant 0 : i32
    return %c0_i32, %c0_i32_0 : i32, i32
  }
  func.func @transform_9(%arg0: i32) -> (i32, i32) {
    %c0_i32 = arith.constant 0 : i32
    %c0_i32_0 = arith.constant 0 : i32
    return %arg0, %c0_i32 : i32, i32
  }
}

</mosaic_0001>

<sc_bundles>
// kernel: kernel.10.cloned.1.call-start
scs
__scs_entry_jumppad:
0x0: {  	(pc) =	sbr.rel $0x88, $3  }
0x1: {  	(tag) =	ssettag $0x0;
	lr =	simm.s32 $0x1  }
0x2: {  	[smem:$0x3F93] =	sst lr;
	_ =	strace $0xD0000000  }
0x3: {  	_ = 	snop  }
0x4: {  	_ = 	snop  }
0x5: {  	_ = 	snop  }
0x6: {  	_ = 	snop  }
0x7: {  	_ = 	snop  }
__scs_overlays_trampoline_lowered:
0x8: {  	[smem:$0x3FA2] =	sst s0  }
0x9: {  	[smem:$0x3FA3] =	sst s1  }
0xa: {  	[smem:$0x3FA4] =	sst s2  }
0xb: {  	[smem:$0x3FA5] =	sst s3  }
0xc: {  	[smem:$0x3FA6] =	sst s4  }
0xd: {  	[smem:$0x3FA7] =	sst s5  }
0xe: {  	[smem:$0x3FA8] =	sst s6  }
0xf: {  	[smem:$0x3FA9] =	sst s7  }
0x10: {  	[smem:$0x3FAA] =	sst s8  }
0x11: {  	[smem:$0x3FAB] =	sst s9;
	s0 =	simm.s32 @!p0 $0x0  }
0x12: {  	s1 =	sld [smem:$0x3F91];
	s0 =	simm.s32 @p0 $0x1  }
0x13: {  	[smem:$0x3FAC] =	sst s0;
	s0 =	simm.s32 @!p1 $0x0  }
0x14: {  	s2 =	sld [smem:$0x3F90];
	s0 =	simm.s32 @p1 $0x1  }
0x15: {  	[smem:$0x3FAD] =	sst s0;
	s0 =	simm.s32 @!p2 $0x0  }
0x16: {  	s3 =	sld [smem:$0x3FDB];
	s0 =	simm.s32 @p2 $0x1  }
0x17: {  	s4 =	simm.s32 $0x1BF5;
	[smem:$0x3FAF] =	sst s0  }
0x18: {  	s0 =	sld [smem:$0x3F92];
	_ =	swait.ge [sflag:s4], $0x0  }
0x19: {  	s7 =	sld [smem:$0x3F93]  }
0x1a: {  	s8 =	sadd.s32 $0xFFFFE003, lr  }
0x1b: {  	s9 =	sadd.s32 $0xFFFFFEF7, lr;
	s5 =	simm.s32 $0xFFFFFFFF;
	p2 =	slt.u32 s8, $0xFFFFF086  }
0x1c: {  	p1 =	slt.u32 s9, $0xF7A;
	s5 =	simm.s32 @!p2 $0x0  }
0x1d: {  	s5 =	simm.s32 @p1 $0x1;
	p0 =	seq.s32 s7, s2  }
0x1e: {  	s7 =	smul.u32 @!p0 $0xF7A, s2;
	p2 =	seq.s32 @!p0 s5, $0x0  }
0x1f: {  	s9 =	smul.u32 $0xF7A, s1;
	s8 =	simm.s32 @!p0 $0x1BF5;
	p2 =	por !p2, p0  }
0x20: {  	[sflag:s8] =	ssyncset.s32 @!p0 $0xFFFFF086;
	s6 =	sadd.s32 @!p0 s3, s7;
	s7 =	simm.s32 @!p0 $0x108  }
0x21: {  	s3 =	sadd.s32 s3, s9;
	s6 =	sadd.s32 @!p0 $0x88, s6;
	s7 =	simm.s32 @p2 $0x1082  }
0x22: {  	[simem:s7], [sflag:s8] =	dma.local @!p0 [hbm:s6], $0xF7A  }
0x23: {  	s9 =	sor.u32 $0xD0000000, s2;
	s6 =	simm.s32 $0x108;
	_ =	swait.ge @!p0 [sflag:s8], $0x0  }
0x24: {  	s3 =	sadd.s32 $0x88, s3;
	s6 =	simm.s32 @!p1 $0x1082;
	[sflag:s4] =	ssyncset.s32 $0xFFFFF086  }
0x25: {  	[simem:s6], [sflag:s4] =	dma.local [hbm:s3], $0xF7A  }
0x26: {  	[smem:$0x3F93] =	sst s1;
	(tag) =	ssettag s2;
	_ =	strace s9  }
0x27: {  	s1 =	sld [smem:$0x3FA3]  }
0x28: {  	s2 =	sld [smem:$0x3FA4]  }
0x29: {  	s4 =	sld [smem:$0x3FA6]  }
0x2a: {  	p0 =	seq.s32 s5, $0x0;
	s5 =	sld [smem:$0x3FA7]  }
0x2b: {  	s6 =	sld [smem:$0x3FA8]  }
0x2c: {  	s7 =	sld [smem:$0x3FA9]  }
0x2d: {  	s3 =	simm.s32 $0x108;
	s8 =	sld [smem:$0x3FAA]  }
0x2e: {  	s3 =	simm.s32 @!p0 $0x1082;
	s9 =	sld [smem:$0x3FAB]  }
0x2f: {  	lr =	sadd.s32 s0, s3;
	s0 =	sld [smem:$0x3FA2]  }
0x30: {  	s3 =	sld [smem:$0x3FA5]  }
0x31: {  	[smem:$0x3FAE] =	sst s10  }
0x32: {  	s10 =	sld [smem:$0x3FAC];
	_ =	sdelay $0x3  }
0x33: {  	p0 =	seq.s32 s10, $0x1;
	s10 =	sld [smem:$0x3FAE];
	_ =	sdelay $0x3  }
0x34: {  	[smem:$0x3FAE] =	sst s10  }
0x35: {  	s10 =	sld [smem:$0x3FAD];
	_ =	sdelay $0x3  }
0x36: {  	p1 =	seq.s32 s10, $0x1;
	s10 =	sld [smem:$0x3FAE];
	_ =	sdelay $0x3  }
0x37: {  	[smem:$0x3FAE] =	sst s10  }
0x38: {  	s10 =	sld [smem:$0x3FAF]  }
0x39: {  	_ = 	snop;
	(pc) =	sbr.ind lr, $3  }
0x3a: {  	_ = 	snop  }
0x3b: {  	_ = 	snop  }
0x3c: {  	p2 =	seq.s32 s10, $0x1;
	s10 =	sld [smem:$0x3FAE]  }
0x3d: {  	_ =	shalt  }
0x3e: {  	_ =	shalt  }
0x3f: {  	_ =	shalt  }
0x40: {  	_ =	shalt  }
0x41: {  	_ =	shalt  }
0x42: {  	_ =	shalt  }
0x43: {  	_ =	shalt  }
0x44: {  	_ =	shalt  }
0x45: {  	_ =	shalt  }
0x46: {  	_ =	shalt  }
0x47: {  	_ =	shalt  }
0x48: {  	_ =	shalt  }
0x49: {  	_ =	shalt  }
0x4a: {  	_ =	shalt  }
0x4b: {  	_ =	shalt  }
0x4c: {  	_ =	shalt  }
0x4d: {  	_ =	shalt  }
0x4e: {  	_ =	shalt  }
0x4f: {  	_ =	shalt  }
0x50: {  	_ =	shalt  }
0x51: {  	_ =	shalt  }
0x52: {  	_ =	shalt  }
0x53: {  	_ =	shalt  }
0x54: {  	_ =	shalt  }
0x55: {  	_ =	shalt  }
0x56: {  	_ =	shalt  }
0x57: {  	_ =	shalt  }
0x58: {  	_ =	shalt  }
0x59: {  	_ =	shalt  }
0x5a: {  	_ =	shalt  }
0x5b: {  	_ =	shalt  }
0x5c: {  	_ =	shalt  }
0x5d: {  	_ =	shalt  }
0x5e: {  	_ =	shalt  }
0x5f: {  	_ =	shalt  }
0x60: {  	_ =	shalt  }
0x61: {  	_ =	shalt  }
0x62: {  	_ =	shalt  }
0x63: {  	_ =	shalt  }
0x64: {  	_ =	shalt  }
0x65: {  	_ =	shalt  }
0x66: {  	_ =	shalt  }
0x67: {  	_ =	shalt  }
0x68: {  	_ =	shalt  }
0x69: {  	_ =	shalt  }
0x6a: {  	_ =	shalt  }
0x6b: {  	_ =	shalt  }
0x6c: {  	_ =	shalt  }
0x6d: {  	_ =	shalt  }
0x6e: {  	_ =	shalt  }
0x6f: {  	_ =	shalt  }
0x70: {  	_ =	shalt  }
0x71: {  	_ =	shalt  }
0x72: {  	_ =	shalt  }
0x73: {  	_ =	shalt  }
0x74: {  	_ =	shalt  }
0x75: {  	_ =	shalt  }
0x76: {  	_ =	shalt  }
0x77: {  	_ =	shalt  }
0x78: {  	_ =	shalt  }
0x79: {  	_ =	shalt  }
0x7a: {  	_ =	shalt  }
0x7b: {  	_ =	shalt  }
0x7c: {  	_ =	shalt  }
0x7d: {  	_ =	shalt  }
0x7e: {  	_ =	shalt  }
0x7f: {  	_ =	shalt  }
0x80: {  	_ =	shalt  }
0x81: {  	_ =	shalt  }
0x82: {  	_ =	shalt  }
0x83: {  	_ =	shalt  }
0x84: {  	_ =	shalt  }
0x85: {  	_ =	shalt  }
0x86: {  	_ =	shalt  }
0x87: {  	_ =	shalt  }
.Lfunc_end0:
.L_simem_size_0:
called_computation_lowered:
.L_overlay_start_0:
0x88: {  	s2 =	sld [smem:$0x3FD9]  }
0x89: {  	s3 =	sld [smem:$0x3FFE];
	_ =	sdelay $0x1  }
0x8a: {  	s1 =	srdreg.scid  }
0x8b: {  	s0 =	sand.u32 $0x1, s1  }
0x8c: {  	s14 =	sshll.u32 s0, $0xA;
	s2 =	sadd.s32 s3, s2  }
0x8d: {  	s2 =	sadd.s32 s2, s14  }
0x8e: {  	[smem:$0x3FBA] =	sst s2  }
0x8f: {  	_ = 	snop  }
0x90: {  	s2 =	sld [smem:$0x3FD0];
	_ =	sdelay $0x2  }
0x91: {  	s15 =	simm.s32 $0xB;
	s4 =	simm.s32 $0x10  }
0x92: {  	[smem:s4], [sflag:s15] =	dma.local [hbm:s2], $0x1  }
0x93: {  	_ =	swait.eq [sflag:s15], $0x1  }
0x94: {  	s16 =	sld [smem:$0x10];
	[sflag:s15] =	ssyncset.done $0x0  }
0x95: {  	s17 =	sld [smem:$0x11];
	[sflag:s15] =	ssyncadd.s32 $0xFFFFFFFF  }
0x96: {  	s18 =	sld [smem:$0x12];
	(tm) =	ssettm $0x1  }
0x97: {  	s5 =	sld [smem:$0x3FFB];
	_ =	sdelay $0x3  }
0x98: {  	_ =	strace s5  }
0x99: {  	s5 =	sld [smem:$0x3FFC];
	_ =	sdelay $0x3  }
0x9a: {  	_ =	strace s5  }
0x9b: {  	s5 =	sld [smem:$0x3FFD];
	_ =	sdelay $0x3  }
0x9c: {  	_ =	strace s5  }
0x9d: {  	_ =	strace $0x8FFFFFFF  }
0x9e: {  	s19 =	sld [smem:$0x3FDB];
	_ =	sdelay $0x1  }
0x9f: {  	s6 =	simm.s32 $_scs_section_size  }
0xa0: {  	s7 =	simm.s32 $_size__tile_overlayer_lowered;
	s8 =	simm.s32 $_tile_overlayer_lowered  }
0xa1: {  	s22 =	simm.s32 $0x1BFF;
	s21 =	sshll.u32 s8, $0x1;
	s5 =	sadd.s32 s6, s19  }
0xa2: {  	s9 =	simm.s32 $0x0;
	s20 =	sshll.u32 s7, $0x1;
	s7 =	sadd.s32 s21, s5  }
0xa3: {  	[timem:s9], [sflag:s22] =	dma.local [hbm:s7], s20  }
0xa4: {  	_ =	swait.ge [sflag:s22], s20  }
0xa5: {  	s6 =	ssub.s32 $0x0, s20;
	[sflag:s22] =	ssyncset.done $0x0  }
0xa6: {  	[sflag:s22] =	ssyncadd.s32 s6;
	_ =	sdelay $0x1  }
0xa7: {  	s23 =	simm.s32 $0x1B8B  }
0xa8: {  	_ =	swait.ge [sflag:s23], $0x1  }
0xa9: {  	[sflag:s23] =	ssyncset.done $0x0  }
0xaa: {  	s25 =	simm.s32 $0x1B8E;
	s24 =	sld [smem:$0x3FFE];
	[sflag:s23] =	ssyncadd.s32 $0xFFFFFFFF  }
0xab: {  	s26 =	simm.s32 $execute0_lowered;
	[smem:$0x3FD2] =	sst s25  }
0xac: {  	s7 =	sshll.u32 s26, $0x1;
	_ =	strace $0x80000046;
	[dreg:$0x1] =	wrdreg $0xFFFFFFFF  }
0xad: {  	s28 =	simm.s32 $_size_execute0_lowered;
	s5 =	sadd.s32 s5, s7;
	[dreg:$0x0] =	wrdreg $0x0  }
0xae: {  	s7 =	sshll.u32 s28, $0x1;
	[dreg:$0x2] =	wrdreg s5  }
0xaf: {  	[dreg:$0x3] =	wrdreg s7  }
0xb0: {  	[dreg:$0x4] =	wrdreg $0xC0  }
0xb1: {  	_ =	task [dreg:s9], $0x5FFFF  }
0xb2: {  	[dreg:$0x1] =	wrdreg $0xFFFFFFFF  }
0xb3: {  	[dreg:$0x0] =	wrdreg $0x60  }
0xb4: {  	[dreg:$0x2] =	wrdreg s17  }
0xb5: {  	[dreg:$0x3] =	wrdreg s24  }
0xb6: {  	[dreg:$0x4] =	wrdreg s16  }
0xb7: {  	[dreg:$0x5] =	wrdreg s18  }
0xb8: {  	[dreg:$0x6] =	wrdreg $0x9  }
0xb9: {  	_ =	task.clear_ibuf [dreg:s9], $0x7FFFF;
	_ =	strace $0x90000046  }
0xba: {  	s29 =	simm.s32 $0x9;
	_ =	strace $0x80000048  }
0xbb: {  	_ =	swait.ge [sflag:s29], $0x1  }
0xbc: {  	[sflag:s29] =	ssyncadd.s32 $0xFFFFFFFF  }
0xbd: {  	_ =	strace $0x90000048  }
0xbe: {  	_ =	sfence  }
0xbf: {  	s30 =	sld [smem:$0x0];
	_ =	sdelay $0x2  }
0xc0: {  	s31 =	sshll.u32 s1, $0xD;
	s1 =	sshrl.u32 s1, $0x2  }
0xc1: {  	s3 =	sand.u32 $0x4000, s31;
	s1 =	sadd.s32 s1, s30  }
0xc2: {  	s0 =	sor.u32 s3, s0;
	s1 =	sshll.u32 s1, $0x11  }
0xc3: {  	s0 =	sor.u32 s1, s0  }
0xc4: {  	s0 =	sadd.s32 $0x8F2B, s0  }
0xc5: {  	[sflag:s0] =	ssyncadd.remote.s32 $0x1  }
0xc6: {  	_ =	sfence.sel $0xFFFF  }
0xc7: {  	[dreg:$0x0] =	wrdreg $0xFFFFFFFF;
	(pc) =	sbr.abs _section_cstart, $3  }
0xc8: {  	[dreg:$0x1] =	wrdreg $0xFFFFFFFF  }
0xc9: {  	_ =	task.clear_ibuf [dreg:s9], $0x2FFFF;
	_ =	strace $0x9FFFFFFF  }
0xca: {  	(tm) =	ssettm $0x7FFFFFFF  }
0xcb: {  	_ =	shalt  }
tec
execute0_lowered:
.L_overlay_start_1:
0x0: {  	(tag) =	ssettag $0x1  }
0x1: {  	s0 =	rddreg [dreg:$0x0]  }
0x2: {  	s1 =	rddreg [dreg:$0x1]  }
0x3: {  	s2 =	rddreg [dreg:$0x3]  }
0x4: {  	s3 =	srdreg.scid;
	s6 =	stileid.u32;
	s14 =	simm.s32 $0x1  }
0x5: {  	s15 =	simm.s32 $0x2780;
	s16 =	simm.s32 $0x4F00;
	s17 =	simm.s32 $0x7680  }
0x6: {  	s19 =	simm.s32 $0xC580;
	s20 =	simm.s32 $0xED00;
	s21 =	simm.s32 $0x11480  }
0x7: {  	s22 =	simm.s32 $0x13C00;
	s23 =	simm.s32 $0x16380;
	s4 =	sand.u32 $0x1, s3  }
0x8: {  	s24 =	simm.s32 $0x0;
	s3 =	simm.s32 $0x0;
	s5 =	sshll.u32 s4, $0x4  }
0x9: {  	[smem:$0x7FF] =	sst s3;
	s7 =	ssub.s32 $0x2, s4;
	s5 =	sor.u32 s6, s5  }
0xa: {  	s4 =	sadd.s32 $0x11E00, s1;
	s8 =	sshrl.u32 s7, $0x1;
	s11 =	smul.u32 $0x4E2, s5  }
0xb: {  	_ =	strace $0x80000047;
	s6 =	sadd.s32 $0x12400, s1;
	s13 =	ssub.s32 s7, s8  }
0xc: {  	s5 =	sadd.s32 $0x11800, s1;
	s13 =	smax.u32 s13, $0x1;
	s1 =	sadd.s32 s11, s1  }
0xd: {  	s7 =	sadd.s32 s0, s11;
	s11 =	sadd.s32 s2, s11;
	s8 =	sadd.s32 $0x7A00, s1  }
0xe: {  	s9 =	sadd.s32 $0x1C800, s1;
	s10 =	sadd.s32 $0x26600, s1;
	s12 =	sadd.s32 $0x12A00, s1  }
.LBB2_1:
0xf: {  	[tilespmem:s3], [sflag:$0x1] =	stream.linear.gather [hbm4b:s4+s3], $0x2780, $0x38;
	[tilespmem:$0x18B00] =	vst v63  }
0x10: {  	_ =	swait.ge [sflag:s14], $0x2780  }
0x11: {  	[sflag:s14] =	ssyncset.done $0x0  }
0x12: {  	[sflag:s14] =	ssyncadd.s32 $0xFFFFD880  }
0x13: {  	[tilespmem:s15], [sflag:$0x1] =	stream.linear.gather [hbm4b:s5+s3], $0x2780, $0x38;
	[tilespmem:$0x18B00] =	vst v63  }
0x14: {  	_ =	swait.ge [sflag:s14], $0x2780  }
0x15: {  	[sflag:s14] =	ssyncset.done $0x0  }
0x16: {  	[sflag:s14] =	ssyncadd.s32 $0xFFFFD880  }
0x17: {  	s0 =	rddreg [dreg:$0x2]  }
0x18: {  	[tilespmem:s16], [sflag:$0x1] =	stream.linear.gather [hbm4b:s0+s3], $0x2780, $0x38;
	[tilespmem:$0x18B00] =	vst v63  }
0x19: {  	_ =	swait.ge [sflag:s14], $0x2780  }
0x1a: {  	[sflag:s14] =	ssyncset.done $0x0  }
0x1b: {  	[sflag:s14] =	ssyncadd.s32 $0xFFFFD880  }
0x1c: {  	[tilespmem:s17], [sflag:$0x1] =	stream.linear.gather [hbm4b:s6+s3], $0x2780, $0x38;
	[tilespmem:$0x18B00] =	vst v63  }
0x1d: {  	_ =	swait.ge [sflag:s14], $0x2780  }
0x1e: {  	[sflag:s14] =	ssyncset.done $0x0  }
0x1f: {  	s26 =	simm.s32 $0x9E00;
	[sflag:s14] =	ssyncadd.s32 $0xFFFFD880  }
0x20: {  	[tilespmem:s26], [sflag:$0x1] =	stream.linear.gather [hbm4b:s7+s3], $0x2710, $0x38;
	[tilespmem:$0x18B00] =	vst v63  }
0x21: {  	_ =	swait.ge [sflag:s14], $0x2710  }
0x22: {  	[sflag:s14] =	ssyncset.done $0x0  }
0x23: {  	[sflag:s14] =	ssyncadd.s32 $0xFFFFD8F0  }
0x24: {  	[tilespmem:s19], [sflag:$0x1] =	stream.linear.gather [hbm4b:s8+s3], $0x2710, $0x38;
	[tilespmem:$0x18B00] =	vst v63  }
0x25: {  	_ =	swait.ge [sflag:s14], $0x2710  }
0x26: {  	[sflag:s14] =	ssyncset.done $0x0  }
0x27: {  	s2 =	simm.s32 $0x0;
	[sflag:s14] =	ssyncadd.s32 $0xFFFFD8F0  }
0x28: {  	v1 =	vld [tilespmem:s2+$0x9E00];
	_ =	sdelay $0x1  }
0x29: {  	v2 =	vld [tilespmem:s2+$0xC580];
	_ =	sdelay $0x3  }
0x2a: {  	s0 =	simm.s32 $0x10  }
0x2b: {  	v0 =	vld [tilespmem:s0+$0x9E00]  }
0x2c: {  	v5 =	vld.idx.msk [tilespmem:v1+s16+$0x0], $0xffff  }
0x2d: {  	v7 =	vld.idx.msk [tilespmem:v1+s15+$0x0], $0xffff  }
0x2e: {  	v6 =	vld.idx.msk [tilespmem:v2+s16+$0x0], $0xffff  }
0x2f: {  	v8 =	vld.idx.msk [tilespmem:v2+s15+$0x0], $0xffff  }
0x30: {  	v2 =	vld.idx.msk [tilespmem:v2+s3+$0x0], $0xffff  }
0x31: {  	v3 =	vld.idx.msk [tilespmem:v1+s3+$0x0], $0xffff  }
0x32: {  	s31 =	simm.s32 $0x20;
	v4 =	vld.idx.msk [tilespmem:v1+s17+$0x0], $0xffff  }
0x33: {  	s30 =	simm.s32 $0x30;
	s29 =	simm.s32 $0x40;
	s28 =	simm.s32 $0x50;
	v1 =	vld [tilespmem:s0+$0xC580];
	v6 =	vsub.f32 v6, v5  }
0x34: {  	s1 =	simm.s32 $0x200;
	s25 =	simm.s32 $0x70;
	s26 =	simm.s32 $0x60;
	v5 =	vsub.f32 v8, v7  }
.LBB2_2:
0x35: {  	p0 =	sne.s32 s1, $0x9C00;
	[tilespmem:s2+$0x13C00] =	vst v6;
	s18 =	smov.u32 s1;
	s1 =	sadd.s32 $0x40, s1  }
0x36: {  	v2 =	vsub.f32 v2, v3;
	[tilespmem:s2+$0x11480] =	vst v5  }
0x37: {  	[tilespmem:s2+$0x16380] =	vst v4  }
0x38: {  	v5 =	vld [tilespmem:s31+$0x9E00];
	[tilespmem:s2+$0xED00] =	vst v2;
	s2 =	smov.u32 s0;
	s0 =	smov.u32 s31;
	s31 =	smov.u32 s30  }
0x39: {  	s30 =	smov.u32 s29;
	s29 =	smov.u32 s28;
	s28 =	smov.u32 s26;
	v6 =	vld.idx.msk [tilespmem:v0+s16+$0x0], $0xffff  }
0x3a: {  	s26 =	smov.u32 s25;
	v7 =	vld.idx.msk [tilespmem:v0+s15+$0x0], $0xffff  }
0x3b: {  	v8 =	vld.idx.msk [tilespmem:v1+s16+$0x0], $0xffff  }
0x3c: {  	v9 =	vld.idx.msk [tilespmem:v1+s15+$0x0], $0xffff  }
0x3d: {  	v2 =	vld.idx.msk [tilespmem:v1+s3+$0x0], $0xffff  }
.Ltmp0:
0x3e: {  	v3 =	vld.idx.msk [tilespmem:v0+s3+$0x0], $0xffff;
	(pc) =	sbr.rel @p0 .LBB2_2-.Ltmp0, $4  }
0x3f: {  	v4 =	vld.idx.msk [tilespmem:v0+s17+$0x0], $0xffff;
	v0 =	vmov v5  }
0x40: {  	s25 =	sshra.s32 s18, $0x2  }
0x41: {  	v6 =	vsub.f32 v8, v6;
	v1 =	vld [tilespmem:s0+$0xC580]  }
0x42: {  	v5 =	vsub.f32 v9, v7  }
0x43: {  	_ = 	snop  }
0x44: {  	[tilespmem:s2+$0x13C00] =	vst v6  }
0x45: {  	v2 =	vsub.f32 v2, v3;
	[tilespmem:s2+$0x11480] =	vst v5  }
0x46: {  	[tilespmem:s2+$0x16380] =	vst v4  }
0x47: {  	v33 =	vld [tilespmem:s31+$0x9E00];
	[tilespmem:s2+$0xED00] =	vst v2  }
0x48: {  	v2 =	vld.idx.msk [tilespmem:v0+s16+$0x0], $0xffff  }
0x49: {  	v4 =	vld.idx.msk [tilespmem:v0+s15+$0x0], $0xffff  }
0x4a: {  	v5 =	vld.idx.msk [tilespmem:v1+s16+$0x0], $0xffff  }
0x4b: {  	v6 =	vld.idx.msk [tilespmem:v1+s15+$0x0], $0xffff  }
0x4c: {  	v34 =	vld.idx.msk [tilespmem:v1+s3+$0x0], $0xffff  }
0x4d: {  	v35 =	vld.idx.msk [tilespmem:v0+s17+$0x0], $0xffff  }
0x4e: {  	v7 =	vld.idx.msk [tilespmem:v0+s3+$0x0], $0xffff;
	_ =	sdelay $0x1  }
0x4f: {  	v36 =	vld [tilespmem:s31+$0xC580]  }
0x50: {  	v2 =	vsub.f32 v5, v2  }
0x51: {  	v4 =	vsub.f32 v6, v4;
	[tilespmem:s0+$0x16380] =	vst v35  }
0x52: {  	v1 =	vsub.f32 v34, v7;
	[tilespmem:s0+$0x13C00] =	vst v2  }
0x53: {  	[tilespmem:s0+$0x11480] =	vst v4  }
0x54: {  	v0 =	vld [tilespmem:s30+$0x9E00];
	[tilespmem:s0+$0xED00] =	vst v1  }
0x55: {  	v1 =	vld.idx.msk [tilespmem:v33+s16+$0x0], $0xffff  }
0x56: {  	v2 =	vld.idx.msk [tilespmem:v33+s15+$0x0], $0xffff  }
0x57: {  	v4 =	vld.idx.msk [tilespmem:v36+s16+$0x0], $0xffff  }
0x58: {  	v37 =	vld.idx.msk [tilespmem:v36+s15+$0x0], $0xffff  }
0x59: {  	v5 =	vld.idx.msk [tilespmem:v36+s3+$0x0], $0xffff  }
0x5a: {  	v3 =	vld.idx.msk [tilespmem:v33+s17+$0x0], $0xffff  }
0x5b: {  	v38 =	vld.idx.msk [tilespmem:v33+s3+$0x0], $0xffff;
	_ =	sdelay $0x1  }
0x5c: {  	v39 =	vld [tilespmem:s30+$0xC580]  }
0x5d: {  	v1 =	vsub.f32 v4, v1  }
0x5e: {  	v2 =	vsub.f32 v37, v2;
	[tilespmem:s31+$0x16380] =	vst v3  }
0x5f: {  	v40 =	vsub.f32 v5, v38;
	[tilespmem:s31+$0x13C00] =	vst v1  }
0x60: {  	[tilespmem:s31+$0x11480] =	vst v2  }
0x61: {  	v2 =	vld [tilespmem:s29+$0x9E00];
	[tilespmem:s31+$0xED00] =	vst v40  }
0x62: {  	v1 =	vld.idx.msk [tilespmem:v0+s16+$0x0], $0xffff  }
0x63: {  	v3 =	vld.idx.msk [tilespmem:v0+s15+$0x0], $0xffff  }
0x64: {  	v41 =	vld.idx.msk [tilespmem:v39+s16+$0x0], $0xffff  }
0x65: {  	v42 =	vld.idx.msk [tilespmem:v39+s15+$0x0], $0xffff  }
0x66: {  	v43 =	vld.idx.msk [tilespmem:v0+s3+$0x0], $0xffff  }
0x67: {  	v0 =	vld.idx.msk [tilespmem:v0+s17+$0x0], $0xffff  }
0x68: {  	v4 =	vld.idx.msk [tilespmem:v39+s3+$0x0], $0xffff;
	_ =	sdelay $0x1  }
0x69: {  	v44 =	vld [tilespmem:s29+$0xC580]  }
0x6a: {  	v1 =	vsub.f32 v41, v1  }
0x6b: {  	v3 =	vsub.f32 v42, v3;
	[tilespmem:s30+$0x16380] =	vst v0  }
0x6c: {  	v45 =	vsub.f32 v4, v43;
	[tilespmem:s30+$0x13C00] =	vst v1  }
0x6d: {  	[tilespmem:s30+$0x11480] =	vst v3  }
0x6e: {  	v0 =	vld [tilespmem:s28+$0x9E00];
	[tilespmem:s30+$0xED00] =	vst v45  }
0x6f: {  	v1 =	vld.idx.msk [tilespmem:v2+s16+$0x0], $0xffff  }
0x70: {  	v3 =	vld.idx.msk [tilespmem:v2+s15+$0x0], $0xffff  }
0x71: {  	v46 =	vld.idx.msk [tilespmem:v44+s16+$0x0], $0xffff  }
0x72: {  	v47 =	vld.idx.msk [tilespmem:v44+s15+$0x0], $0xffff  }
0x73: {  	v48 =	vld.idx.msk [tilespmem:v2+s3+$0x0], $0xffff  }
0x74: {  	v2 =	vld.idx.msk [tilespmem:v2+s17+$0x0], $0xffff  }
0x75: {  	v5 =	vld.idx.msk [tilespmem:v44+s3+$0x0], $0xffff;
	_ =	sdelay $0x1  }
0x76: {  	v49 =	vld [tilespmem:s28+$0xC580]  }
0x77: {  	v1 =	vsub.f32 v46, v1  }
0x78: {  	v3 =	vsub.f32 v47, v3;
	[tilespmem:s29+$0x16380] =	vst v2  }
0x79: {  	v50 =	vsub.f32 v5, v48;
	[tilespmem:s29+$0x13C00] =	vst v1  }
0x7a: {  	[tilespmem:s29+$0x11480] =	vst v3  }
0x7b: {  	v2 =	vld [tilespmem:s26+$0x9E00];
	[tilespmem:s29+$0xED00] =	vst v50  }
0x7c: {  	v1 =	vld.idx.msk [tilespmem:v0+s16+$0x0], $0xffff  }
0x7d: {  	v3 =	vld.idx.msk [tilespmem:v0+s15+$0x0], $0xffff  }
0x7e: {  	v51 =	vld.idx.msk [tilespmem:v49+s16+$0x0], $0xffff  }
0x7f: {  	v52 =	vld.idx.msk [tilespmem:v49+s15+$0x0], $0xffff  }
0x80: {  	v53 =	vld.idx.msk [tilespmem:v0+s3+$0x0], $0xffff  }
0x81: {  	v0 =	vld.idx.msk [tilespmem:v0+s17+$0x0], $0xffff  }
0x82: {  	v4 =	vld.idx.msk [tilespmem:v49+s3+$0x0], $0xffff;
	_ =	sdelay $0x1  }
0x83: {  	v54 =	vld [tilespmem:s26+$0xC580]  }
0x84: {  	v1 =	vsub.f32 v51, v1  }
0x85: {  	v3 =	vsub.f32 v52, v3;
	[tilespmem:s28+$0x16380] =	vst v0  }
0x86: {  	v55 =	vsub.f32 v4, v53;
	[tilespmem:s28+$0x13C00] =	vst v1  }
0x87: {  	[tilespmem:s28+$0x11480] =	vst v3  }
0x88: {  	v0 =	vld [tilespmem:s25+$0x9E00];
	[tilespmem:s28+$0xED00] =	vst v55  }
0x89: {  	v1 =	vld.idx.msk [tilespmem:v2+s16+$0x0], $0xffff  }
0x8a: {  	v3 =	vld.idx.msk [tilespmem:v2+s15+$0x0], $0xffff  }
0x8b: {  	v56 =	vld.idx.msk [tilespmem:v54+s16+$0x0], $0xffff  }
0x8c: {  	v57 =	vld.idx.msk [tilespmem:v54+s15+$0x0], $0xffff  }
0x8d: {  	v58 =	vld.idx.msk [tilespmem:v2+s3+$0x0], $0xffff  }
0x8e: {  	v2 =	vld.idx.msk [tilespmem:v2+s17+$0x0], $0xffff  }
0x8f: {  	v5 =	vld.idx.msk [tilespmem:v54+s3+$0x0], $0xffff;
	_ =	sdelay $0x1  }
0x90: {  	v8 =	vld [tilespmem:s25+$0xC580]  }
0x91: {  	v1 =	vsub.f32 v56, v1  }
0x92: {  	v3 =	vsub.f32 v57, v3;
	[tilespmem:s26+$0x16380] =	vst v2  }
0x93: {  	v59 =	vsub.f32 v5, v58;
	[tilespmem:s26+$0x13C00] =	vst v1  }
0x94: {  	[tilespmem:s26+$0x11480] =	vst v3  }
0x95: {  	[tilespmem:s26+$0xED00] =	vst v59  }
0x96: {  	v1 =	vld.idx.msk [tilespmem:v0+s16+$0x0], $0xffff  }
0x97: {  	v2 =	vld.idx.msk [tilespmem:v0+s15+$0x0], $0xffff  }
0x98: {  	v3 =	vld.idx.msk [tilespmem:v8+s16+$0x0], $0xffff  }
0x99: {  	v60 =	vld.idx.msk [tilespmem:v8+s15+$0x0], $0xffff  }
0x9a: {  	v62 =	vld.idx.msk [tilespmem:v0+s3+$0x0], $0xffff  }
0x9b: {  	v0 =	vld.idx.msk [tilespmem:v0+s17+$0x0], $0xffff  }
0x9c: {  	v61 =	vld.idx.msk [tilespmem:v8+s3+$0x0], $0xffff;
	_ =	sdelay $0x2  }
0x9d: {  	v1 =	vsub.f32 v3, v1  }
0x9e: {  	v2 =	vsub.f32 v60, v2;
	[tilespmem:s25+$0x16380] =	vst v0  }
0x9f: {  	v63 =	vsub.f32 v61, v62;
	[tilespmem:s25+$0x13C00] =	vst v1  }
0xa0: {  	[tilespmem:s25+$0x11480] =	vst v2  }
0xa1: {  	[tilespmem:s25+$0xED00] =	vst v63  }
0xa2: {  	[hbm4b:s9+s3] =	stream.linear.scatter [tilespmem:s20], [sflag:$0x1], $0x2710, $0x38;
	[tilespmem:$0x18B00] =	vst v63  }
0xa3: {  	_ =	swait.ge [sflag:s14], $0x2710  }
0xa4: {  	[sflag:s14] =	ssyncset.done $0x0  }
0xa5: {  	[sflag:s14] =	ssyncadd.s32 $0xFFFFD8F0  }
0xa6: {  	[hbm4b:s10+s3] =	stream.linear.scatter [tilespmem:s21], [sflag:$0x1], $0x2710, $0x38;
	[tilespmem:$0x18B00] =	vst v63  }
0xa7: {  	_ =	swait.ge [sflag:s14], $0x2710  }
0xa8: {  	[sflag:s14] =	ssyncset.done $0x0  }
0xa9: {  	[sflag:s14] =	ssyncadd.s32 $0xFFFFD8F0  }
0xaa: {  	[hbm4b:s11+s3] =	stream.linear.scatter [tilespmem:s22], [sflag:$0x1], $0x2710, $0x38;
	[tilespmem:$0x18B00] =	vst v63  }
0xab: {  	s24 =	sadd.s32 $0x1, s24;
	_ =	swait.ge [sflag:s14], $0x2710  }
0xac: {  	p0 =	sne.s32 s24, s13;
	[sflag:s14] =	ssyncset.done $0x0  }
.Ltmp1:
0xad: {  	[sflag:s14] =	ssyncadd.s32 $0xFFFFD8F0;
	(pc) =	sbr.rel @p0 .LBB2_1-.Ltmp1, $4  }
0xae: {  	[hbm4b:s12+s3] =	stream.linear.scatter [tilespmem:s23], [sflag:$0x1], $0x2710, $0x38;
	[tilespmem:$0x18B00] =	vst v63  }
0xaf: {  	_ =	swait.ge [sflag:s14], $0x2710  }
0xb0: {  	[sflag:s14] =	ssyncset.done $0x0  }
0xb1: {  	[sflag:s14] =	ssyncadd.s32 $0xFFFFD8F0  }
0xb2: {  	_ =	sfence.sel $0x180000  }
0xb3: {  	[bflag:$0x0] =	sbarrier.arrive $0xFFFF  }
0xb4: {  	_ =	strace $0x90000047  }
0xb5: {  	s0 =	stileid.u32;
	[bflag:$0x2] =	sbarrier.arrive $0xFFFF  }
0xb6: {  	p0 =	sne.s32 s0, $0x0;
	s0 =	rddreg [dreg:$0x4]  }
0xb7: {  	s0 =	sadd.s32 @!p0 $0x100000, s0  }
0xb8: {  	[sflag:s0] =	ssyncadd.tile.s32 @!p0 $0x1;
	_ =	shalt  }
.Lfunc_end2:
_tile_overlayer_lowered:
.L_overlay_start_2:
0xb9: {  	(tag) =	ssettag $0x2  }
0xba: {  	s0 =	rddreg [dreg:$0x0];
	s2 =	stileid.u32  }
0xbb: {  	s1 =	rddreg [dreg:$0x1];
	p0 =	sne.s32 s2, $0x0  }
0xbc: {  	s3 =	rddreg [dreg:$0x2];
	[bflag:$0x3] =	sbarrier.arrive $0xFFFF;
	s2 =	simm.s32 @!p0 $0x1C01  }
0xbd: {  	[timem:s3], [sflag:s2] =	dma.local @!p0 [hbm:s0], s1  }
0xbe: {  	s0 =	simm.s32 @!p0 $0x1  }
0xbf: {  	_ =	swait.ge @!p0 [sflag:s0], s1  }
0xc0: {  	s1 =	ssub.s32 @!p0 $0x0, s1;
	[sflag:s0] =	ssyncset.done @!p0 $0x0  }
0xc1: {  	[sflag:s0] =	ssyncadd.s32 @!p0 s1  }
0xc2: {  	[bflag:$0x3] =	sbarrier.arrive $0xFFFF  }
0xc3: {  	_ =	shalt  }

// kernel: kernel.13.cloned.1.call-start
scs
__scs_entry_jumppad:
0x0: {  	(pc) =	sbr.rel $0x88, $3  }
0x1: {  	(tag) =	ssettag $0x0;
	lr =	simm.s32 $0x1  }
0x2: {  	[smem:$0x3F93] =	sst lr;
	_ =	strace $0xD0000000  }
0x3: {  	_ = 	snop  }
0x4: {  	_ = 	snop  }
0x5: {  	_ = 	snop  }
0x6: {  	_ = 	snop  }
0x7: {  	_ = 	snop  }
__scs_overlays_trampoline_lowered:
0x8: {  	[smem:$0x3FA2] =	sst s0  }
0x9: {  	[smem:$0x3FA3] =	sst s1  }
0xa: {  	[smem:$0x3FA4] =	sst s2  }
0xb: {  	[smem:$0x3FA5] =	sst s3  }
0xc: {  	[smem:$0x3FA6] =	sst s4  }
0xd: {  	[smem:$0x3FA7] =	sst s5  }
0xe: {  	[smem:$0x3FA8] =	sst s6  }
0xf: {  	[smem:$0x3FA9] =	sst s7  }
0x10: {  	[smem:$0x3FAA] =	sst s8  }
0x11: {  	[smem:$0x3FAB] =	sst s9;
	s0 =	simm.s32 @!p0 $0x0  }
0x12: {  	s1 =	sld [smem:$0x3F91];
	s0 =	simm.s32 @p0 $0x1  }
0x13: {  	[smem:$0x3FAC] =	sst s0;
	s0 =	simm.s32 @!p1 $0x0  }
0x14: {  	s2 =	sld [smem:$0x3F90];
	s0 =	simm.s32 @p1 $0x1  }
0x15: {  	[smem:$0x3FAD] =	sst s0;
	s0 =	simm.s32 @!p2 $0x0  }
0x16: {  	s3 =	sld [smem:$0x3FDB];
	s0 =	simm.s32 @p2 $0x1  }
0x17: {  	s4 =	simm.s32 $0x1BF5;
	[smem:$0x3FAF] =	sst s0  }
0x18: {  	s0 =	sld [smem:$0x3F92];
	_ =	swait.ge [sflag:s4], $0x0  }
0x19: {  	s7 =	sld [smem:$0x3F93]  }
0x1a: {  	s8 =	sadd.s32 $0xFFFFE003, lr  }
0x1b: {  	s9 =	sadd.s32 $0xFFFFFEF7, lr;
	s5 =	simm.s32 $0xFFFFFFFF;
	p2 =	slt.u32 s8, $0xFFFFF086  }
0x1c: {  	p1 =	slt.u32 s9, $0xF7A;
	s5 =	simm.s32 @!p2 $0x0  }
0x1d: {  	s5 =	simm.s32 @p1 $0x1;
	p0 =	seq.s32 s7, s2  }
0x1e: {  	s7 =	smul.u32 @!p0 $0xF7A, s2;
	p2 =	seq.s32 @!p0 s5, $0x0  }
0x1f: {  	s9 =	smul.u32 $0xF7A, s1;
	s8 =	simm.s32 @!p0 $0x1BF5;
	p2 =	por !p2, p0  }
0x20: {  	[sflag:s8] =	ssyncset.s32 @!p0 $0xFFFFF086;
	s6 =	sadd.s32 @!p0 s3, s7;
	s7 =	simm.s32 @!p0 $0x108  }
0x21: {  	s3 =	sadd.s32 s3, s9;
	s6 =	sadd.s32 @!p0 $0x88, s6;
	s7 =	simm.s32 @p2 $0x1082  }
0x22: {  	[simem:s7], [sflag:s8] =	dma.local @!p0 [hbm:s6], $0xF7A  }
0x23: {  	s9 =	sor.u32 $0xD0000000, s2;
	s6 =	simm.s32 $0x108;
	_ =	swait.ge @!p0 [sflag:s8], $0x0  }
0x24: {  	s3 =	sadd.s32 $0x88, s3;
	s6 =	simm.s32 @!p1 $0x1082;
	[sflag:s4] =	ssyncset.s32 $0xFFFFF086  }
0x25: {  	[simem:s6], [sflag:s4] =	dma.local [hbm:s3], $0xF7A  }
0x26: {  	[smem:$0x3F93] =	sst s1;
	(tag) =	ssettag s2;
	_ =	strace s9  }
0x27: {  	s1 =	sld [smem:$0x3FA3]  }
0x28: {  	s2 =	sld [smem:$0x3FA4]  }
0x29: {  	s4 =	sld [smem:$0x3FA6]  }
0x2a: {  	p0 =	seq.s32 s5, $0x0;
	s5 =	sld [smem:$0x3FA7]  }
0x2b: {  	s6 =	sld [smem:$0x3FA8]  }
0x2c: {  	s7 =	sld [smem:$0x3FA9]  }
0x2d: {  	s3 =	simm.s32 $0x108;
	s8 =	sld [smem:$0x3FAA]  }
0x2e: {  	s3 =	simm.s32 @!p0 $0x1082;
	s9 =	sld [smem:$0x3FAB]  }
0x2f: {  	lr =	sadd.s32 s0, s3;
	s0 =	sld [smem:$0x3FA2]  }
0x30: {  	s3 =	sld [smem:$0x3FA5]  }
0x31: {  	[smem:$0x3FAE] =	sst s10  }
0x32: {  	s10 =	sld [smem:$0x3FAC];
	_ =	sdelay $0x3  }
0x33: {  	p0 =	seq.s32 s10, $0x1;
	s10 =	sld [smem:$0x3FAE];
	_ =	sdelay $0x3  }
0x34: {  	[smem:$0x3FAE] =	sst s10  }
0x35: {  	s10 =	sld [smem:$0x3FAD];
	_ =	sdelay $0x3  }
0x36: {  	p1 =	seq.s32 s10, $0x1;
	s10 =	sld [smem:$0x3FAE];
	_ =	sdelay $0x3  }
0x37: {  	[smem:$0x3FAE] =	sst s10  }
0x38: {  	s10 =	sld [smem:$0x3FAF]  }
0x39: {  	_ = 	snop;
	(pc) =	sbr.ind lr, $3  }
0x3a: {  	_ = 	snop  }
0x3b: {  	_ = 	snop  }
0x3c: {  	p2 =	seq.s32 s10, $0x1;
	s10 =	sld [smem:$0x3FAE]  }
0x3d: {  	_ =	shalt  }
0x3e: {  	_ =	shalt  }
0x3f: {  	_ =	shalt  }
0x40: {  	_ =	shalt  }
0x41: {  	_ =	shalt  }
0x42: {  	_ =	shalt  }
0x43: {  	_ =	shalt  }
0x44: {  	_ =	shalt  }
0x45: {  	_ =	shalt  }
0x46: {  	_ =	shalt  }
0x47: {  	_ =	shalt  }
0x48: {  	_ =	shalt  }
0x49: {  	_ =	shalt  }
0x4a: {  	_ =	shalt  }
0x4b: {  	_ =	shalt  }
0x4c: {  	_ =	shalt  }
0x4d: {  	_ =	shalt  }
0x4e: {  	_ =	shalt  }
0x4f: {  	_ =	shalt  }
0x50: {  	_ =	shalt  }
0x51: {  	_ =	shalt  }
0x52: {  	_ =	shalt  }
0x53: {  	_ =	shalt  }
0x54: {  	_ =	shalt  }
0x55: {  	_ =	shalt  }
0x56: {  	_ =	shalt  }
0x57: {  	_ =	shalt  }
0x58: {  	_ =	shalt  }
0x59: {  	_ =	shalt  }
0x5a: {  	_ =	shalt  }
0x5b: {  	_ =	shalt  }
0x5c: {  	_ =	shalt  }
0x5d: {  	_ =	shalt  }
0x5e: {  	_ =	shalt  }
0x5f: {  	_ =	shalt  }
0x60: {  	_ =	shalt  }
0x61: {  	_ =	shalt  }
0x62: {  	_ =	shalt  }
0x63: {  	_ =	shalt  }
0x64: {  	_ =	shalt  }
0x65: {  	_ =	shalt  }
0x66: {  	_ =	shalt  }
0x67: {  	_ =	shalt  }
0x68: {  	_ =	shalt  }
0x69: {  	_ =	shalt  }
0x6a: {  	_ =	shalt  }
0x6b: {  	_ =	shalt  }
0x6c: {  	_ =	shalt  }
0x6d: {  	_ =	shalt  }
0x6e: {  	_ =	shalt  }
0x6f: {  	_ =	shalt  }
0x70: {  	_ =	shalt  }
0x71: {  	_ =	shalt  }
0x72: {  	_ =	shalt  }
0x73: {  	_ =	shalt  }
0x74: {  	_ =	shalt  }
0x75: {  	_ =	shalt  }
0x76: {  	_ =	shalt  }
0x77: {  	_ =	shalt  }
0x78: {  	_ =	shalt  }
0x79: {  	_ =	shalt  }
0x7a: {  	_ =	shalt  }
0x7b: {  	_ =	shalt  }
0x7c: {  	_ =	shalt  }
0x7d: {  	_ =	shalt  }
0x7e: {  	_ =	shalt  }
0x7f: {  	_ =	shalt  }
0x80: {  	_ =	shalt  }
0x81: {  	_ =	shalt  }
0x82: {  	_ =	shalt  }
0x83: {  	_ =	shalt  }
0x84: {  	_ =	shalt  }
0x85: {  	_ =	shalt  }
0x86: {  	_ =	shalt  }
0x87: {  	_ =	shalt  }
.Lfunc_end0:
.L_simem_size_0:
called_computation.1_lowered:
.L_overlay_start_0:
0x88: {  	s2 =	sld [smem:$0x3FD9]  }
0x89: {  	s3 =	sld [smem:$0x3FFE];
	_ =	sdelay $0x1  }
0x8a: {  	s1 =	srdreg.scid  }
0x8b: {  	s0 =	sand.u32 $0x1, s1  }
0x8c: {  	s17 =	sshll.u32 s0, $0xA;
	s2 =	sadd.s32 s3, s2  }
0x8d: {  	s2 =	sadd.s32 s2, s17  }
0x8e: {  	[smem:$0x3FBA] =	sst s2  }
0x8f: {  	_ = 	snop  }
0x90: {  	(tm) =	ssettm $0x1  }
0x91: {  	s18 =	sld [smem:$0x3FFB];
	_ =	sdelay $0x3  }
0x92: {  	_ =	strace s18  }
0x93: {  	s2 =	sld [smem:$0x3FFC];
	_ =	sdelay $0x3  }
0x94: {  	_ =	strace s2  }
0x95: {  	s2 =	sld [smem:$0x3FFD];
	_ =	sdelay $0x3  }
0x96: {  	_ =	strace s2  }
0x97: {  	_ =	strace $0x8FFFFFFF  }
0x98: {  	s19 =	sld [smem:$0x3FDB];
	_ =	sdelay $0x1  }
0x99: {  	s20 =	simm.s32 $_scs_section_size  }
0x9a: {  	s4 =	simm.s32 $_size__tile_overlayer_lowered;
	s5 =	simm.s32 $_tile_overlayer_lowered  }
0x9b: {  	s6 =	simm.s32 $0x1BFF;
	s21 =	sshll.u32 s5, $0x1;
	s3 =	sadd.s32 s20, s19  }
0x9c: {  	s22 =	simm.s32 $0x0;
	s4 =	sshll.u32 s4, $0x1;
	s5 =	sadd.s32 s21, s3  }
0x9d: {  	[timem:s22], [sflag:s6] =	dma.local [hbm:s5], s4  }
0x9e: {  	_ =	swait.ge [sflag:s6], s4  }
0x9f: {  	s4 =	ssub.s32 $0x0, s4;
	[sflag:s6] =	ssyncset.done $0x0  }
0xa0: {  	[sflag:s6] =	ssyncadd.s32 s4;
	_ =	sdelay $0x1  }
0xa1: {  	s23 =	simm.s32 $0x1B8B  }
0xa2: {  	_ =	swait.ge [sflag:s23], $0x1  }
0xa3: {  	[sflag:s23] =	ssyncset.done $0x0  }
0xa4: {  	[sflag:s23] =	ssyncadd.s32 $0xFFFFFFFF  }
0xa5: {  	s4 =	sld [smem:$0x0]  }
0xa6: {  	s5 =	sand.u32 $0xFFFFFFFE, s1  }
0xa7: {  	p0 =	sne.s32 s1, s5  }
0xa8: {  	s5 =	sshll.u32 @p0 s5, $0xE  }
0xa9: {  	s5 =	sadd.s32 @p0 $0x11B8D, s5;
	s6 =	sshll.u32 @p0 s4, $0x11  }
0xaa: {  	s5 =	sor.u32 @p0 s6, s5  }
0xab: {  	[sflag:s5] =	ssyncadd.remote.s32 @p0 $0x1;
	_ =	sdelay $0x1  }
0xac: {  	s5 =	simm.s32 @p0 $0x1B8D  }
0xad: {  	_ =	swait.eq @p0 [sflag:s5], $0x1  }
0xae: {  	[sflag:s5] =	ssyncadd.s32 @p0 $0xFFFFFFFF  }
0xaf: {  	s6 =	sshll.u32 @!p0 s1, $0xE  }
0xb0: {  	s6 =	sor.u32 @!p0 $0x4000, s6;
	s5 =	simm.s32 @!p0 $0x1B8D  }
0xb1: {  	s4 =	sshll.u32 @!p0 s4, $0x11;
	s6 =	sadd.s32 @!p0 $0x11B8D, s6;
	_ =	swait.eq @!p0 [sflag:s5], $0x1  }
0xb2: {  	s4 =	sor.u32 @!p0 s4, s6;
	[sflag:s5] =	ssyncadd.s32 @!p0 $0xFFFFFFFF  }
0xb3: {  	s25 =	simm.s32 $0x1B8E;
	s24 =	sld [smem:$0x3FFE];
	[sflag:s4] =	ssyncadd.remote.s32 @!p0 $0x1  }
0xb4: {  	s26 =	simm.s32 $execute0_lowered;
	[smem:$0x3FD2] =	sst s25  }
0xb5: {  	s5 =	sshll.u32 s26, $0x1;
	_ =	strace $0x8000004C;
	[dreg:$0x1] =	wrdreg $0xFFFFFFFF  }
0xb6: {  	s28 =	simm.s32 $_size_execute0_lowered;
	s3 =	sadd.s32 s3, s5;
	[dreg:$0x0] =	wrdreg $0x0  }
0xb7: {  	s5 =	sshll.u32 s28, $0x1;
	[dreg:$0x2] =	wrdreg s3  }
0xb8: {  	[dreg:$0x3] =	wrdreg s5  }
0xb9: {  	[dreg:$0x4] =	wrdreg $0xC0  }
0xba: {  	_ =	task [dreg:s22], $0x5FFFF  }
0xbb: {  	[dreg:$0x1] =	wrdreg $0xFFFFFFFF  }
0xbc: {  	[dreg:$0x0] =	wrdreg $0x60  }
0xbd: {  	[dreg:$0x2] =	wrdreg s24  }
0xbe: {  	[dreg:$0x3] =	wrdreg $0x0  }
0xbf: {  	[dreg:$0x4] =	wrdreg $0x9  }
0xc0: {  	_ =	task.clear_ibuf [dreg:s22], $0x5FFFF;
	_ =	strace $0x9000004C  }
0xc1: {  	s29 =	simm.s32 $0x9;
	_ =	strace $0x8000004E  }
0xc2: {  	_ =	swait.ge [sflag:s29], $0x1  }
0xc3: {  	[sflag:s29] =	ssyncadd.s32 $0xFFFFFFFF  }
0xc4: {  	_ =	strace $0x9000004E  }
0xc5: {  	_ =	sfence  }
0xc6: {  	s30 =	sld [smem:$0x0];
	_ =	sdelay $0x2  }
0xc7: {  	s31 =	sshll.u32 s1, $0xD;
	s1 =	sshrl.u32 s1, $0x2  }
0xc8: {  	s4 =	sand.u32 $0x4000, s31;
	s1 =	sadd.s32 s1, s30  }
0xc9: {  	s0 =	sor.u32 s4, s0;
	s1 =	sshll.u32 s1, $0x11  }
0xca: {  	s0 =	sor.u32 s1, s0  }
0xcb: {  	s0 =	sadd.s32 $0x8F2B, s0  }
0xcc: {  	[sflag:s0] =	ssyncadd.remote.s32 $0x1  }
0xcd: {  	_ =	sfence.sel $0xFFFF  }
0xce: {  	[dreg:$0x0] =	wrdreg $0xFFFFFFFF;
	(pc) =	sbr.abs _section_cstart, $3  }
0xcf: {  	[dreg:$0x1] =	wrdreg $0xFFFFFFFF  }
0xd0: {  	_ =	task.clear_ibuf [dreg:s22], $0x2FFFF;
	_ =	strace $0x9FFFFFFF  }
0xd1: {  	(tm) =	ssettm $0x7FFFFFFF  }
tec
execute0_lowered:
.L_overlay_start_1:
0x0: {  	(tag) =	ssettag $0x1  }
0x1: {  	s0 =	rddreg [dreg:$0x0]  }
0x2: {  	s2 =	rddreg [dreg:$0x1];
	s3 =	simm.s32 $0x0;
	s15 =	stileid.u32  }
0x3: {  	s4 =	srdreg.scid;
	s28 =	simm.s32 $0x2;
	s1 =	smul.u32 $0x2800, s15  }
0x4: {  	s29 =	simm.s32 $0x4;
	s30 =	simm.s32 $0x0;
	s6 =	smul.u32 $0x50000, s15  }
0x5: {  	[smem:$0x7FF] =	sst s3;
	s5 =	sand.u32 $0x1, s4;
	s10 =	smul.u32 $0x1388, s15  }
0x6: {  	s14 =	sadd.s32 $0x2A6400, s0;
	s25 =	sshll.u32 s15, $0x6;
	s15 =	smul.u32 $0x13880, s15  }
0x7: {  	s4 =	sadd.s32 $0x30400, s0;
	_ =	strace $0x8000004D;
	s8 =	smul.u32 $0x13880, s5  }
0x8: {  	s7 =	ssub.s32 $0x2, s5;
	p0 =	seq.s32 s5, $0x0;
	s5 =	smul.u32 $0x138800, s5  }
0x9: {  	s9 =	sshrl.u32 s7, $0x1;
	s0 =	sadd.s32 s1, s0;
	s6 =	sshrl.u32 s6, $0x2  }
0xa: {  	s1 =	simm.s32 $0x67400;
	s13 =	ssub.s32 s7, s9;
	s18 =	sadd.s32 s6, s2  }
0xb: {  	s17 =	sadd.s32 s10, s8;
	s16 =	sadd.s32 $0x3F400, s0;
	s1 =	simm.s32 @!p0 $0x8F400  }
0xc: {  	s5 =	sadd.s32 s5, s14;
	[dreg:$0x3] =	wrdreg s16;
	s19 =	sshll.u32 s17, $0x4  }
0xd: {  	s20 =	sshrl.u32 s17, $0x3;
	s8 =	sadd.s32 $0x28, s17;
	s12 =	sadd.s32 $0x1360, s17  }
0xe: {  	s10 =	smax.u32 s13, $0x1;
	s13 =	sor.u32 $0x1C05, s25;
	s16 =	sadd.s32 $0x78, s17  }
0xf: {  	s26 =	sadd.s32 s15, s5;
	s17 =	sadd.s32 $0x50, s17;
	s18 =	sshrl.u32 s18, $0x3  }
0x10: {  	s25 =	simm.s32 $0x3;
	s6 =	sadd.s32 s14, s19;
	s21 =	sadd.s32 s4, s20  }
0x11: {  	s22 =	sshll.u32 s8, $0x4;
	s23 =	sshrl.u32 s8, $0x3;
	s11 =	sshll.u32 s12, $0x4  }
0x12: {  	s24 =	sshrl.u32 s12, $0x3;
	s31 =	sshrl.u32 s16, $0x3;
	s15 =	sadd.s32 $0x780, s26  }
0x13: {  	s19 =	simm.s32 $0x5;
	s20 =	simm.s32 $0x14000;
	[dreg:$0x4] =	wrdreg s6  }
0x14: {  	s26 =	simm.s32 $0x28;
	[dreg:$0x5] =	wrdreg s21;
	s8 =	sadd.s32 s14, s22  }
0x15: {  	s9 =	sadd.s32 s4, s23;
	s11 =	sadd.s32 s14, s11;
	s12 =	sadd.s32 s4, s24  }
0x16: {  	s14 =	sadd.s32 s1, s0;
	s16 =	sadd.s32 s31, s4;
	s21 =	simm.s32 $0x16800  }
0x17: {  	s22 =	simm.s32 $0x15400;
	s23 =	simm.s32 $0x16880;
	s24 =	simm.s32 $0x1  }
.LBB2_1:
0x18: {  	s0 =	rddreg [dreg:$0x3]  }
0x19: {  	[spmem:s18], [sflag:s13] =	dma.local [hbm:s0], $0x2800  }
0x1a: {  	_ =	swait.ge [sflag:s19], $0x2800  }
0x1b: {  	[sflag:s19] =	ssyncset.done $0x0  }
0x1c: {  	[sflag:s19] =	ssyncadd.s32 $0xFFFFD800  }
0x1d: {  	[bflag:$0x0] =	sbarrier.arrive $0xFFFF  }
0x1e: {  	s1 =	rddreg [dreg:$0x4]  }
0x1f: {  	[tilespmem:s20], [sflag:$0x1] =	stream.linear.gather [hbm4b:s1+s3], $0x1400, $0x38;
	[tilespmem:$0x16900] =	vst v63  }
0x20: {  	s5 =	rddreg [dreg:$0x5]  }
0x21: {  	[tilespmem:s21], [sflag:$0x3] =	stream.linear.gather [hbm4b:s5+s3], $0x28, $0x38;
	[tilespmem:$0x16900] =	vst v63  }
0x22: {  	_ = 	snop  }
0x23: {  	[tilespmem:s22], [sflag:$0x2] =	stream.linear.gather [hbm4b:s8+s3], $0x1400, $0x38;
	[tilespmem:$0x16900] =	vst v63  }
0x24: {  	_ = 	snop  }
0x25: {  	[tilespmem:s23], [sflag:$0x4] =	stream.linear.gather [hbm4b:s9+s3], $0x28, $0x38;
	[tilespmem:$0x16900] =	vst v63  }
0x26: {  	_ =	swait.ge [sflag:s24], $0x1400  }
0x27: {  	[sflag:s24] =	ssyncset.done $0x0  }
0x28: {  	[sflag:s24] =	ssyncadd.s32 $0xFFFFEC00  }
0x29: {  	_ =	swait.ge [sflag:s25], $0x28  }
0x2a: {  	[sflag:s25] =	ssyncset.done $0x0  }
0x2b: {  	[sflag:s25] =	ssyncadd.s32 $0xFFFFFFD8  }
0x2c: {  	[spmem:s2] =	stream.indirect.scatter.add.f32 [tilespmem:s20], [sflag:$0x5], $0x80, s21, s26, $0xb8;
	[tilespmem:$0x16900] =	vst v63  }
0x2d: {  	_ =	swait.ge [sflag:s19], $0x1400  }
0x2e: {  	[sflag:s19] =	ssyncset.done $0x0  }
0x2f: {  	s6 =	sadd.s32 $0xFFFFFD80, s15;
	s1 =	sshrl.u32 s17, $0x3;
	[sflag:s19] =	ssyncadd.s32 $0xFFFFEC00  }
0x30: {  	[tilespmem:s20], [sflag:$0x1] =	stream.linear.gather [hbm4b:s6+s3], $0x1400, $0x38;
	[tilespmem:$0x16900] =	vst v63  }
0x31: {  	s7 =	sadd.s32 s4, s1  }
0x32: {  	[tilespmem:s21], [sflag:$0x3] =	stream.linear.gather [hbm4b:s7+s3], $0x28, $0x38;
	[tilespmem:$0x16900] =	vst v63  }
0x33: {  	_ =	swait.ge [sflag:s28], $0x1400  }
0x34: {  	[sflag:s28] =	ssyncset.done $0x0  }
0x35: {  	[sflag:s28] =	ssyncadd.s32 $0xFFFFEC00  }
0x36: {  	_ =	swait.ge [sflag:s29], $0x28  }
0x37: {  	[sflag:s29] =	ssyncset.done $0x0  }
0x38: {  	[sflag:s29] =	ssyncadd.s32 $0xFFFFFFD8  }
0x39: {  	[spmem:s2] =	stream.indirect.scatter.add.f32 [tilespmem:s22], [sflag:$0x5], $0x80, s23, s26, $0xb8;
	[tilespmem:$0x16900] =	vst v63  }
0x3a: {  	_ =	swait.ge [sflag:s19], $0x1400  }
0x3b: {  	s31 =	simm.s32 $0xA;
	s0 =	sadd.s32 $0x500, s15;
	[sflag:s19] =	ssyncset.done $0x0  }
0x3c: {  	s1 =	sadd.s32 $0x50, s17;
	s5 =	sadd.s32 $0x0, s16;
	[sflag:s19] =	ssyncadd.s32 $0xFFFFEC00  }
0x3d: {  	[tilespmem:s22], [sflag:$0x2] =	stream.linear.gather [hbm4b:s15+s3], $0x1400, $0x38;
	[tilespmem:$0x16900] =	vst v63  }
.LBB2_2:
0x3e: {  	[tilespmem:s23], [sflag:$0x4] =	stream.linear.gather [hbm4b:s5+s3], $0x28, $0x38;
	[tilespmem:$0x16900] =	vst v63  }
0x3f: {  	s5 =	smov.u32 s31  }
0x40: {  	p0 =	sne.s32 s31, $0x258;
	s31 =	sadd.s32 $0xA, s31;
	_ =	swait.ge [sflag:s24], $0x1400  }
0x41: {  	[sflag:s24] =	ssyncset.done $0x0  }
0x42: {  	[sflag:s24] =	ssyncadd.s32 $0xFFFFEC00  }
0x43: {  	_ =	swait.ge [sflag:s25], $0x28  }
0x44: {  	[sflag:s25] =	ssyncset.done $0x0  }
0x45: {  	[sflag:s25] =	ssyncadd.s32 $0xFFFFFFD8  }
0x46: {  	[spmem:s2] =	stream.indirect.scatter.add.f32 [tilespmem:s20], [sflag:$0x5], $0x80, s21, s26, $0xb8;
	[tilespmem:$0x16900] =	vst v63  }
0x47: {  	_ =	swait.ge [sflag:s19], $0x1400  }
0x48: {  	[sflag:s19] =	ssyncset.done $0x0  }
0x49: {  	s6 =	sadd.s32 $0xFFFFFD80, s0;
	s7 =	sshrl.u32 s1, $0x3;
	[sflag:s19] =	ssyncadd.s32 $0xFFFFEC00  }
0x4a: {  	[tilespmem:s20], [sflag:$0x1] =	stream.linear.gather [hbm4b:s6+s3], $0x1400, $0x38;
	[tilespmem:$0x16900] =	vst v63  }
0x4b: {  	s6 =	sadd.s32 s4, s7  }
0x4c: {  	[tilespmem:s21], [sflag:$0x3] =	stream.linear.gather [hbm4b:s6+s3], $0x28, $0x38;
	[tilespmem:$0x16900] =	vst v63  }
0x4d: {  	_ =	swait.ge [sflag:s28], $0x1400  }
0x4e: {  	[sflag:s28] =	ssyncset.done $0x0  }
0x4f: {  	[sflag:s28] =	ssyncadd.s32 $0xFFFFEC00  }
0x50: {  	_ =	swait.ge [sflag:s29], $0x28  }
0x51: {  	[sflag:s29] =	ssyncset.done $0x0  }
0x52: {  	[sflag:s29] =	ssyncadd.s32 $0xFFFFFFD8  }
0x53: {  	[spmem:s2] =	stream.indirect.scatter.add.f32 [tilespmem:s22], [sflag:$0x5], $0x80, s23, s26, $0xb8;
	[tilespmem:$0x16900] =	vst v63  }
.Ltmp0:
0x54: {  	_ =	swait.ge [sflag:s19], $0x1400;
	(pc) =	sbr.rel @p0 .LBB2_2-.Ltmp0, $4  }
0x55: {  	[sflag:s19] =	ssyncset.done $0x0  }
0x56: {  	[sflag:s19] =	ssyncadd.s32 $0xFFFFEC00  }
0x57: {  	[tilespmem:s22], [sflag:$0x2] =	stream.linear.gather [hbm4b:s0+s3], $0x1400, $0x38;
	[tilespmem:$0x16900] =	vst v63  }
0x58: {  	s1 =	sadd.s32 $0x50, s1;
	s5 =	sadd.s32 s5, s16;
	s0 =	sadd.s32 $0x500, s0  }
0x59: {  	[tilespmem:s23], [sflag:$0x4] =	stream.linear.gather [hbm4b:s5+s3], $0x28, $0x38;
	[tilespmem:$0x16900] =	vst v63  }
0x5a: {  	_ =	swait.ge [sflag:s24], $0x1400  }
0x5b: {  	[sflag:s24] =	ssyncset.done $0x0  }
0x5c: {  	[sflag:s24] =	ssyncadd.s32 $0xFFFFEC00  }
0x5d: {  	_ =	swait.ge [sflag:s25], $0x28  }
0x5e: {  	[sflag:s25] =	ssyncset.done $0x0  }
0x5f: {  	[sflag:s25] =	ssyncadd.s32 $0xFFFFFFD8  }
0x60: {  	[spmem:s2] =	stream.indirect.scatter.add.f32 [tilespmem:s20], [sflag:$0x5], $0x80, s21, s26, $0xb8;
	[tilespmem:$0x16900] =	vst v63  }
0x61: {  	_ =	swait.ge [sflag:s19], $0x1400  }
0x62: {  	[sflag:s19] =	ssyncset.done $0x0  }
0x63: {  	[sflag:s19] =	ssyncadd.s32 $0xFFFFEC00  }
0x64: {  	[tilespmem:s20], [sflag:$0x1] =	stream.linear.gather [hbm4b:s11+s3], $0x1400, $0x38;
	[tilespmem:$0x16900] =	vst v63  }
0x65: {  	_ = 	snop  }
0x66: {  	[tilespmem:s21], [sflag:$0x3] =	stream.linear.gather [hbm4b:s12+s3], $0x28, $0x38;
	[tilespmem:$0x16900] =	vst v63  }
0x67: {  	_ =	swait.ge [sflag:s28], $0x1400  }
0x68: {  	[sflag:s28] =	ssyncset.done $0x0  }
0x69: {  	[sflag:s28] =	ssyncadd.s32 $0xFFFFEC00  }
0x6a: {  	_ =	swait.ge [sflag:s29], $0x28  }
0x6b: {  	[sflag:s29] =	ssyncset.done $0x0  }
0x6c: {  	[sflag:s29] =	ssyncadd.s32 $0xFFFFFFD8  }
0x6d: {  	[spmem:s2] =	stream.indirect.scatter.add.f32 [tilespmem:s22], [sflag:$0x5], $0x80, s23, s26, $0xb8;
	[tilespmem:$0x16900] =	vst v63  }
0x6e: {  	_ =	swait.ge [sflag:s19], $0x1400  }
0x6f: {  	[sflag:s19] =	ssyncset.done $0x0  }
0x70: {  	[sflag:s19] =	ssyncadd.s32 $0xFFFFEC00  }
0x71: {  	_ =	swait.ge [sflag:s24], $0x1400  }
0x72: {  	[sflag:s24] =	ssyncset.done $0x0  }
0x73: {  	[sflag:s24] =	ssyncadd.s32 $0xFFFFEC00  }
0x74: {  	_ =	swait.ge [sflag:s25], $0x28  }
0x75: {  	[sflag:s25] =	ssyncset.done $0x0  }
0x76: {  	[sflag:s25] =	ssyncadd.s32 $0xFFFFFFD8  }
0x77: {  	[spmem:s2] =	stream.indirect.scatter.add.f32 [tilespmem:s20], [sflag:$0x5], $0x80, s21, s26, $0xb8;
	[tilespmem:$0x16900] =	vst v63  }
0x78: {  	_ =	swait.ge [sflag:s19], $0x1400  }
0x79: {  	s30 =	sadd.s32 $0x1, s30;
	[sflag:s19] =	ssyncset.done $0x0  }
0x7a: {  	p0 =	sne.s32 s30, s10;
	[sflag:s19] =	ssyncadd.s32 $0xFFFFEC00  }
.Ltmp1:
0x7b: {  	[bflag:$0x0] =	sbarrier.arrive $0xFFFF;
	(pc) =	sbr.rel @p0 .LBB2_1-.Ltmp1, $4  }
0x7c: {  	[hbm:s14], [sflag:s13] =	dma.local [spmem:s18], $0x2800  }
0x7d: {  	_ =	swait.ge [sflag:s19], $0x2800  }
0x7e: {  	[sflag:s19] =	ssyncset.done $0x0  }
0x7f: {  	[sflag:s19] =	ssyncadd.s32 $0xFFFFD800  }
0x80: {  	_ =	sfence.sel $0x180000  }
0x81: {  	[bflag:$0x0] =	sbarrier.arrive $0xFFFF  }
0x82: {  	_ =	strace $0x9000004D  }
0x83: {  	s0 =	stileid.u32;
	[bflag:$0x2] =	sbarrier.arrive $0xFFFF  }
0x84: {  	p0 =	sne.s32 s0, $0x0;
	s0 =	rddreg [dreg:$0x2]  }
0x85: {  	s0 =	sadd.s32 @!p0 $0x100000, s0  }
0x86: {  	[sflag:s0] =	ssyncadd.tile.s32 @!p0 $0x1;
	_ =	shalt  }
.Lfunc_end2:
_tile_overlayer_lowered:
.L_overlay_start_2:
0x87: {  	(tag) =	ssettag $0x2  }
0x88: {  	s0 =	rddreg [dreg:$0x0];
	s2 =	stileid.u32  }
0x89: {  	s1 =	rddreg [dreg:$0x1];
	p0 =	sne.s32 s2, $0x0  }
0x8a: {  	s3 =	rddreg [dreg:$0x2];
	[bflag:$0x3] =	sbarrier.arrive $0xFFFF;
	s2 =	simm.s32 @!p0 $0x1C05  }
0x8b: {  	[timem:s3], [sflag:s2] =	dma.local @!p0 [hbm:s0], s1  }
0x8c: {  	s0 =	simm.s32 @!p0 $0x5  }
0x8d: {  	_ =	swait.ge @!p0 [sflag:s0], s1  }
0x8e: {  	s1 =	ssub.s32 @!p0 $0x0, s1;
	[sflag:s0] =	ssyncset.done @!p0 $0x0  }
0x8f: {  	[sflag:s0] =	ssyncadd.s32 @!p0 s1  }
0x90: {  	[bflag:$0x3] =	sbarrier.arrive $0xFFFF  }
0x91: {  	_ =	shalt  }

// kernel: kernel.16.cloned.1.call-start
scs
__scs_entry_jumppad:
0x0: {  	(pc) =	sbr.rel $0x88, $3  }
0x1: {  	(tag) =	ssettag $0x0;
	lr =	simm.s32 $0x1  }
0x2: {  	[smem:$0x3F93] =	sst lr;
	_ =	strace $0xD0000000  }
0x3: {  	_ = 	snop  }
0x4: {  	_ = 	snop  }
0x5: {  	_ = 	snop  }
0x6: {  	_ = 	snop  }
0x7: {  	_ = 	snop  }
__scs_overlays_trampoline_lowered:
0x8: {  	[smem:$0x3FA2] =	sst s0  }
0x9: {  	[smem:$0x3FA3] =	sst s1  }
0xa: {  	[smem:$0x3FA4] =	sst s2  }
0xb: {  	[smem:$0x3FA5] =	sst s3  }
0xc: {  	[smem:$0x3FA6] =	sst s4  }
0xd: {  	[smem:$0x3FA7] =	sst s5  }
0xe: {  	[smem:$0x3FA8] =	sst s6  }
0xf: {  	[smem:$0x3FA9] =	sst s7  }
0x10: {  	[smem:$0x3FAA] =	sst s8  }
0x11: {  	[smem:$0x3FAB] =	sst s9;
	s0 =	simm.s32 @!p0 $0x0  }
0x12: {  	s1 =	sld [smem:$0x3F91];
	s0 =	simm.s32 @p0 $0x1  }
0x13: {  	[smem:$0x3FAC] =	sst s0;
	s0 =	simm.s32 @!p1 $0x0  }
0x14: {  	s2 =	sld [smem:$0x3F90];
	s0 =	simm.s32 @p1 $0x1  }
0x15: {  	[smem:$0x3FAD] =	sst s0;
	s0 =	simm.s32 @!p2 $0x0  }
0x16: {  	s3 =	sld [smem:$0x3FDB];
	s0 =	simm.s32 @p2 $0x1  }
0x17: {  	s4 =	simm.s32 $0x1BF5;
	[smem:$0x3FAF] =	sst s0  }
0x18: {  	s0 =	sld [smem:$0x3F92];
	_ =	swait.ge [sflag:s4], $0x0  }
0x19: {  	s7 =	sld [smem:$0x3F93]  }
0x1a: {  	s8 =	sadd.s32 $0xFFFFE003, lr  }
0x1b: {  	s9 =	sadd.s32 $0xFFFFFEF7, lr;
	s5 =	simm.s32 $0xFFFFFFFF;
	p2 =	slt.u32 s8, $0xFFFFF086  }
0x1c: {  	p1 =	slt.u32 s9, $0xF7A;
	s5 =	simm.s32 @!p2 $0x0  }
0x1d: {  	s5 =	simm.s32 @p1 $0x1;
	p0 =	seq.s32 s7, s2  }
0x1e: {  	s7 =	smul.u32 @!p0 $0xF7A, s2;
	p2 =	seq.s32 @!p0 s5, $0x0  }
0x1f: {  	s9 =	smul.u32 $0xF7A, s1;
	s8 =	simm.s32 @!p0 $0x1BF5;
	p2 =	por !p2, p0  }
0x20: {  	[sflag:s8] =	ssyncset.s32 @!p0 $0xFFFFF086;
	s6 =	sadd.s32 @!p0 s3, s7;
	s7 =	simm.s32 @!p0 $0x108  }
0x21: {  	s3 =	sadd.s32 s3, s9;
	s6 =	sadd.s32 @!p0 $0x88, s6;
	s7 =	simm.s32 @p2 $0x1082  }
0x22: {  	[simem:s7], [sflag:s8] =	dma.local @!p0 [hbm:s6], $0xF7A  }
0x23: {  	s9 =	sor.u32 $0xD0000000, s2;
	s6 =	simm.s32 $0x108;
	_ =	swait.ge @!p0 [sflag:s8], $0x0  }
0x24: {  	s3 =	sadd.s32 $0x88, s3;
	s6 =	simm.s32 @!p1 $0x1082;
	[sflag:s4] =	ssyncset.s32 $0xFFFFF086  }
0x25: {  	[simem:s6], [sflag:s4] =	dma.local [hbm:s3], $0xF7A  }
0x26: {  	[smem:$0x3F93] =	sst s1;
	(tag) =	ssettag s2;
	_ =	strace s9  }
0x27: {  	s1 =	sld [smem:$0x3FA3]  }
0x28: {  	s2 =	sld [smem:$0x3FA4]  }
0x29: {  	s4 =	sld [smem:$0x3FA6]  }
0x2a: {  	p0 =	seq.s32 s5, $0x0;
	s5 =	sld [smem:$0x3FA7]  }
0x2b: {  	s6 =	sld [smem:$0x3FA8]  }
0x2c: {  	s7 =	sld [smem:$0x3FA9]  }
0x2d: {  	s3 =	simm.s32 $0x108;
	s8 =	sld [smem:$0x3FAA]  }
0x2e: {  	s3 =	simm.s32 @!p0 $0x1082;
	s9 =	sld [smem:$0x3FAB]  }
0x2f: {  	lr =	sadd.s32 s0, s3;
	s0 =	sld [smem:$0x3FA2]  }
0x30: {  	s3 =	sld [smem:$0x3FA5]  }
0x31: {  	[smem:$0x3FAE] =	sst s10  }
0x32: {  	s10 =	sld [smem:$0x3FAC];
	_ =	sdelay $0x3  }
0x33: {  	p0 =	seq.s32 s10, $0x1;
	s10 =	sld [smem:$0x3FAE];
	_ =	sdelay $0x3  }
0x34: {  	[smem:$0x3FAE] =	sst s10  }
0x35: {  	s10 =	sld [smem:$0x3FAD];
	_ =	sdelay $0x3  }
0x36: {  	p1 =	seq.s32 s10, $0x1;
	s10 =	sld [smem:$0x3FAE];
	_ =	sdelay $0x3  }
0x37: {  	[smem:$0x3FAE] =	sst s10  }
0x38: {  	s10 =	sld [smem:$0x3FAF]  }
0x39: {  	_ = 	snop;
	(pc) =	sbr.ind lr, $3  }
0x3a: {  	_ = 	snop  }
0x3b: {  	_ = 	snop  }
0x3c: {  	p2 =	seq.s32 s10, $0x1;
	s10 =	sld [smem:$0x3FAE]  }
0x3d: {  	_ =	shalt  }
0x3e: {  	_ =	shalt  }
0x3f: {  	_ =	shalt  }
0x40: {  	_ =	shalt  }
0x41: {  	_ =	shalt  }
0x42: {  	_ =	shalt  }
0x43: {  	_ =	shalt  }
0x44: {  	_ =	shalt  }
0x45: {  	_ =	shalt  }
0x46: {  	_ =	shalt  }
0x47: {  	_ =	shalt  }
0x48: {  	_ =	shalt  }
0x49: {  	_ =	shalt  }
0x4a: {  	_ =	shalt  }
0x4b: {  	_ =	shalt  }
0x4c: {  	_ =	shalt  }
0x4d: {  	_ =	shalt  }
0x4e: {  	_ =	shalt  }
0x4f: {  	_ =	shalt  }
0x50: {  	_ =	shalt  }
0x51: {  	_ =	shalt  }
0x52: {  	_ =	shalt  }
0x53: {  	_ =	shalt  }
0x54: {  	_ =	shalt  }
0x55: {  	_ =	shalt  }
0x56: {  	_ =	shalt  }
0x57: {  	_ =	shalt  }
0x58: {  	_ =	shalt  }
0x59: {  	_ =	shalt  }
0x5a: {  	_ =	shalt  }
0x5b: {  	_ =	shalt  }
0x5c: {  	_ =	shalt  }
0x5d: {  	_ =	shalt  }
0x5e: {  	_ =	shalt  }
0x5f: {  	_ =	shalt  }
0x60: {  	_ =	shalt  }
0x61: {  	_ =	shalt  }
0x62: {  	_ =	shalt  }
0x63: {  	_ =	shalt  }
0x64: {  	_ =	shalt  }
0x65: {  	_ =	shalt  }
0x66: {  	_ =	shalt  }
0x67: {  	_ =	shalt  }
0x68: {  	_ =	shalt  }
0x69: {  	_ =	shalt  }
0x6a: {  	_ =	shalt  }
0x6b: {  	_ =	shalt  }
0x6c: {  	_ =	shalt  }
0x6d: {  	_ =	shalt  }
0x6e: {  	_ =	shalt  }
0x6f: {  	_ =	shalt  }
0x70: {  	_ =	shalt  }
0x71: {  	_ =	shalt  }
0x72: {  	_ =	shalt  }
0x73: {  	_ =	shalt  }
0x74: {  	_ =	shalt  }
0x75: {  	_ =	shalt  }
0x76: {  	_ =	shalt  }
0x77: {  	_ =	shalt  }
0x78: {  	_ =	shalt  }
0x79: {  	_ =	shalt  }
0x7a: {  	_ =	shalt  }
0x7b: {  	_ =	shalt  }
0x7c: {  	_ =	shalt  }
0x7d: {  	_ =	shalt  }
0x7e: {  	_ =	shalt  }
0x7f: {  	_ =	shalt  }
0x80: {  	_ =	shalt  }
0x81: {  	_ =	shalt  }
0x82: {  	_ =	shalt  }
0x83: {  	_ =	shalt  }
0x84: {  	_ =	shalt  }
0x85: {  	_ =	shalt  }
0x86: {  	_ =	shalt  }
0x87: {  	_ =	shalt  }
.Lfunc_end0:
.L_simem_size_0:
called_computation.2_lowered:
.L_overlay_start_0:
0x88: {  	s2 =	sld [smem:$0x3FD9]  }
0x89: {  	s3 =	sld [smem:$0x3FFE];
	_ =	sdelay $0x1  }
0x8a: {  	s1 =	srdreg.scid  }
0x8b: {  	s0 =	sand.u32 $0x1, s1  }
0x8c: {  	s14 =	sshll.u32 s0, $0xA;
	s2 =	sadd.s32 s3, s2  }
0x8d: {  	s2 =	sadd.s32 s2, s14  }
0x8e: {  	[smem:$0x3FBA] =	sst s2  }
0x8f: {  	_ = 	snop  }
0x90: {  	s2 =	sld [smem:$0x3FD0];
	_ =	sdelay $0x2  }
0x91: {  	s15 =	simm.s32 $0xB;
	s4 =	simm.s32 $0x10  }
0x92: {  	[smem:s4], [sflag:s15] =	dma.local [hbm:s2], $0x1  }
0x93: {  	_ =	swait.eq [sflag:s15], $0x1  }
0x94: {  	[sflag:s15] =	ssyncset.done $0x0  }
0x95: {  	[sflag:s15] =	ssyncadd.s32 $0xFFFFFFFF  }
0x96: {  	s16 =	sld [smem:$0x11];
	(tm) =	ssettm $0x1  }
0x97: {  	s17 =	sld [smem:$0x3FFB];
	_ =	sdelay $0x3  }
0x98: {  	_ =	strace s17  }
0x99: {  	s3 =	sld [smem:$0x3FFC];
	_ =	sdelay $0x3  }
0x9a: {  	_ =	strace s3  }
0x9b: {  	s3 =	sld [smem:$0x3FFD];
	_ =	sdelay $0x3  }
0x9c: {  	_ =	strace s3  }
0x9d: {  	_ =	strace $0x8FFFFFFF  }
0x9e: {  	s18 =	sld [smem:$0x3FDB];
	_ =	sdelay $0x1  }
0x9f: {  	s19 =	simm.s32 $_scs_section_size  }
0xa0: {  	s5 =	simm.s32 $_size__tile_overlayer_lowered;
	s6 =	simm.s32 $_tile_overlayer_lowered  }
0xa1: {  	s22 =	simm.s32 $0x1BFF;
	s21 =	sshll.u32 s6, $0x1;
	s3 =	sadd.s32 s19, s18  }
0xa2: {  	s7 =	simm.s32 $0x0;
	s20 =	sshll.u32 s5, $0x1;
	s5 =	sadd.s32 s21, s3  }
0xa3: {  	[timem:s7], [sflag:s22] =	dma.local [hbm:s5], s20  }
0xa4: {  	_ =	swait.ge [sflag:s22], s20  }
0xa5: {  	s4 =	ssub.s32 $0x0, s20;
	[sflag:s22] =	ssyncset.done $0x0  }
0xa6: {  	[sflag:s22] =	ssyncadd.s32 s4;
	_ =	sdelay $0x1  }
0xa7: {  	s23 =	simm.s32 $0x1B8B  }
0xa8: {  	_ =	swait.ge [sflag:s23], $0x1  }
0xa9: {  	[sflag:s23] =	ssyncset.done $0x0  }
0xaa: {  	s25 =	simm.s32 $0x1B8E;
	s24 =	sld [smem:$0x3FFE];
	[sflag:s23] =	ssyncadd.s32 $0xFFFFFFFF  }
0xab: {  	s26 =	simm.s32 $execute0_lowered;
	[smem:$0x3FD2] =	sst s25  }
0xac: {  	s5 =	sshll.u32 s26, $0x1;
	_ =	strace $0x80000049;
	[dreg:$0x1] =	wrdreg $0xFFFFFFFF  }
0xad: {  	s28 =	simm.s32 $_size_execute0_lowered;
	s3 =	sadd.s32 s3, s5;
	[dreg:$0x0] =	wrdreg $0x0  }
0xae: {  	s5 =	sshll.u32 s28, $0x1;
	[dreg:$0x2] =	wrdreg s3  }
0xaf: {  	[dreg:$0x3] =	wrdreg s5  }
0xb0: {  	[dreg:$0x4] =	wrdreg $0xC0  }
0xb1: {  	_ =	task [dreg:s7], $0x5FFFF  }
0xb2: {  	[dreg:$0x1] =	wrdreg $0xFFFFFFFF  }
0xb3: {  	[dreg:$0x0] =	wrdreg $0x60  }
0xb4: {  	[dreg:$0x2] =	wrdreg s16  }
0xb5: {  	[dreg:$0x3] =	wrdreg s24  }
0xb6: {  	[dreg:$0x4] =	wrdreg $0x0  }
0xb7: {  	[dreg:$0x5] =	wrdreg $0xA  }
0xb8: {  	_ =	task.clear_ibuf [dreg:s7], $0x6FFFF;
	_ =	strace $0x90000049  }
0xb9: {  	s29 =	simm.s32 $0xA;
	_ =	strace $0x8000004B  }
0xba: {  	_ =	swait.ge [sflag:s29], $0x1  }
0xbb: {  	[sflag:s29] =	ssyncadd.s32 $0xFFFFFFFF  }
0xbc: {  	_ =	strace $0x9000004B  }
0xbd: {  	_ =	sfence  }
0xbe: {  	s30 =	sld [smem:$0x0];
	_ =	sdelay $0x2  }
0xbf: {  	s31 =	sshll.u32 s1, $0xD;
	s1 =	sshrl.u32 s1, $0x2  }
0xc0: {  	s3 =	sand.u32 $0x4000, s31;
	s1 =	sadd.s32 s1, s30  }
0xc1: {  	s0 =	sor.u32 s3, s0;
	s1 =	sshll.u32 s1, $0x11  }
0xc2: {  	s0 =	sor.u32 s1, s0  }
0xc3: {  	s0 =	sadd.s32 $0x8F2B, s0  }
0xc4: {  	[sflag:s0] =	ssyncadd.remote.s32 $0x1  }
0xc5: {  	_ =	sfence.sel $0xFFFF  }
0xc6: {  	[dreg:$0x0] =	wrdreg $0xFFFFFFFF;
	(pc) =	sbr.abs _section_cstart, $3  }
0xc7: {  	[dreg:$0x1] =	wrdreg $0xFFFFFFFF  }
0xc8: {  	_ =	task.clear_ibuf [dreg:s7], $0x2FFFF;
	_ =	strace $0x9FFFFFFF  }
0xc9: {  	(tm) =	ssettm $0x7FFFFFFF  }
tec
execute0_lowered:
.L_overlay_start_1:
0x0: {  	(tag) =	ssettag $0x1  }
0x1: {  	s19 =	rddreg [dreg:$0x0]  }
0x2: {  	s10 =	rddreg [dreg:$0x1]  }
0x3: {  	s2 =	rddreg [dreg:$0x2];
	s1 =	stileid.u32  }
0x4: {  	s0 =	rddreg [dreg:$0x3];
	s3 =	simm.s32 $0x0;
	s5 =	srdreg.scid  }
0x5: {  	s4 =	smul.u32 $0x2800, s1;
	[smem:$0x7FF] =	sst s3  }
0x6: {  	s22 =	sand.u32 $0x1, s5;
	s9 =	smul.u32 $0x1388, s1;
	s26 =	sshll.u32 s1, $0x6  }
0x7: {  	_ =	strace $0x8000004A;
	s8 =	smul.u32 $0x13880, s22;
	s6 =	sshrl.u32 s4, $0x3  }
0x8: {  	s5 =	sor.u32 $0x1C01, s26;
	s25 =	sadd.s32 s4, s2;
	s21 =	sadd.s32 s6, s10  }
0x9: {  	s7 =	sshrl.u32 s25, $0x3;
	s6 =	simm.s32 $0x1;
	s4 =	sadd.s32 $0x12A00, s21  }
0xa: {  	[spmem:s7], [sflag:s5] =	dma.local [hbm:s4], $0x500  }
0xb: {  	_ =	swait.ge [sflag:s6], $0x500  }
0xc: {  	s23 =	sadd.s32 s9, s8;
	[sflag:s6] =	ssyncset.done $0x0  }
0xd: {  	s8 =	sshll.u32 s23, $0x1;
	[sflag:s6] =	ssyncadd.s32 $0xFFFFFB00  }
0xe: {  	s9 =	simm.s32 $0x2800;
	s8 =	sadd.s32 s19, s8;
	[bflag:$0x0] =	sbarrier.arrive $0xFFFF  }
0xf: {  	[tilespmem:s9], [sflag:$0x1] =	stream.linear.gather [hbm4b:s8+s3], $0x3E80, $0x38;
	[tilespmem:$0x6A68] =	vst v63  }
0x10: {  	_ =	swait.ge [sflag:s6], $0x3E80  }
0x11: {  	s20 =	sadd.s32 $0x30400, s10;
	s28 =	sshrl.u32 s23, $0x3;
	[sflag:s6] =	ssyncset.done $0x0  }
0x12: {  	s11 =	simm.s32 $0x6680;
	s10 =	sadd.s32 s20, s28;
	[sflag:s6] =	ssyncadd.s32 $0xFFFFC180  }
0x13: {  	[tilespmem:s11], [sflag:$0x1] =	stream.linear.gather [hbm4b:s10+s3], $0x3E8, $0x38;
	[tilespmem:$0x6A68] =	vst v63  }
0x14: {  	_ =	swait.ge [sflag:s6], $0x3E8  }
0x15: {  	[sflag:s6] =	ssyncset.done $0x0  }
0x16: {  	s12 =	simm.s32 $0x3E8;
	[sflag:s6] =	ssyncadd.s32 $0xFFFFFC18  }
0x17: {  	[spmem:s2] =	stream.indirect.scatter.add.f32 [tilespmem:s9], [sflag:$0x1], $0x10, s11, s12, $0xb8;
	[tilespmem:$0x6A68] =	vst v63  }
0x18: {  	s14 =	sadd.s32 $0x3E8, s23;
	_ =	swait.ge [sflag:s6], $0x3E80  }
0x19: {  	s13 =	sshll.u32 s14, $0x1;
	[sflag:s6] =	ssyncset.done $0x0  }
0x1a: {  	s13 =	sadd.s32 s19, s13;
	[sflag:s6] =	ssyncadd.s32 $0xFFFFC180  }
0x1b: {  	[tilespmem:s9], [sflag:$0x1] =	stream.linear.gather [hbm4b:s13+s3], $0x3E80, $0x38;
	[tilespmem:$0x6A68] =	vst v63  }
0x1c: {  	_ =	swait.ge [sflag:s6], $0x3E80  }
0x1d: {  	s14 =	sshrl.u32 s14, $0x3;
	[sflag:s6] =	ssyncset.done $0x0  }
0x1e: {  	s14 =	sadd.s32 s20, s14;
	[sflag:s6] =	ssyncadd.s32 $0xFFFFC180  }
0x1f: {  	[tilespmem:s11], [sflag:$0x1] =	stream.linear.gather [hbm4b:s14+s3], $0x3E8, $0x38;
	[tilespmem:$0x6A68] =	vst v63  }
0x20: {  	_ =	swait.ge [sflag:s6], $0x3E8  }
0x21: {  	[sflag:s6] =	ssyncset.done $0x0  }
0x22: {  	[sflag:s6] =	ssyncadd.s32 $0xFFFFFC18  }
0x23: {  	[spmem:s2] =	stream.indirect.scatter.add.f32 [tilespmem:s9], [sflag:$0x1], $0x10, s11, s12, $0xb8;
	[tilespmem:$0x6A68] =	vst v63  }
0x24: {  	s16 =	sadd.s32 $0x7D0, s23;
	_ =	swait.ge [sflag:s6], $0x3E80  }
0x25: {  	s15 =	sshll.u32 s16, $0x1;
	[sflag:s6] =	ssyncset.done $0x0  }
0x26: {  	s15 =	sadd.s32 s19, s15;
	[sflag:s6] =	ssyncadd.s32 $0xFFFFC180  }
0x27: {  	[tilespmem:s9], [sflag:$0x1] =	stream.linear.gather [hbm4b:s15+s3], $0x3E80, $0x38;
	[tilespmem:$0x6A68] =	vst v63  }
0x28: {  	_ =	swait.ge [sflag:s6], $0x3E80  }
0x29: {  	s16 =	sshrl.u32 s16, $0x3;
	[sflag:s6] =	ssyncset.done $0x0  }
0x2a: {  	s16 =	sadd.s32 s20, s16;
	[sflag:s6] =	ssyncadd.s32 $0xFFFFC180  }
0x2b: {  	[tilespmem:s11], [sflag:$0x1] =	stream.linear.gather [hbm4b:s16+s3], $0x3E8, $0x38;
	[tilespmem:$0x6A68] =	vst v63  }
0x2c: {  	_ =	swait.ge [sflag:s6], $0x3E8  }
0x2d: {  	[sflag:s6] =	ssyncset.done $0x0  }
0x2e: {  	[sflag:s6] =	ssyncadd.s32 $0xFFFFFC18  }
0x2f: {  	[spmem:s2] =	stream.indirect.scatter.add.f32 [tilespmem:s9], [sflag:$0x1], $0x10, s11, s12, $0xb8;
	[tilespmem:$0x6A68] =	vst v63  }
0x30: {  	s18 =	sadd.s32 $0xBB8, s23;
	_ =	swait.ge [sflag:s6], $0x3E80  }
0x31: {  	s17 =	sshll.u32 s18, $0x1;
	[sflag:s6] =	ssyncset.done $0x0  }
0x32: {  	s17 =	sadd.s32 s19, s17;
	[sflag:s6] =	ssyncadd.s32 $0xFFFFC180  }
0x33: {  	[tilespmem:s9], [sflag:$0x1] =	stream.linear.gather [hbm4b:s17+s3], $0x3E80, $0x38;
	[tilespmem:$0x6A68] =	vst v63  }
0x34: {  	_ =	swait.ge [sflag:s6], $0x3E80  }
0x35: {  	s18 =	sshrl.u32 s18, $0x3;
	[sflag:s6] =	ssyncset.done $0x0  }
0x36: {  	s18 =	sadd.s32 s20, s18;
	[sflag:s6] =	ssyncadd.s32 $0xFFFFC180  }
0x37: {  	[tilespmem:s11], [sflag:$0x1] =	stream.linear.gather [hbm4b:s18+s3], $0x3E8, $0x38;
	[tilespmem:$0x6A68] =	vst v63  }
0x38: {  	_ =	swait.ge [sflag:s6], $0x3E8  }
0x39: {  	[sflag:s6] =	ssyncset.done $0x0  }
0x3a: {  	[sflag:s6] =	ssyncadd.s32 $0xFFFFFC18  }
0x3b: {  	[spmem:s2] =	stream.indirect.scatter.add.f32 [tilespmem:s9], [sflag:$0x1], $0x10, s11, s12, $0xb8;
	[tilespmem:$0x6A68] =	vst v63  }
0x3c: {  	s23 =	sadd.s32 $0xFA0, s23;
	_ =	swait.ge [sflag:s6], $0x3E80  }
0x3d: {  	s24 =	sshll.u32 s23, $0x1;
	[sflag:s6] =	ssyncset.done $0x0  }
0x3e: {  	s19 =	sadd.s32 s19, s24;
	[sflag:s6] =	ssyncadd.s32 $0xFFFFC180  }
0x3f: {  	[tilespmem:s9], [sflag:$0x1] =	stream.linear.gather [hbm4b:s19+s3], $0x3E80, $0x38;
	[tilespmem:$0x6A68] =	vst v63  }
0x40: {  	_ =	swait.ge [sflag:s6], $0x3E80  }
0x41: {  	s23 =	sshrl.u32 s23, $0x3;
	[sflag:s6] =	ssyncset.done $0x0  }
0x42: {  	s20 =	sadd.s32 s20, s23;
	[sflag:s6] =	ssyncadd.s32 $0xFFFFC180  }
0x43: {  	[tilespmem:s11], [sflag:$0x1] =	stream.linear.gather [hbm4b:s20+s3], $0x3E8, $0x38;
	[tilespmem:$0x6A68] =	vst v63  }
0x44: {  	s29 =	ssub.s32 $0x2, s22;
	_ =	swait.ge [sflag:s6], $0x3E8  }
0x45: {  	s30 =	sshrl.u32 s29, $0x1;
	[sflag:s6] =	ssyncset.done $0x0  }
0x46: {  	p0 =	seq.s32 s22, $0x0;
	s23 =	ssub.s32 s29, s30;
	[sflag:s6] =	ssyncadd.s32 $0xFFFFFC18  }
0x47: {  	[spmem:s2] =	stream.indirect.scatter.add.f32 [tilespmem:s9], [sflag:$0x1], $0x10, s11, s12, $0xb8;
	[tilespmem:$0x6A68] =	vst v63  }
0x48: {  	s22 =	simm.s32 $0x35400;
	s31 =	smax.u32 s23, $0x1;
	_ =	swait.ge [sflag:s6], $0x3E80  }
0x49: {  	s22 =	simm.s32 @!p0 $0x3A400;
	p0 =	sne.s32 s31, $0x1;
	[sflag:s6] =	ssyncset.done $0x0  }
.Ltmp0:
0x4a: {  	[sflag:s6] =	ssyncadd.s32 $0xFFFFC180;
	(pc) =	sbr.rel @!p0 .LBB2_2-.Ltmp0, $4  }
0x4b: {  	s21 =	sadd.s32 s22, s21;
	[bflag:$0x0] =	sbarrier.arrive $0xFFFF  }
0x4c: {  	[hbm:s21], [sflag:s5] =	dma.local [spmem:s7], $0x500  }
0x4d: {  	_ =	swait.ge [sflag:s6], $0x500  }
0x4e: {  	s22 =	sadd.s32 $0xFFFFFFFF, s31;
	[sflag:s6] =	ssyncset.done $0x0  }
.LBB2_1:
0x4f: {  	p0 =	sne.s32 s22, $0x1;
	s22 =	sadd.s32 $0xFFFFFFFF, s22;
	[sflag:s6] =	ssyncadd.s32 $0xFFFFFB00  }
0x50: {  	[spmem:s7], [sflag:s5] =	dma.local [hbm:s4], $0x500  }
0x51: {  	_ =	swait.ge [sflag:s6], $0x500  }
0x52: {  	[sflag:s6] =	ssyncset.done $0x0  }
0x53: {  	[sflag:s6] =	ssyncadd.s32 $0xFFFFFB00  }
0x54: {  	[bflag:$0x0] =	sbarrier.arrive $0xFFFF  }
0x55: {  	[tilespmem:s9], [sflag:$0x1] =	stream.linear.gather [hbm4b:s8+s3], $0x3E80, $0x38;
	[tilespmem:$0x6A68] =	vst v63  }
0x56: {  	_ =	swait.ge [sflag:s6], $0x3E80  }
0x57: {  	[sflag:s6] =	ssyncset.done $0x0  }
0x58: {  	[sflag:s6] =	ssyncadd.s32 $0xFFFFC180  }
0x59: {  	[tilespmem:s11], [sflag:$0x1] =	stream.linear.gather [hbm4b:s10+s3], $0x3E8, $0x38;
	[tilespmem:$0x6A68] =	vst v63  }
0x5a: {  	_ =	swait.ge [sflag:s6], $0x3E8  }
0x5b: {  	[sflag:s6] =	ssyncset.done $0x0  }
0x5c: {  	[sflag:s6] =	ssyncadd.s32 $0xFFFFFC18  }
0x5d: {  	[spmem:s2] =	stream.indirect.scatter.add.f32 [tilespmem:s9], [sflag:$0x1], $0x10, s11, s12, $0xb8;
	[tilespmem:$0x6A68] =	vst v63  }
0x5e: {  	_ =	swait.ge [sflag:s6], $0x3E80  }
0x5f: {  	[sflag:s6] =	ssyncset.done $0x0  }
0x60: {  	[sflag:s6] =	ssyncadd.s32 $0xFFFFC180  }
0x61: {  	[tilespmem:s9], [sflag:$0x1] =	stream.linear.gather [hbm4b:s13+s3], $0x3E80, $0x38;
	[tilespmem:$0x6A68] =	vst v63  }
0x62: {  	_ =	swait.ge [sflag:s6], $0x3E80  }
0x63: {  	[sflag:s6] =	ssyncset.done $0x0  }
0x64: {  	[sflag:s6] =	ssyncadd.s32 $0xFFFFC180  }
0x65: {  	[tilespmem:s11], [sflag:$0x1] =	stream.linear.gather [hbm4b:s14+s3], $0x3E8, $0x38;
	[tilespmem:$0x6A68] =	vst v63  }
0x66: {  	_ =	swait.ge [sflag:s6], $0x3E8  }
0x67: {  	[sflag:s6] =	ssyncset.done $0x0  }
0x68: {  	[sflag:s6] =	ssyncadd.s32 $0xFFFFFC18  }
0x69: {  	[spmem:s2] =	stream.indirect.scatter.add.f32 [tilespmem:s9], [sflag:$0x1], $0x10, s11, s12, $0xb8;
	[tilespmem:$0x6A68] =	vst v63  }
0x6a: {  	_ =	swait.ge [sflag:s6], $0x3E80  }
0x6b: {  	[sflag:s6] =	ssyncset.done $0x0  }
0x6c: {  	[sflag:s6] =	ssyncadd.s32 $0xFFFFC180  }
0x6d: {  	[tilespmem:s9], [sflag:$0x1] =	stream.linear.gather [hbm4b:s15+s3], $0x3E80, $0x38;
	[tilespmem:$0x6A68] =	vst v63  }
0x6e: {  	_ =	swait.ge [sflag:s6], $0x3E80  }
0x6f: {  	[sflag:s6] =	ssyncset.done $0x0  }
0x70: {  	[sflag:s6] =	ssyncadd.s32 $0xFFFFC180  }
0x71: {  	[tilespmem:s11], [sflag:$0x1] =	stream.linear.gather [hbm4b:s16+s3], $0x3E8, $0x38;
	[tilespmem:$0x6A68] =	vst v63  }
0x72: {  	_ =	swait.ge [sflag:s6], $0x3E8  }
0x73: {  	[sflag:s6] =	ssyncset.done $0x0  }
0x74: {  	[sflag:s6] =	ssyncadd.s32 $0xFFFFFC18  }
0x75: {  	[spmem:s2] =	stream.indirect.scatter.add.f32 [tilespmem:s9], [sflag:$0x1], $0x10, s11, s12, $0xb8;
	[tilespmem:$0x6A68] =	vst v63  }
0x76: {  	_ =	swait.ge [sflag:s6], $0x3E80  }
0x77: {  	[sflag:s6] =	ssyncset.done $0x0  }
0x78: {  	[sflag:s6] =	ssyncadd.s32 $0xFFFFC180  }
0x79: {  	[tilespmem:s9], [sflag:$0x1] =	stream.linear.gather [hbm4b:s17+s3], $0x3E80, $0x38;
	[tilespmem:$0x6A68] =	vst v63  }
0x7a: {  	_ =	swait.ge [sflag:s6], $0x3E80  }
0x7b: {  	[sflag:s6] =	ssyncset.done $0x0  }
0x7c: {  	[sflag:s6] =	ssyncadd.s32 $0xFFFFC180  }
0x7d: {  	[tilespmem:s11], [sflag:$0x1] =	stream.linear.gather [hbm4b:s18+s3], $0x3E8, $0x38;
	[tilespmem:$0x6A68] =	vst v63  }
0x7e: {  	_ =	swait.ge [sflag:s6], $0x3E8  }
0x7f: {  	[sflag:s6] =	ssyncset.done $0x0  }
0x80: {  	[sflag:s6] =	ssyncadd.s32 $0xFFFFFC18  }
0x81: {  	[spmem:s2] =	stream.indirect.scatter.add.f32 [tilespmem:s9], [sflag:$0x1], $0x10, s11, s12, $0xb8;
	[tilespmem:$0x6A68] =	vst v63  }
0x82: {  	_ =	swait.ge [sflag:s6], $0x3E80  }
0x83: {  	[sflag:s6] =	ssyncset.done $0x0  }
0x84: {  	[sflag:s6] =	ssyncadd.s32 $0xFFFFC180  }
0x85: {  	[tilespmem:s9], [sflag:$0x1] =	stream.linear.gather [hbm4b:s19+s3], $0x3E80, $0x38;
	[tilespmem:$0x6A68] =	vst v63  }
0x86: {  	_ =	swait.ge [sflag:s6], $0x3E80  }
0x87: {  	[sflag:s6] =	ssyncset.done $0x0  }
0x88: {  	[sflag:s6] =	ssyncadd.s32 $0xFFFFC180  }
0x89: {  	[tilespmem:s11], [sflag:$0x1] =	stream.linear.gather [hbm4b:s20+s3], $0x3E8, $0x38;
	[tilespmem:$0x6A68] =	vst v63  }
0x8a: {  	_ =	swait.ge [sflag:s6], $0x3E8  }
0x8b: {  	[sflag:s6] =	ssyncset.done $0x0  }
0x8c: {  	[sflag:s6] =	ssyncadd.s32 $0xFFFFFC18  }
0x8d: {  	[spmem:s2] =	stream.indirect.scatter.add.f32 [tilespmem:s9], [sflag:$0x1], $0x10, s11, s12, $0xb8;
	[tilespmem:$0x6A68] =	vst v63  }
0x8e: {  	_ =	swait.ge [sflag:s6], $0x3E80  }
0x8f: {  	[sflag:s6] =	ssyncset.done $0x0  }
.Ltmp1:
0x90: {  	[sflag:s6] =	ssyncadd.s32 $0xFFFFC180;
	(pc) =	sbr.rel @p0 .LBB2_1-.Ltmp1, $4  }
0x91: {  	[bflag:$0x0] =	sbarrier.arrive $0xFFFF  }
0x92: {  	[hbm:s21], [sflag:s5] =	dma.local [spmem:s7], $0x500  }
0x93: {  	_ =	swait.ge [sflag:s6], $0x500  }
0x94: {  	[sflag:s6] =	ssyncset.done $0x0  }
.LBB2_2:
0x95: {  	[sflag:s6] =	ssyncadd.s32 $0xFFFFFB00  }
0x96: {  	_ =	sfence.sel $0x180000  }
0x97: {  	[bflag:$0x0] =	sbarrier.arrive $0xFFFF  }
0x98: {  	p0 =	sne.s32 s1, $0x0;
	_ =	strace $0x9000004A  }
0x99: {  	s0 =	sadd.s32 @!p0 $0x100000, s0;
	[bflag:$0x2] =	sbarrier.arrive $0xFFFF  }
0x9a: {  	[sflag:s0] =	ssyncadd.tile.s32 @!p0 $0x1;
	_ =	shalt  }
.Lfunc_end2:
_tile_overlayer_lowered:
.L_overlay_start_2:
0x9b: {  	(tag) =	ssettag $0x2  }
0x9c: {  	s0 =	rddreg [dreg:$0x0];
	s2 =	stileid.u32  }
0x9d: {  	s1 =	rddreg [dreg:$0x1];
	p0 =	sne.s32 s2, $0x0  }
0x9e: {  	s3 =	rddreg [dreg:$0x2];
	[bflag:$0x3] =	sbarrier.arrive $0xFFFF;
	s2 =	simm.s32 @!p0 $0x1C01  }
0x9f: {  	[timem:s3], [sflag:s2] =	dma.local @!p0 [hbm:s0], s1  }
0xa0: {  	s0 =	simm.s32 @!p0 $0x1  }
0xa1: {  	_ =	swait.ge @!p0 [sflag:s0], s1  }
0xa2: {  	s1 =	ssub.s32 @!p0 $0x0, s1;
	[sflag:s0] =	ssyncset.done @!p0 $0x0  }
0xa3: {  	[sflag:s0] =	ssyncadd.s32 @!p0 s1  }
0xa4: {  	[bflag:$0x3] =	sbarrier.arrive $0xFFFF  }
0xa5: {  	_ =	shalt  }

// kernel: kernel.19.cloned.1.call-start
scs
__scs_entry_jumppad:
0x0: {  	(pc) =	sbr.rel $0x88, $3  }
0x1: {  	(tag) =	ssettag $0x0;
	lr =	simm.s32 $0x1  }
0x2: {  	[smem:$0x3F93] =	sst lr;
	_ =	strace $0xD0000000  }
0x3: {  	_ = 	snop  }
0x4: {  	_ = 	snop  }
0x5: {  	_ = 	snop  }
0x6: {  	_ = 	snop  }
0x7: {  	_ = 	snop  }
__scs_overlays_trampoline_lowered:
0x8: {  	[smem:$0x3FA2] =	sst s0  }
0x9: {  	[smem:$0x3FA3] =	sst s1  }
0xa: {  	[smem:$0x3FA4] =	sst s2  }
0xb: {  	[smem:$0x3FA5] =	sst s3  }
0xc: {  	[smem:$0x3FA6] =	sst s4  }
0xd: {  	[smem:$0x3FA7] =	sst s5  }
0xe: {  	[smem:$0x3FA8] =	sst s6  }
0xf: {  	[smem:$0x3FA9] =	sst s7  }
0x10: {  	[smem:$0x3FAA] =	sst s8  }
0x11: {  	[smem:$0x3FAB] =	sst s9;
	s0 =	simm.s32 @!p0 $0x0  }
0x12: {  	s1 =	sld [smem:$0x3F91];
	s0 =	simm.s32 @p0 $0x1  }
0x13: {  	[smem:$0x3FAC] =	sst s0;
	s0 =	simm.s32 @!p1 $0x0  }
0x14: {  	s2 =	sld [smem:$0x3F90];
	s0 =	simm.s32 @p1 $0x1  }
0x15: {  	[smem:$0x3FAD] =	sst s0;
	s0 =	simm.s32 @!p2 $0x0  }
0x16: {  	s3 =	sld [smem:$0x3FDB];
	s0 =	simm.s32 @p2 $0x1  }
0x17: {  	s4 =	simm.s32 $0x1BF5;
	[smem:$0x3FAF] =	sst s0  }
0x18: {  	s0 =	sld [smem:$0x3F92];
	_ =	swait.ge [sflag:s4], $0x0  }
0x19: {  	s7 =	sld [smem:$0x3F93]  }
0x1a: {  	s8 =	sadd.s32 $0xFFFFE003, lr  }
0x1b: {  	s9 =	sadd.s32 $0xFFFFFEF7, lr;
	s5 =	simm.s32 $0xFFFFFFFF;
	p2 =	slt.u32 s8, $0xFFFFF086  }
0x1c: {  	p1 =	slt.u32 s9, $0xF7A;
	s5 =	simm.s32 @!p2 $0x0  }
0x1d: {  	s5 =	simm.s32 @p1 $0x1;
	p0 =	seq.s32 s7, s2  }
0x1e: {  	s7 =	smul.u32 @!p0 $0xF7A, s2;
	p2 =	seq.s32 @!p0 s5, $0x0  }
0x1f: {  	s9 =	smul.u32 $0xF7A, s1;
	s8 =	simm.s32 @!p0 $0x1BF5;
	p2 =	por !p2, p0  }
0x20: {  	[sflag:s8] =	ssyncset.s32 @!p0 $0xFFFFF086;
	s6 =	sadd.s32 @!p0 s3, s7;
	s7 =	simm.s32 @!p0 $0x108  }
0x21: {  	s3 =	sadd.s32 s3, s9;
	s6 =	sadd.s32 @!p0 $0x88, s6;
	s7 =	simm.s32 @p2 $0x1082  }
0x22: {  	[simem:s7], [sflag:s8] =	dma.local @!p0 [hbm:s6], $0xF7A  }
0x23: {  	s9 =	sor.u32 $0xD0000000, s2;
	s6 =	simm.s32 $0x108;
	_ =	swait.ge @!p0 [sflag:s8], $0x0  }
0x24: {  	s3 =	sadd.s32 $0x88, s3;
	s6 =	simm.s32 @!p1 $0x1082;
	[sflag:s4] =	ssyncset.s32 $0xFFFFF086  }
0x25: {  	[simem:s6], [sflag:s4] =	dma.local [hbm:s3], $0xF7A  }
0x26: {  	[smem:$0x3F93] =	sst s1;
	(tag) =	ssettag s2;
	_ =	strace s9  }
0x27: {  	s1 =	sld [smem:$0x3FA3]  }
0x28: {  	s2 =	sld [smem:$0x3FA4]  }
0x29: {  	s4 =	sld [smem:$0x3FA6]  }
0x2a: {  	p0 =	seq.s32 s5, $0x0;
	s5 =	sld [smem:$0x3FA7]  }
0x2b: {  	s6 =	sld [smem:$0x3FA8]  }
0x2c: {  	s7 =	sld [smem:$0x3FA9]  }
0x2d: {  	s3 =	simm.s32 $0x108;
	s8 =	sld [smem:$0x3FAA]  }
0x2e: {  	s3 =	simm.s32 @!p0 $0x1082;
	s9 =	sld [smem:$0x3FAB]  }
0x2f: {  	lr =	sadd.s32 s0, s3;
	s0 =	sld [smem:$0x3FA2]  }
0x30: {  	s3 =	sld [smem:$0x3FA5]  }
0x31: {  	[smem:$0x3FAE] =	sst s10  }
0x32: {  	s10 =	sld [smem:$0x3FAC];
	_ =	sdelay $0x3  }
0x33: {  	p0 =	seq.s32 s10, $0x1;
	s10 =	sld [smem:$0x3FAE];
	_ =	sdelay $0x3  }
0x34: {  	[smem:$0x3FAE] =	sst s10  }
0x35: {  	s10 =	sld [smem:$0x3FAD];
	_ =	sdelay $0x3  }
0x36: {  	p1 =	seq.s32 s10, $0x1;
	s10 =	sld [smem:$0x3FAE];
	_ =	sdelay $0x3  }
0x37: {  	[smem:$0x3FAE] =	sst s10  }
0x38: {  	s10 =	sld [smem:$0x3FAF]  }
0x39: {  	_ = 	snop;
	(pc) =	sbr.ind lr, $3  }
0x3a: {  	_ = 	snop  }
0x3b: {  	_ = 	snop  }
0x3c: {  	p2 =	seq.s32 s10, $0x1;
	s10 =	sld [smem:$0x3FAE]  }
0x3d: {  	_ =	shalt  }
0x3e: {  	_ =	shalt  }
0x3f: {  	_ =	shalt  }
0x40: {  	_ =	shalt  }
0x41: {  	_ =	shalt  }
0x42: {  	_ =	shalt  }
0x43: {  	_ =	shalt  }
0x44: {  	_ =	shalt  }
0x45: {  	_ =	shalt  }
0x46: {  	_ =	shalt  }
0x47: {  	_ =	shalt  }
0x48: {  	_ =	shalt  }
0x49: {  	_ =	shalt  }
0x4a: {  	_ =	shalt  }
0x4b: {  	_ =	shalt  }
0x4c: {  	_ =	shalt  }
0x4d: {  	_ =	shalt  }
0x4e: {  	_ =	shalt  }
0x4f: {  	_ =	shalt  }
0x50: {  	_ =	shalt  }
0x51: {  	_ =	shalt  }
0x52: {  	_ =	shalt  }
0x53: {  	_ =	shalt  }
0x54: {  	_ =	shalt  }
0x55: {  	_ =	shalt  }
0x56: {  	_ =	shalt  }
0x57: {  	_ =	shalt  }
0x58: {  	_ =	shalt  }
0x59: {  	_ =	shalt  }
0x5a: {  	_ =	shalt  }
0x5b: {  	_ =	shalt  }
0x5c: {  	_ =	shalt  }
0x5d: {  	_ =	shalt  }
0x5e: {  	_ =	shalt  }
0x5f: {  	_ =	shalt  }
0x60: {  	_ =	shalt  }
0x61: {  	_ =	shalt  }
0x62: {  	_ =	shalt  }
0x63: {  	_ =	shalt  }
0x64: {  	_ =	shalt  }
0x65: {  	_ =	shalt  }
0x66: {  	_ =	shalt  }
0x67: {  	_ =	shalt  }
0x68: {  	_ =	shalt  }
0x69: {  	_ =	shalt  }
0x6a: {  	_ =	shalt  }
0x6b: {  	_ =	shalt  }
0x6c: {  	_ =	shalt  }
0x6d: {  	_ =	shalt  }
0x6e: {  	_ =	shalt  }
0x6f: {  	_ =	shalt  }
0x70: {  	_ =	shalt  }
0x71: {  	_ =	shalt  }
0x72: {  	_ =	shalt  }
0x73: {  	_ =	shalt  }
0x74: {  	_ =	shalt  }
0x75: {  	_ =	shalt  }
0x76: {  	_ =	shalt  }
0x77: {  	_ =	shalt  }
0x78: {  	_ =	shalt  }
0x79: {  	_ =	shalt  }
0x7a: {  	_ =	shalt  }
0x7b: {  	_ =	shalt  }
0x7c: {  	_ =	shalt  }
0x7d: {  	_ =	shalt  }
0x7e: {  	_ =	shalt  }
0x7f: {  	_ =	shalt  }
0x80: {  	_ =	shalt  }
0x81: {  	_ =	shalt  }
0x82: {  	_ =	shalt  }
0x83: {  	_ =	shalt  }
0x84: {  	_ =	shalt  }
0x85: {  	_ =	shalt  }
0x86: {  	_ =	shalt  }
0x87: {  	_ =	shalt  }
.Lfunc_end0:
.L_simem_size_0:
called_computation.3_lowered:
.L_overlay_start_0:
0x88: {  	s2 =	sld [smem:$0x3FD9]  }
0x89: {  	s3 =	sld [smem:$0x3FFE];
	_ =	sdelay $0x1  }
0x8a: {  	s1 =	srdreg.scid  }
0x8b: {  	s0 =	sand.u32 $0x1, s1  }
0x8c: {  	s15 =	sshll.u32 s0, $0xA;
	s2 =	sadd.s32 s3, s2  }
0x8d: {  	s2 =	sadd.s32 s2, s15  }
0x8e: {  	[smem:$0x3FBA] =	sst s2  }
0x8f: {  	_ = 	snop  }
0x90: {  	s2 =	sld [smem:$0x3FD0];
	_ =	sdelay $0x2  }
0x91: {  	s16 =	simm.s32 $0xB;
	s4 =	simm.s32 $0x10  }
0x92: {  	[smem:s4], [sflag:s16] =	dma.local [hbm:s2], $0x1  }
0x93: {  	_ =	swait.eq [sflag:s16], $0x1  }
0x94: {  	[sflag:s16] =	ssyncset.done $0x0  }
0x95: {  	[sflag:s16] =	ssyncadd.s32 $0xFFFFFFFF  }
0x96: {  	s17 =	sld [smem:$0x10];
	(tm) =	ssettm $0x1  }
0x97: {  	s18 =	sld [smem:$0x3FFB];
	_ =	sdelay $0x3  }
0x98: {  	_ =	strace s18  }
0x99: {  	s2 =	sld [smem:$0x3FFC];
	_ =	sdelay $0x3  }
0x9a: {  	_ =	strace s2  }
0x9b: {  	s2 =	sld [smem:$0x3FFD];
	_ =	sdelay $0x3  }
0x9c: {  	_ =	strace s2  }
0x9d: {  	_ =	strace $0x8FFFFFFF  }
0x9e: {  	s19 =	sld [smem:$0x3FDB];
	_ =	sdelay $0x1  }
0x9f: {  	s20 =	simm.s32 $_scs_section_size  }
0xa0: {  	s5 =	simm.s32 $_size__tile_overlayer_lowered;
	s6 =	simm.s32 $_tile_overlayer_lowered  }
0xa1: {  	s7 =	simm.s32 $0x1BFF;
	s21 =	sshll.u32 s6, $0x1;
	s4 =	sadd.s32 s20, s19  }
0xa2: {  	s22 =	simm.s32 $0x0;
	s5 =	sshll.u32 s5, $0x1;
	s6 =	sadd.s32 s21, s4  }
0xa3: {  	[timem:s22], [sflag:s7] =	dma.local [hbm:s6], s5  }
0xa4: {  	_ =	swait.ge [sflag:s7], s5  }
0xa5: {  	s5 =	ssub.s32 $0x0, s5;
	[sflag:s7] =	ssyncset.done $0x0  }
0xa6: {  	[sflag:s7] =	ssyncadd.s32 s5;
	_ =	sdelay $0x1  }
0xa7: {  	s23 =	simm.s32 $0x1B8B  }
0xa8: {  	_ =	swait.ge [sflag:s23], $0x1  }
0xa9: {  	[sflag:s23] =	ssyncset.done $0x0  }
0xaa: {  	[sflag:s23] =	ssyncadd.s32 $0xFFFFFFFF  }
0xab: {  	s5 =	sld [smem:$0x0]  }
0xac: {  	s6 =	sand.u32 $0xFFFFFFFE, s1  }
0xad: {  	p0 =	sne.s32 s1, s6  }
0xae: {  	s6 =	sshll.u32 @p0 s6, $0xE  }
0xaf: {  	s6 =	sadd.s32 @p0 $0x11B8D, s6;
	s7 =	sshll.u32 @p0 s5, $0x11  }
0xb0: {  	s6 =	sor.u32 @p0 s7, s6  }
0xb1: {  	[sflag:s6] =	ssyncadd.remote.s32 @p0 $0x1;
	_ =	sdelay $0x1  }
0xb2: {  	s6 =	simm.s32 @p0 $0x1B8D  }
0xb3: {  	_ =	swait.eq @p0 [sflag:s6], $0x1  }
0xb4: {  	[sflag:s6] =	ssyncadd.s32 @p0 $0xFFFFFFFF  }
0xb5: {  	s7 =	sshll.u32 @!p0 s1, $0xE  }
0xb6: {  	s7 =	sor.u32 @!p0 $0x4000, s7;
	s6 =	simm.s32 @!p0 $0x1B8D  }
0xb7: {  	s5 =	sshll.u32 @!p0 s5, $0x11;
	s7 =	sadd.s32 @!p0 $0x11B8D, s7;
	_ =	swait.eq @!p0 [sflag:s6], $0x1  }
0xb8: {  	s5 =	sor.u32 @!p0 s5, s7;
	[sflag:s6] =	ssyncadd.s32 @!p0 $0xFFFFFFFF  }
0xb9: {  	s25 =	simm.s32 $0x1B8E;
	s24 =	sld [smem:$0x3FFE];
	[sflag:s5] =	ssyncadd.remote.s32 @!p0 $0x1  }
0xba: {  	s26 =	simm.s32 $execute0_lowered;
	[smem:$0x3FD2] =	sst s25  }
0xbb: {  	s6 =	sshll.u32 s26, $0x1;
	_ =	strace $0x80000052;
	[dreg:$0x1] =	wrdreg $0xFFFFFFFF  }
0xbc: {  	s28 =	simm.s32 $_size_execute0_lowered;
	s4 =	sadd.s32 s4, s6;
	[dreg:$0x0] =	wrdreg $0x0  }
0xbd: {  	s6 =	sshll.u32 s28, $0x1;
	[dreg:$0x2] =	wrdreg s4  }
0xbe: {  	[dreg:$0x3] =	wrdreg s6  }
0xbf: {  	[dreg:$0x4] =	wrdreg $0xC0  }
0xc0: {  	_ =	task [dreg:s22], $0x5FFFF  }
0xc1: {  	[dreg:$0x1] =	wrdreg $0xFFFFFFFF  }
0xc2: {  	[dreg:$0x0] =	wrdreg $0x60  }
0xc3: {  	[dreg:$0x2] =	wrdreg s24  }
0xc4: {  	[dreg:$0x3] =	wrdreg s17  }
0xc5: {  	[dreg:$0x4] =	wrdreg $0x0  }
0xc6: {  	[dreg:$0x5] =	wrdreg $0x9  }
0xc7: {  	_ =	task.clear_ibuf [dreg:s22], $0x6FFFF;
	_ =	strace $0x90000052  }
0xc8: {  	s29 =	simm.s32 $0x9;
	_ =	strace $0x80000054  }
0xc9: {  	_ =	swait.ge [sflag:s29], $0x1  }
0xca: {  	[sflag:s29] =	ssyncadd.s32 $0xFFFFFFFF  }
0xcb: {  	_ =	strace $0x90000054  }
0xcc: {  	_ =	sfence  }
0xcd: {  	s30 =	sld [smem:$0x0];
	_ =	sdelay $0x2  }
0xce: {  	s31 =	sshll.u32 s1, $0xD;
	s1 =	sshrl.u32 s1, $0x2  }
0xcf: {  	s4 =	sand.u32 $0x4000, s31;
	s1 =	sadd.s32 s1, s30  }
0xd0: {  	s0 =	sor.u32 s4, s0;
	s1 =	sshll.u32 s1, $0x11  }
0xd1: {  	s0 =	sor.u32 s1, s0  }
0xd2: {  	s0 =	sadd.s32 $0x8F2B, s0  }
0xd3: {  	[sflag:s0] =	ssyncadd.remote.s32 $0x1  }
0xd4: {  	_ =	sfence.sel $0xFFFF  }
0xd5: {  	[dreg:$0x0] =	wrdreg $0xFFFFFFFF;
	(pc) =	sbr.abs _section_cstart, $3  }
0xd6: {  	[dreg:$0x1] =	wrdreg $0xFFFFFFFF  }
0xd7: {  	_ =	task.clear_ibuf [dreg:s22], $0x2FFFF;
	_ =	strace $0x9FFFFFFF  }
0xd8: {  	(tm) =	ssettm $0x7FFFFFFF  }
0xd9: {  	_ =	shalt  }
tec
execute0_lowered:
.L_overlay_start_1:
0x0: {  	(tag) =	ssettag $0x1  }
0x1: {  	s0 =	rddreg [dreg:$0x0]  }
0x2: {  	s1 =	rddreg [dreg:$0x1]  }
0x3: {  	s2 =	rddreg [dreg:$0x2];
	s3 =	simm.s32 $0x0  }
0x4: {  	s6 =	srdreg.scid;
	s19 =	stileid.u32;
	s28 =	simm.s32 $0x2  }
0x5: {  	s29 =	simm.s32 $0x4;
	s30 =	simm.s32 $0x0;
	[smem:$0x7FF] =	sst s3  }
0x6: {  	s4 =	sadd.s32 $0x7AF600, s0;
	s5 =	sadd.s32 $0x67400, s0;
	s31 =	smul.u32 $0x50000, s19  }
0x7: {  	s12 =	sadd.s32 $0x8F400, s0;
	s13 =	sand.u32 $0x1, s6;
	s10 =	smul.u32 $0x1388, s19  }
0x8: {  	s14 =	sadd.s32 $0x3F400, s0;
	s0 =	sadd.s32 $0x53E600, s0;
	s15 =	smul.u32 $0x2800, s19  }
0x9: {  	s22 =	sshll.u32 s19, $0x6;
	s24 =	smul.u32 $0x13880, s19;
	s19 =	simm.s32 $0x5  }
0xa: {  	_ =	strace $0x80000053;
	s7 =	ssub.s32 $0x2, s13;
	s8 =	smul.u32 $0x13880, s13  }
0xb: {  	p0 =	seq.s32 s13, $0x0;
	s23 =	smul.u32 $0x138800, s13;
	s13 =	sor.u32 $0x1C05, s22  }
0xc: {  	s22 =	simm.s32 $0x15400;
	s9 =	sshrl.u32 s7, $0x1;
	s6 =	sshrl.u32 s31, $0x2  }
0xd: {  	s12 =	smov.u32 @p0 s5;
	s0 =	smov.u32 @p0 s14;
	s9 =	ssub.s32 s7, s9  }
0xe: {  	s18 =	sadd.s32 s6, s2;
	s17 =	sadd.s32 s10, s8;
	s12 =	sadd.s32 s12, s15  }
0xf: {  	s14 =	sadd.s32 s0, s15;
	s10 =	sshll.u32 s17, $0x4;
	s11 =	sshrl.u32 s17, $0x3  }
0x10: {  	s8 =	sadd.s32 $0x28, s17;
	s9 =	smax.u32 s9, $0x1;
	s25 =	sadd.s32 $0x78, s17  }
0x11: {  	s18 =	sshrl.u32 s18, $0x3;
	s6 =	sadd.s32 s4, s10;
	s16 =	sadd.s32 s1, s11  }
0x12: {  	s20 =	sshll.u32 s8, $0x4;
	s8 =	sshrl.u32 s8, $0x3;
	s10 =	sadd.s32 $0x1360, s17  }
0x13: {  	s31 =	sshrl.u32 s25, $0x3;
	s17 =	sadd.s32 $0x50, s17;
	[dreg:$0x4] =	wrdreg s6  }
0x14: {  	s25 =	simm.s32 $0x3;
	[dreg:$0x5] =	wrdreg s16;
	s21 =	sadd.s32 s4, s20  }
0x15: {  	s8 =	sadd.s32 s1, s8;
	s11 =	sshll.u32 s10, $0x4;
	s16 =	sshrl.u32 s10, $0x3  }
0x16: {  	s20 =	simm.s32 $0x14000;
	[dreg:$0x6] =	wrdreg s21;
	s10 =	sadd.s32 s4, s11  }
0x17: {  	s11 =	sadd.s32 s1, s16;
	s4 =	sadd.s32 s23, s4;
	s16 =	sadd.s32 s31, s1  }
0x18: {  	s21 =	simm.s32 $0x16800;
	s23 =	simm.s32 $0x16880;
	s26 =	sadd.s32 s24, s4  }
0x19: {  	s24 =	simm.s32 $0x1;
	s15 =	sadd.s32 $0x780, s26;
	s26 =	simm.s32 $0x28  }
.LBB2_1:
0x1a: {  	[spmem:s18], [sflag:s13] =	dma.local [hbm:s12], $0x2800  }
0x1b: {  	_ =	swait.ge [sflag:s19], $0x2800  }
0x1c: {  	[sflag:s19] =	ssyncset.done $0x0  }
0x1d: {  	[sflag:s19] =	ssyncadd.s32 $0xFFFFD800  }
0x1e: {  	[bflag:$0x0] =	sbarrier.arrive $0xFFFF  }
0x1f: {  	s0 =	rddreg [dreg:$0x4]  }
0x20: {  	[tilespmem:s20], [sflag:$0x1] =	stream.linear.gather [hbm4b:s0+s3], $0x1400, $0x38;
	[tilespmem:$0x16900] =	vst v63  }
0x21: {  	s4 =	rddreg [dreg:$0x5]  }
0x22: {  	[tilespmem:s21], [sflag:$0x3] =	stream.linear.gather [hbm4b:s4+s3], $0x28, $0x38;
	[tilespmem:$0x16900] =	vst v63  }
0x23: {  	s5 =	rddreg [dreg:$0x6]  }
0x24: {  	[tilespmem:s22], [sflag:$0x2] =	stream.linear.gather [hbm4b:s5+s3], $0x1400, $0x38;
	[tilespmem:$0x16900] =	vst v63  }
0x25: {  	_ = 	snop  }
0x26: {  	[tilespmem:s23], [sflag:$0x4] =	stream.linear.gather [hbm4b:s8+s3], $0x28, $0x38;
	[tilespmem:$0x16900] =	vst v63  }
0x27: {  	_ =	swait.ge [sflag:s24], $0x1400  }
0x28: {  	[sflag:s24] =	ssyncset.done $0x0  }
0x29: {  	[sflag:s24] =	ssyncadd.s32 $0xFFFFEC00  }
0x2a: {  	_ =	swait.ge [sflag:s25], $0x28  }
0x2b: {  	[sflag:s25] =	ssyncset.done $0x0  }
0x2c: {  	[sflag:s25] =	ssyncadd.s32 $0xFFFFFFD8  }
0x2d: {  	[spmem:s2] =	stream.indirect.scatter.add.f32 [tilespmem:s20], [sflag:$0x5], $0x80, s21, s26, $0xb8;
	[tilespmem:$0x16900] =	vst v63  }
0x2e: {  	_ =	swait.ge [sflag:s19], $0x1400  }
0x2f: {  	[sflag:s19] =	ssyncset.done $0x0  }
0x30: {  	s6 =	sadd.s32 $0xFFFFFD80, s15;
	s4 =	sshrl.u32 s17, $0x3;
	[sflag:s19] =	ssyncadd.s32 $0xFFFFEC00  }
0x31: {  	[tilespmem:s20], [sflag:$0x1] =	stream.linear.gather [hbm4b:s6+s3], $0x1400, $0x38;
	[tilespmem:$0x16900] =	vst v63  }
0x32: {  	s7 =	sadd.s32 s1, s4  }
0x33: {  	[tilespmem:s21], [sflag:$0x3] =	stream.linear.gather [hbm4b:s7+s3], $0x28, $0x38;
	[tilespmem:$0x16900] =	vst v63  }
0x34: {  	_ =	swait.ge [sflag:s28], $0x1400  }
0x35: {  	[sflag:s28] =	ssyncset.done $0x0  }
0x36: {  	[sflag:s28] =	ssyncadd.s32 $0xFFFFEC00  }
0x37: {  	_ =	swait.ge [sflag:s29], $0x28  }
0x38: {  	[sflag:s29] =	ssyncset.done $0x0  }
0x39: {  	[sflag:s29] =	ssyncadd.s32 $0xFFFFFFD8  }
0x3a: {  	[spmem:s2] =	stream.indirect.scatter.add.f32 [tilespmem:s22], [sflag:$0x5], $0x80, s23, s26, $0xb8;
	[tilespmem:$0x16900] =	vst v63  }
0x3b: {  	_ =	swait.ge [sflag:s19], $0x1400  }
0x3c: {  	s31 =	simm.s32 $0xA;
	s0 =	sadd.s32 $0x500, s15;
	[sflag:s19] =	ssyncset.done $0x0  }
0x3d: {  	s4 =	sadd.s32 $0x50, s17;
	s5 =	sadd.s32 $0x0, s16;
	[sflag:s19] =	ssyncadd.s32 $0xFFFFEC00  }
0x3e: {  	[tilespmem:s22], [sflag:$0x2] =	stream.linear.gather [hbm4b:s15+s3], $0x1400, $0x38;
	[tilespmem:$0x16900] =	vst v63  }
.LBB2_2:
0x3f: {  	[tilespmem:s23], [sflag:$0x4] =	stream.linear.gather [hbm4b:s5+s3], $0x28, $0x38;
	[tilespmem:$0x16900] =	vst v63  }
0x40: {  	s5 =	smov.u32 s31  }
0x41: {  	p0 =	sne.s32 s31, $0x258;
	s31 =	sadd.s32 $0xA, s31;
	_ =	swait.ge [sflag:s24], $0x1400  }
0x42: {  	[sflag:s24] =	ssyncset.done $0x0  }
0x43: {  	[sflag:s24] =	ssyncadd.s32 $0xFFFFEC00  }
0x44: {  	_ =	swait.ge [sflag:s25], $0x28  }
0x45: {  	[sflag:s25] =	ssyncset.done $0x0  }
0x46: {  	[sflag:s25] =	ssyncadd.s32 $0xFFFFFFD8  }
0x47: {  	[spmem:s2] =	stream.indirect.scatter.add.f32 [tilespmem:s20], [sflag:$0x5], $0x80, s21, s26, $0xb8;
	[tilespmem:$0x16900] =	vst v63  }
0x48: {  	_ =	swait.ge [sflag:s19], $0x1400  }
0x49: {  	[sflag:s19] =	ssyncset.done $0x0  }
0x4a: {  	s6 =	sadd.s32 $0xFFFFFD80, s0;
	s7 =	sshrl.u32 s4, $0x3;
	[sflag:s19] =	ssyncadd.s32 $0xFFFFEC00  }
0x4b: {  	[tilespmem:s20], [sflag:$0x1] =	stream.linear.gather [hbm4b:s6+s3], $0x1400, $0x38;
	[tilespmem:$0x16900] =	vst v63  }
0x4c: {  	s6 =	sadd.s32 s1, s7  }
0x4d: {  	[tilespmem:s21], [sflag:$0x3] =	stream.linear.gather [hbm4b:s6+s3], $0x28, $0x38;
	[tilespmem:$0x16900] =	vst v63  }
0x4e: {  	_ =	swait.ge [sflag:s28], $0x1400  }
0x4f: {  	[sflag:s28] =	ssyncset.done $0x0  }
0x50: {  	[sflag:s28] =	ssyncadd.s32 $0xFFFFEC00  }
0x51: {  	_ =	swait.ge [sflag:s29], $0x28  }
0x52: {  	[sflag:s29] =	ssyncset.done $0x0  }
0x53: {  	[sflag:s29] =	ssyncadd.s32 $0xFFFFFFD8  }
0x54: {  	[spmem:s2] =	stream.indirect.scatter.add.f32 [tilespmem:s22], [sflag:$0x5], $0x80, s23, s26, $0xb8;
	[tilespmem:$0x16900] =	vst v63  }
.Ltmp0:
0x55: {  	_ =	swait.ge [sflag:s19], $0x1400;
	(pc) =	sbr.rel @p0 .LBB2_2-.Ltmp0, $4  }
0x56: {  	[sflag:s19] =	ssyncset.done $0x0  }
0x57: {  	[sflag:s19] =	ssyncadd.s32 $0xFFFFEC00  }
0x58: {  	[tilespmem:s22], [sflag:$0x2] =	stream.linear.gather [hbm4b:s0+s3], $0x1400, $0x38;
	[tilespmem:$0x16900] =	vst v63  }
0x59: {  	s4 =	sadd.s32 $0x50, s4;
	s5 =	sadd.s32 s5, s16;
	s0 =	sadd.s32 $0x500, s0  }
0x5a: {  	[tilespmem:s23], [sflag:$0x4] =	stream.linear.gather [hbm4b:s5+s3], $0x28, $0x38;
	[tilespmem:$0x16900] =	vst v63  }
0x5b: {  	_ =	swait.ge [sflag:s24], $0x1400  }
0x5c: {  	[sflag:s24] =	ssyncset.done $0x0  }
0x5d: {  	[sflag:s24] =	ssyncadd.s32 $0xFFFFEC00  }
0x5e: {  	_ =	swait.ge [sflag:s25], $0x28  }
0x5f: {  	[sflag:s25] =	ssyncset.done $0x0  }
0x60: {  	[sflag:s25] =	ssyncadd.s32 $0xFFFFFFD8  }
0x61: {  	[spmem:s2] =	stream.indirect.scatter.add.f32 [tilespmem:s20], [sflag:$0x5], $0x80, s21, s26, $0xb8;
	[tilespmem:$0x16900] =	vst v63  }
0x62: {  	_ =	swait.ge [sflag:s19], $0x1400  }
0x63: {  	[sflag:s19] =	ssyncset.done $0x0  }
0x64: {  	[sflag:s19] =	ssyncadd.s32 $0xFFFFEC00  }
0x65: {  	[tilespmem:s20], [sflag:$0x1] =	stream.linear.gather [hbm4b:s10+s3], $0x1400, $0x38;
	[tilespmem:$0x16900] =	vst v63  }
0x66: {  	_ = 	snop  }
0x67: {  	[tilespmem:s21], [sflag:$0x3] =	stream.linear.gather [hbm4b:s11+s3], $0x28, $0x38;
	[tilespmem:$0x16900] =	vst v63  }
0x68: {  	_ =	swait.ge [sflag:s28], $0x1400  }
0x69: {  	[sflag:s28] =	ssyncset.done $0x0  }
0x6a: {  	[sflag:s28] =	ssyncadd.s32 $0xFFFFEC00  }
0x6b: {  	_ =	swait.ge [sflag:s29], $0x28  }
0x6c: {  	[sflag:s29] =	ssyncset.done $0x0  }
0x6d: {  	[sflag:s29] =	ssyncadd.s32 $0xFFFFFFD8  }
0x6e: {  	[spmem:s2] =	stream.indirect.scatter.add.f32 [tilespmem:s22], [sflag:$0x5], $0x80, s23, s26, $0xb8;
	[tilespmem:$0x16900] =	vst v63  }
0x6f: {  	_ =	swait.ge [sflag:s19], $0x1400  }
0x70: {  	[sflag:s19] =	ssyncset.done $0x0  }
0x71: {  	[sflag:s19] =	ssyncadd.s32 $0xFFFFEC00  }
0x72: {  	_ =	swait.ge [sflag:s24], $0x1400  }
0x73: {  	[sflag:s24] =	ssyncset.done $0x0  }
0x74: {  	[sflag:s24] =	ssyncadd.s32 $0xFFFFEC00  }
0x75: {  	_ =	swait.ge [sflag:s25], $0x28  }
0x76: {  	[sflag:s25] =	ssyncset.done $0x0  }
0x77: {  	[sflag:s25] =	ssyncadd.s32 $0xFFFFFFD8  }
0x78: {  	[spmem:s2] =	stream.indirect.scatter.add.f32 [tilespmem:s20], [sflag:$0x5], $0x80, s21, s26, $0xb8;
	[tilespmem:$0x16900] =	vst v63  }
0x79: {  	_ =	swait.ge [sflag:s19], $0x1400  }
0x7a: {  	s30 =	sadd.s32 $0x1, s30;
	[sflag:s19] =	ssyncset.done $0x0  }
0x7b: {  	p0 =	sne.s32 s30, s9;
	[sflag:s19] =	ssyncadd.s32 $0xFFFFEC00  }
.Ltmp1:
0x7c: {  	[bflag:$0x0] =	sbarrier.arrive $0xFFFF;
	(pc) =	sbr.rel @p0 .LBB2_1-.Ltmp1, $4  }
0x7d: {  	[hbm:s14], [sflag:s13] =	dma.local [spmem:s18], $0x2800  }
0x7e: {  	_ =	swait.ge [sflag:s19], $0x2800  }
0x7f: {  	[sflag:s19] =	ssyncset.done $0x0  }
0x80: {  	[sflag:s19] =	ssyncadd.s32 $0xFFFFD800  }
0x81: {  	_ =	sfence.sel $0x180000  }
0x82: {  	[bflag:$0x0] =	sbarrier.arrive $0xFFFF  }
0x83: {  	_ =	strace $0x90000053  }
0x84: {  	s0 =	stileid.u32;
	[bflag:$0x2] =	sbarrier.arrive $0xFFFF  }
0x85: {  	p0 =	sne.s32 s0, $0x0;
	s0 =	rddreg [dreg:$0x3]  }
0x86: {  	s0 =	sadd.s32 @!p0 $0x100000, s0  }
0x87: {  	[sflag:s0] =	ssyncadd.tile.s32 @!p0 $0x1;
	_ =	shalt  }
.Lfunc_end2:
_tile_overlayer_lowered:
.L_overlay_start_2:
0x88: {  	(tag) =	ssettag $0x2  }
0x89: {  	s0 =	rddreg [dreg:$0x0];
	s2 =	stileid.u32  }
0x8a: {  	s1 =	rddreg [dreg:$0x1];
	p0 =	sne.s32 s2, $0x0  }
0x8b: {  	s3 =	rddreg [dreg:$0x2];
	[bflag:$0x3] =	sbarrier.arrive $0xFFFF;
	s2 =	simm.s32 @!p0 $0x1C05  }
0x8c: {  	[timem:s3], [sflag:s2] =	dma.local @!p0 [hbm:s0], s1  }
0x8d: {  	s0 =	simm.s32 @!p0 $0x5  }
0x8e: {  	_ =	swait.ge @!p0 [sflag:s0], s1  }
0x8f: {  	s1 =	ssub.s32 @!p0 $0x0, s1;
	[sflag:s0] =	ssyncset.done @!p0 $0x0  }
0x90: {  	[sflag:s0] =	ssyncadd.s32 @!p0 s1  }
0x91: {  	[bflag:$0x3] =	sbarrier.arrive $0xFFFF  }
0x92: {  	_ =	shalt  }

// kernel: kernel.22.cloned.1.call-start
scs
__scs_entry_jumppad:
0x0: {  	(pc) =	sbr.rel $0x88, $3  }
0x1: {  	(tag) =	ssettag $0x0;
	lr =	simm.s32 $0x1  }
0x2: {  	[smem:$0x3F93] =	sst lr;
	_ =	strace $0xD0000000  }
0x3: {  	_ = 	snop  }
0x4: {  	_ = 	snop  }
0x5: {  	_ = 	snop  }
0x6: {  	_ = 	snop  }
0x7: {  	_ = 	snop  }
__scs_overlays_trampoline_lowered:
0x8: {  	[smem:$0x3FA2] =	sst s0  }
0x9: {  	[smem:$0x3FA3] =	sst s1  }
0xa: {  	[smem:$0x3FA4] =	sst s2  }
0xb: {  	[smem:$0x3FA5] =	sst s3  }
0xc: {  	[smem:$0x3FA6] =	sst s4  }
0xd: {  	[smem:$0x3FA7] =	sst s5  }
0xe: {  	[smem:$0x3FA8] =	sst s6  }
0xf: {  	[smem:$0x3FA9] =	sst s7  }
0x10: {  	[smem:$0x3FAA] =	sst s8  }
0x11: {  	[smem:$0x3FAB] =	sst s9;
	s0 =	simm.s32 @!p0 $0x0  }
0x12: {  	s1 =	sld [smem:$0x3F91];
	s0 =	simm.s32 @p0 $0x1  }
0x13: {  	[smem:$0x3FAC] =	sst s0;
	s0 =	simm.s32 @!p1 $0x0  }
0x14: {  	s2 =	sld [smem:$0x3F90];
	s0 =	simm.s32 @p1 $0x1  }
0x15: {  	[smem:$0x3FAD] =	sst s0;
	s0 =	simm.s32 @!p2 $0x0  }
0x16: {  	s3 =	sld [smem:$0x3FDB];
	s0 =	simm.s32 @p2 $0x1  }
0x17: {  	s4 =	simm.s32 $0x1BF5;
	[smem:$0x3FAF] =	sst s0  }
0x18: {  	s0 =	sld [smem:$0x3F92];
	_ =	swait.ge [sflag:s4], $0x0  }
0x19: {  	s7 =	sld [smem:$0x3F93]  }
0x1a: {  	s8 =	sadd.s32 $0xFFFFE003, lr  }
0x1b: {  	s9 =	sadd.s32 $0xFFFFFEF7, lr;
	s5 =	simm.s32 $0xFFFFFFFF;
	p2 =	slt.u32 s8, $0xFFFFF086  }
0x1c: {  	p1 =	slt.u32 s9, $0xF7A;
	s5 =	simm.s32 @!p2 $0x0  }
0x1d: {  	s5 =	simm.s32 @p1 $0x1;
	p0 =	seq.s32 s7, s2  }
0x1e: {  	s7 =	smul.u32 @!p0 $0xF7A, s2;
	p2 =	seq.s32 @!p0 s5, $0x0  }
0x1f: {  	s9 =	smul.u32 $0xF7A, s1;
	s8 =	simm.s32 @!p0 $0x1BF5;
	p2 =	por !p2, p0  }
0x20: {  	[sflag:s8] =	ssyncset.s32 @!p0 $0xFFFFF086;
	s6 =	sadd.s32 @!p0 s3, s7;
	s7 =	simm.s32 @!p0 $0x108  }
0x21: {  	s3 =	sadd.s32 s3, s9;
	s6 =	sadd.s32 @!p0 $0x88, s6;
	s7 =	simm.s32 @p2 $0x1082  }
0x22: {  	[simem:s7], [sflag:s8] =	dma.local @!p0 [hbm:s6], $0xF7A  }
0x23: {  	s9 =	sor.u32 $0xD0000000, s2;
	s6 =	simm.s32 $0x108;
	_ =	swait.ge @!p0 [sflag:s8], $0x0  }
0x24: {  	s3 =	sadd.s32 $0x88, s3;
	s6 =	simm.s32 @!p1 $0x1082;
	[sflag:s4] =	ssyncset.s32 $0xFFFFF086  }
0x25: {  	[simem:s6], [sflag:s4] =	dma.local [hbm:s3], $0xF7A  }
0x26: {  	[smem:$0x3F93] =	sst s1;
	(tag) =	ssettag s2;
	_ =	strace s9  }
0x27: {  	s1 =	sld [smem:$0x3FA3]  }
0x28: {  	s2 =	sld [smem:$0x3FA4]  }
0x29: {  	s4 =	sld [smem:$0x3FA6]  }
0x2a: {  	p0 =	seq.s32 s5, $0x0;
	s5 =	sld [smem:$0x3FA7]  }
0x2b: {  	s6 =	sld [smem:$0x3FA8]  }
0x2c: {  	s7 =	sld [smem:$0x3FA9]  }
0x2d: {  	s3 =	simm.s32 $0x108;
	s8 =	sld [smem:$0x3FAA]  }
0x2e: {  	s3 =	simm.s32 @!p0 $0x1082;
	s9 =	sld [smem:$0x3FAB]  }
0x2f: {  	lr =	sadd.s32 s0, s3;
	s0 =	sld [smem:$0x3FA2]  }
0x30: {  	s3 =	sld [smem:$0x3FA5]  }
0x31: {  	[smem:$0x3FAE] =	sst s10  }
0x32: {  	s10 =	sld [smem:$0x3FAC];
	_ =	sdelay $0x3  }
0x33: {  	p0 =	seq.s32 s10, $0x1;
	s10 =	sld [smem:$0x3FAE];
	_ =	sdelay $0x3  }
0x34: {  	[smem:$0x3FAE] =	sst s10  }
0x35: {  	s10 =	sld [smem:$0x3FAD];
	_ =	sdelay $0x3  }
0x36: {  	p1 =	seq.s32 s10, $0x1;
	s10 =	sld [smem:$0x3FAE];
	_ =	sdelay $0x3  }
0x37: {  	[smem:$0x3FAE] =	sst s10  }
0x38: {  	s10 =	sld [smem:$0x3FAF]  }
0x39: {  	_ = 	snop;
	(pc) =	sbr.ind lr, $3  }
0x3a: {  	_ = 	snop  }
0x3b: {  	_ = 	snop  }
0x3c: {  	p2 =	seq.s32 s10, $0x1;
	s10 =	sld [smem:$0x3FAE]  }
0x3d: {  	_ =	shalt  }
0x3e: {  	_ =	shalt  }
0x3f: {  	_ =	shalt  }
0x40: {  	_ =	shalt  }
0x41: {  	_ =	shalt  }
0x42: {  	_ =	shalt  }
0x43: {  	_ =	shalt  }
0x44: {  	_ =	shalt  }
0x45: {  	_ =	shalt  }
0x46: {  	_ =	shalt  }
0x47: {  	_ =	shalt  }
0x48: {  	_ =	shalt  }
0x49: {  	_ =	shalt  }
0x4a: {  	_ =	shalt  }
0x4b: {  	_ =	shalt  }
0x4c: {  	_ =	shalt  }
0x4d: {  	_ =	shalt  }
0x4e: {  	_ =	shalt  }
0x4f: {  	_ =	shalt  }
0x50: {  	_ =	shalt  }
0x51: {  	_ =	shalt  }
0x52: {  	_ =	shalt  }
0x53: {  	_ =	shalt  }
0x54: {  	_ =	shalt  }
0x55: {  	_ =	shalt  }
0x56: {  	_ =	shalt  }
0x57: {  	_ =	shalt  }
0x58: {  	_ =	shalt  }
0x59: {  	_ =	shalt  }
0x5a: {  	_ =	shalt  }
0x5b: {  	_ =	shalt  }
0x5c: {  	_ =	shalt  }
0x5d: {  	_ =	shalt  }
0x5e: {  	_ =	shalt  }
0x5f: {  	_ =	shalt  }
0x60: {  	_ =	shalt  }
0x61: {  	_ =	shalt  }
0x62: {  	_ =	shalt  }
0x63: {  	_ =	shalt  }
0x64: {  	_ =	shalt  }
0x65: {  	_ =	shalt  }
0x66: {  	_ =	shalt  }
0x67: {  	_ =	shalt  }
0x68: {  	_ =	shalt  }
0x69: {  	_ =	shalt  }
0x6a: {  	_ =	shalt  }
0x6b: {  	_ =	shalt  }
0x6c: {  	_ =	shalt  }
0x6d: {  	_ =	shalt  }
0x6e: {  	_ =	shalt  }
0x6f: {  	_ =	shalt  }
0x70: {  	_ =	shalt  }
0x71: {  	_ =	shalt  }
0x72: {  	_ =	shalt  }
0x73: {  	_ =	shalt  }
0x74: {  	_ =	shalt  }
0x75: {  	_ =	shalt  }
0x76: {  	_ =	shalt  }
0x77: {  	_ =	shalt  }
0x78: {  	_ =	shalt  }
0x79: {  	_ =	shalt  }
0x7a: {  	_ =	shalt  }
0x7b: {  	_ =	shalt  }
0x7c: {  	_ =	shalt  }
0x7d: {  	_ =	shalt  }
0x7e: {  	_ =	shalt  }
0x7f: {  	_ =	shalt  }
0x80: {  	_ =	shalt  }
0x81: {  	_ =	shalt  }
0x82: {  	_ =	shalt  }
0x83: {  	_ =	shalt  }
0x84: {  	_ =	shalt  }
0x85: {  	_ =	shalt  }
0x86: {  	_ =	shalt  }
0x87: {  	_ =	shalt  }
.Lfunc_end0:
.L_simem_size_0:
called_computation.4_lowered:
.L_overlay_start_0:
0x88: {  	s2 =	sld [smem:$0x3FD9]  }
0x89: {  	s3 =	sld [smem:$0x3FFE];
	_ =	sdelay $0x1  }
0x8a: {  	s1 =	srdreg.scid  }
0x8b: {  	s0 =	sand.u32 $0x1, s1  }
0x8c: {  	s15 =	sshll.u32 s0, $0xA;
	s2 =	sadd.s32 s3, s2  }
0x8d: {  	s2 =	sadd.s32 s2, s15  }
0x8e: {  	[smem:$0x3FBA] =	sst s2  }
0x8f: {  	_ = 	snop  }
0x90: {  	s2 =	sld [smem:$0x3FD0];
	_ =	sdelay $0x2  }
0x91: {  	s16 =	simm.s32 $0xB;
	s4 =	simm.s32 $0x10  }
0x92: {  	[smem:s4], [sflag:s16] =	dma.local [hbm:s2], $0x1  }
0x93: {  	_ =	swait.eq [sflag:s16], $0x1  }
0x94: {  	[sflag:s16] =	ssyncset.done $0x0  }
0x95: {  	[sflag:s16] =	ssyncadd.s32 $0xFFFFFFFF  }
0x96: {  	s17 =	sld [smem:$0x10];
	(tm) =	ssettm $0x1  }
0x97: {  	s18 =	sld [smem:$0x3FFB];
	_ =	sdelay $0x3  }
0x98: {  	_ =	strace s18  }
0x99: {  	s2 =	sld [smem:$0x3FFC];
	_ =	sdelay $0x3  }
0x9a: {  	_ =	strace s2  }
0x9b: {  	s2 =	sld [smem:$0x3FFD];
	_ =	sdelay $0x3  }
0x9c: {  	_ =	strace s2  }
0x9d: {  	_ =	strace $0x8FFFFFFF  }
0x9e: {  	s19 =	sld [smem:$0x3FDB];
	_ =	sdelay $0x1  }
0x9f: {  	s20 =	simm.s32 $_scs_section_size  }
0xa0: {  	s5 =	simm.s32 $_size__tile_overlayer_lowered;
	s6 =	simm.s32 $_tile_overlayer_lowered  }
0xa1: {  	s7 =	simm.s32 $0x1BFF;
	s21 =	sshll.u32 s6, $0x1;
	s4 =	sadd.s32 s20, s19  }
0xa2: {  	s22 =	simm.s32 $0x0;
	s5 =	sshll.u32 s5, $0x1;
	s6 =	sadd.s32 s21, s4  }
0xa3: {  	[timem:s22], [sflag:s7] =	dma.local [hbm:s6], s5  }
0xa4: {  	_ =	swait.ge [sflag:s7], s5  }
0xa5: {  	s5 =	ssub.s32 $0x0, s5;
	[sflag:s7] =	ssyncset.done $0x0  }
0xa6: {  	[sflag:s7] =	ssyncadd.s32 s5;
	_ =	sdelay $0x1  }
0xa7: {  	s23 =	simm.s32 $0x1B8B  }
0xa8: {  	_ =	swait.ge [sflag:s23], $0x1  }
0xa9: {  	[sflag:s23] =	ssyncset.done $0x0  }
0xaa: {  	[sflag:s23] =	ssyncadd.s32 $0xFFFFFFFF  }
0xab: {  	s5 =	sld [smem:$0x0]  }
0xac: {  	s6 =	sand.u32 $0xFFFFFFFE, s1  }
0xad: {  	p0 =	sne.s32 s1, s6  }
0xae: {  	s6 =	sshll.u32 @p0 s6, $0xE  }
0xaf: {  	s6 =	sadd.s32 @p0 $0x11B8D, s6;
	s7 =	sshll.u32 @p0 s5, $0x11  }
0xb0: {  	s6 =	sor.u32 @p0 s7, s6  }
0xb1: {  	[sflag:s6] =	ssyncadd.remote.s32 @p0 $0x1;
	_ =	sdelay $0x1  }
0xb2: {  	s6 =	simm.s32 @p0 $0x1B8D  }
0xb3: {  	_ =	swait.eq @p0 [sflag:s6], $0x1  }
0xb4: {  	[sflag:s6] =	ssyncadd.s32 @p0 $0xFFFFFFFF  }
0xb5: {  	s7 =	sshll.u32 @!p0 s1, $0xE  }
0xb6: {  	s7 =	sor.u32 @!p0 $0x4000, s7;
	s6 =	simm.s32 @!p0 $0x1B8D  }
0xb7: {  	s5 =	sshll.u32 @!p0 s5, $0x11;
	s7 =	sadd.s32 @!p0 $0x11B8D, s7;
	_ =	swait.eq @!p0 [sflag:s6], $0x1  }
0xb8: {  	s5 =	sor.u32 @!p0 s5, s7;
	[sflag:s6] =	ssyncadd.s32 @!p0 $0xFFFFFFFF  }
0xb9: {  	s25 =	simm.s32 $0x1B8E;
	s24 =	sld [smem:$0x3FFE];
	[sflag:s5] =	ssyncadd.remote.s32 @!p0 $0x1  }
0xba: {  	s26 =	simm.s32 $execute0_lowered;
	[smem:$0x3FD2] =	sst s25  }
0xbb: {  	s6 =	sshll.u32 s26, $0x1;
	_ =	strace $0x8000004F;
	[dreg:$0x1] =	wrdreg $0xFFFFFFFF  }
0xbc: {  	s28 =	simm.s32 $_size_execute0_lowered;
	s4 =	sadd.s32 s4, s6;
	[dreg:$0x0] =	wrdreg $0x0  }
0xbd: {  	s6 =	sshll.u32 s28, $0x1;
	[dreg:$0x2] =	wrdreg s4  }
0xbe: {  	[dreg:$0x3] =	wrdreg s6  }
0xbf: {  	[dreg:$0x4] =	wrdreg $0xC0  }
0xc0: {  	_ =	task [dreg:s22], $0x5FFFF  }
0xc1: {  	[dreg:$0x1] =	wrdreg $0xFFFFFFFF  }
0xc2: {  	[dreg:$0x0] =	wrdreg $0x60  }
0xc3: {  	[dreg:$0x2] =	wrdreg s24  }
0xc4: {  	[dreg:$0x3] =	wrdreg s17  }
0xc5: {  	[dreg:$0x4] =	wrdreg $0x0  }
0xc6: {  	[dreg:$0x5] =	wrdreg $0xA  }
0xc7: {  	_ =	task.clear_ibuf [dreg:s22], $0x6FFFF;
	_ =	strace $0x9000004F  }
0xc8: {  	s29 =	simm.s32 $0xA;
	_ =	strace $0x80000051  }
0xc9: {  	_ =	swait.ge [sflag:s29], $0x1  }
0xca: {  	[sflag:s29] =	ssyncadd.s32 $0xFFFFFFFF  }
0xcb: {  	_ =	strace $0x90000051  }
0xcc: {  	_ =	sfence  }
0xcd: {  	s30 =	sld [smem:$0x0];
	_ =	sdelay $0x2  }
0xce: {  	s31 =	sshll.u32 s1, $0xD;
	s1 =	sshrl.u32 s1, $0x2  }
0xcf: {  	s4 =	sand.u32 $0x4000, s31;
	s1 =	sadd.s32 s1, s30  }
0xd0: {  	s0 =	sor.u32 s4, s0;
	s1 =	sshll.u32 s1, $0x11  }
0xd1: {  	s0 =	sor.u32 s1, s0  }
0xd2: {  	s0 =	sadd.s32 $0x8F2B, s0  }
0xd3: {  	[sflag:s0] =	ssyncadd.remote.s32 $0x1  }
0xd4: {  	_ =	sfence.sel $0xFFFF  }
0xd5: {  	[dreg:$0x0] =	wrdreg $0xFFFFFFFF;
	(pc) =	sbr.abs _section_cstart, $3  }
0xd6: {  	[dreg:$0x1] =	wrdreg $0xFFFFFFFF  }
0xd7: {  	_ =	task.clear_ibuf [dreg:s22], $0x2FFFF;
	_ =	strace $0x9FFFFFFF  }
0xd8: {  	(tm) =	ssettm $0x7FFFFFFF  }
0xd9: {  	_ =	shalt  }
tec
execute0_lowered:
.L_overlay_start_1:
0x0: {  	(tag) =	ssettag $0x1  }
0x1: {  	s21 =	rddreg [dreg:$0x0]  }
0x2: {  	s20 =	rddreg [dreg:$0x1]  }
0x3: {  	s2 =	rddreg [dreg:$0x2]  }
0x4: {  	s0 =	rddreg [dreg:$0x3]  }
0x5: {  	s3 =	simm.s32 $0x0;
	s1 =	stileid.u32;
	s4 =	srdreg.scid  }
0x6: {  	[smem:$0x7FF] =	sst s3;
	s5 =	smul.u32 $0x2800, s1  }
0x7: {  	s6 =	sadd.s32 $0x35400, s21;
	s23 =	sand.u32 $0x1, s4;
	s4 =	sadd.s32 $0x3A400, s21  }
0x8: {  	s9 =	smul.u32 $0x1388, s1;
	s29 =	sshll.u32 s1, $0x6;
	_ =	strace $0x80000050  }
0x9: {  	p0 =	seq.s32 s23, $0x0;
	s8 =	smul.u32 $0x13880, s23;
	s7 =	sadd.s32 s5, s2  }
0xa: {  	s22 =	sshrl.u32 s5, $0x3;
	s4 =	smov.u32 @p0 s6;
	s5 =	sor.u32 $0x1C01, s29  }
0xb: {  	s6 =	simm.s32 $0x1;
	s4 =	sadd.s32 s4, s22;
	s7 =	sshrl.u32 s7, $0x3  }
0xc: {  	[spmem:s7], [sflag:s5] =	dma.local [hbm:s4], $0x500  }
0xd: {  	_ =	swait.ge [sflag:s6], $0x500  }
0xe: {  	s24 =	sadd.s32 s9, s8;
	[sflag:s6] =	ssyncset.done $0x0  }
0xf: {  	s19 =	sadd.s32 $0xB7400, s21;
	s8 =	sshll.u32 s24, $0x1;
	[sflag:s6] =	ssyncadd.s32 $0xFFFFFB00  }
0x10: {  	s9 =	simm.s32 $0x2800;
	s8 =	sadd.s32 s19, s8;
	[bflag:$0x0] =	sbarrier.arrive $0xFFFF  }
0x11: {  	[tilespmem:s9], [sflag:$0x1] =	stream.linear.gather [hbm4b:s8+s3], $0x3E80, $0x38;
	[tilespmem:$0x6A68] =	vst v63  }
0x12: {  	_ =	swait.ge [sflag:s6], $0x3E80  }
0x13: {  	s10 =	sshrl.u32 s24, $0x3;
	[sflag:s6] =	ssyncset.done $0x0  }
0x14: {  	s11 =	simm.s32 $0x6680;
	s10 =	sadd.s32 s20, s10;
	[sflag:s6] =	ssyncadd.s32 $0xFFFFC180  }
0x15: {  	[tilespmem:s11], [sflag:$0x1] =	stream.linear.gather [hbm4b:s10+s3], $0x3E8, $0x38;
	[tilespmem:$0x6A68] =	vst v63  }
0x16: {  	_ =	swait.ge [sflag:s6], $0x3E8  }
0x17: {  	[sflag:s6] =	ssyncset.done $0x0  }
0x18: {  	s12 =	simm.s32 $0x3E8;
	[sflag:s6] =	ssyncadd.s32 $0xFFFFFC18  }
0x19: {  	[spmem:s2] =	stream.indirect.scatter.add.f32 [tilespmem:s9], [sflag:$0x1], $0x10, s11, s12, $0xb8;
	[tilespmem:$0x6A68] =	vst v63  }
0x1a: {  	s14 =	sadd.s32 $0x3E8, s24;
	_ =	swait.ge [sflag:s6], $0x3E80  }
0x1b: {  	s13 =	sshll.u32 s14, $0x1;
	[sflag:s6] =	ssyncset.done $0x0  }
0x1c: {  	s13 =	sadd.s32 s19, s13;
	[sflag:s6] =	ssyncadd.s32 $0xFFFFC180  }
0x1d: {  	[tilespmem:s9], [sflag:$0x1] =	stream.linear.gather [hbm4b:s13+s3], $0x3E80, $0x38;
	[tilespmem:$0x6A68] =	vst v63  }
0x1e: {  	_ =	swait.ge [sflag:s6], $0x3E80  }
0x1f: {  	s14 =	sshrl.u32 s14, $0x3;
	[sflag:s6] =	ssyncset.done $0x0  }
0x20: {  	s14 =	sadd.s32 s20, s14;
	[sflag:s6] =	ssyncadd.s32 $0xFFFFC180  }
0x21: {  	[tilespmem:s11], [sflag:$0x1] =	stream.linear.gather [hbm4b:s14+s3], $0x3E8, $0x38;
	[tilespmem:$0x6A68] =	vst v63  }
0x22: {  	_ =	swait.ge [sflag:s6], $0x3E8  }
0x23: {  	[sflag:s6] =	ssyncset.done $0x0  }
0x24: {  	[sflag:s6] =	ssyncadd.s32 $0xFFFFFC18  }
0x25: {  	[spmem:s2] =	stream.indirect.scatter.add.f32 [tilespmem:s9], [sflag:$0x1], $0x10, s11, s12, $0xb8;
	[tilespmem:$0x6A68] =	vst v63  }
0x26: {  	s16 =	sadd.s32 $0x7D0, s24;
	_ =	swait.ge [sflag:s6], $0x3E80  }
0x27: {  	s15 =	sshll.u32 s16, $0x1;
	[sflag:s6] =	ssyncset.done $0x0  }
0x28: {  	s15 =	sadd.s32 s19, s15;
	[sflag:s6] =	ssyncadd.s32 $0xFFFFC180  }
0x29: {  	[tilespmem:s9], [sflag:$0x1] =	stream.linear.gather [hbm4b:s15+s3], $0x3E80, $0x38;
	[tilespmem:$0x6A68] =	vst v63  }
0x2a: {  	_ =	swait.ge [sflag:s6], $0x3E80  }
0x2b: {  	s16 =	sshrl.u32 s16, $0x3;
	[sflag:s6] =	ssyncset.done $0x0  }
0x2c: {  	s16 =	sadd.s32 s20, s16;
	[sflag:s6] =	ssyncadd.s32 $0xFFFFC180  }
0x2d: {  	[tilespmem:s11], [sflag:$0x1] =	stream.linear.gather [hbm4b:s16+s3], $0x3E8, $0x38;
	[tilespmem:$0x6A68] =	vst v63  }
0x2e: {  	_ =	swait.ge [sflag:s6], $0x3E8  }
0x2f: {  	[sflag:s6] =	ssyncset.done $0x0  }
0x30: {  	[sflag:s6] =	ssyncadd.s32 $0xFFFFFC18  }
0x31: {  	[spmem:s2] =	stream.indirect.scatter.add.f32 [tilespmem:s9], [sflag:$0x1], $0x10, s11, s12, $0xb8;
	[tilespmem:$0x6A68] =	vst v63  }
0x32: {  	s18 =	sadd.s32 $0xBB8, s24;
	_ =	swait.ge [sflag:s6], $0x3E80  }
0x33: {  	s17 =	sshll.u32 s18, $0x1;
	[sflag:s6] =	ssyncset.done $0x0  }
0x34: {  	s17 =	sadd.s32 s19, s17;
	[sflag:s6] =	ssyncadd.s32 $0xFFFFC180  }
0x35: {  	[tilespmem:s9], [sflag:$0x1] =	stream.linear.gather [hbm4b:s17+s3], $0x3E80, $0x38;
	[tilespmem:$0x6A68] =	vst v63  }
0x36: {  	_ =	swait.ge [sflag:s6], $0x3E80  }
0x37: {  	s18 =	sshrl.u32 s18, $0x3;
	[sflag:s6] =	ssyncset.done $0x0  }
0x38: {  	s18 =	sadd.s32 s20, s18;
	[sflag:s6] =	ssyncadd.s32 $0xFFFFC180  }
0x39: {  	[tilespmem:s11], [sflag:$0x1] =	stream.linear.gather [hbm4b:s18+s3], $0x3E8, $0x38;
	[tilespmem:$0x6A68] =	vst v63  }
0x3a: {  	_ =	swait.ge [sflag:s6], $0x3E8  }
0x3b: {  	[sflag:s6] =	ssyncset.done $0x0  }
0x3c: {  	[sflag:s6] =	ssyncadd.s32 $0xFFFFFC18  }
0x3d: {  	[spmem:s2] =	stream.indirect.scatter.add.f32 [tilespmem:s9], [sflag:$0x1], $0x10, s11, s12, $0xb8;
	[tilespmem:$0x6A68] =	vst v63  }
0x3e: {  	s24 =	sadd.s32 $0xFA0, s24;
	_ =	swait.ge [sflag:s6], $0x3E80  }
0x3f: {  	s25 =	sshll.u32 s24, $0x1;
	[sflag:s6] =	ssyncset.done $0x0  }
0x40: {  	s19 =	sadd.s32 s19, s25;
	[sflag:s6] =	ssyncadd.s32 $0xFFFFC180  }
0x41: {  	[tilespmem:s9], [sflag:$0x1] =	stream.linear.gather [hbm4b:s19+s3], $0x3E80, $0x38;
	[tilespmem:$0x6A68] =	vst v63  }
0x42: {  	_ =	swait.ge [sflag:s6], $0x3E80  }
0x43: {  	s24 =	sshrl.u32 s24, $0x3;
	[sflag:s6] =	ssyncset.done $0x0  }
0x44: {  	s23 =	ssub.s32 $0x2, s23;
	s20 =	sadd.s32 s20, s24;
	[sflag:s6] =	ssyncadd.s32 $0xFFFFC180  }
0x45: {  	[tilespmem:s11], [sflag:$0x1] =	stream.linear.gather [hbm4b:s20+s3], $0x3E8, $0x38;
	[tilespmem:$0x6A68] =	vst v63  }
0x46: {  	s30 =	sshrl.u32 s23, $0x1;
	_ =	swait.ge [sflag:s6], $0x3E8  }
0x47: {  	s23 =	ssub.s32 s23, s30;
	[sflag:s6] =	ssyncset.done $0x0  }
0x48: {  	s31 =	smax.u32 s23, $0x1;
	[sflag:s6] =	ssyncadd.s32 $0xFFFFFC18  }
0x49: {  	[spmem:s2] =	stream.indirect.scatter.add.f32 [tilespmem:s9], [sflag:$0x1], $0x10, s11, s12, $0xb8;
	[tilespmem:$0x6A68] =	vst v63  }
0x4a: {  	s24 =	sadd.s32 $0xCA00, s21;
	s21 =	sadd.s32 $0x7A00, s21;
	_ =	swait.ge [sflag:s6], $0x3E80  }
0x4b: {  	s21 =	smov.u32 @p0 s24;
	p0 =	sne.s32 s31, $0x1;
	[sflag:s6] =	ssyncset.done $0x0  }
.Ltmp0:
0x4c: {  	[sflag:s6] =	ssyncadd.s32 $0xFFFFC180;
	(pc) =	sbr.rel @!p0 .LBB2_2-.Ltmp0, $4  }
0x4d: {  	s21 =	sadd.s32 s21, s22;
	[bflag:$0x0] =	sbarrier.arrive $0xFFFF  }
0x4e: {  	[hbm:s21], [sflag:s5] =	dma.local [spmem:s7], $0x500  }
0x4f: {  	_ =	swait.ge [sflag:s6], $0x500  }
0x50: {  	s22 =	sadd.s32 $0xFFFFFFFF, s31;
	[sflag:s6] =	ssyncset.done $0x0  }
.LBB2_1:
0x51: {  	p0 =	sne.s32 s22, $0x1;
	s22 =	sadd.s32 $0xFFFFFFFF, s22;
	[sflag:s6] =	ssyncadd.s32 $0xFFFFFB00  }
0x52: {  	[spmem:s7], [sflag:s5] =	dma.local [hbm:s4], $0x500  }
0x53: {  	_ =	swait.ge [sflag:s6], $0x500  }
0x54: {  	[sflag:s6] =	ssyncset.done $0x0  }
0x55: {  	[sflag:s6] =	ssyncadd.s32 $0xFFFFFB00  }
0x56: {  	[bflag:$0x0] =	sbarrier.arrive $0xFFFF  }
0x57: {  	[tilespmem:s9], [sflag:$0x1] =	stream.linear.gather [hbm4b:s8+s3], $0x3E80, $0x38;
	[tilespmem:$0x6A68] =	vst v63  }
0x58: {  	_ =	swait.ge [sflag:s6], $0x3E80  }
0x59: {  	[sflag:s6] =	ssyncset.done $0x0  }
0x5a: {  	[sflag:s6] =	ssyncadd.s32 $0xFFFFC180  }
0x5b: {  	[tilespmem:s11], [sflag:$0x1] =	stream.linear.gather [hbm4b:s10+s3], $0x3E8, $0x38;
	[tilespmem:$0x6A68] =	vst v63  }
0x5c: {  	_ =	swait.ge [sflag:s6], $0x3E8  }
0x5d: {  	[sflag:s6] =	ssyncset.done $0x0  }
0x5e: {  	[sflag:s6] =	ssyncadd.s32 $0xFFFFFC18  }
0x5f: {  	[spmem:s2] =	stream.indirect.scatter.add.f32 [tilespmem:s9], [sflag:$0x1], $0x10, s11, s12, $0xb8;
	[tilespmem:$0x6A68] =	vst v63  }
0x60: {  	_ =	swait.ge [sflag:s6], $0x3E80  }
0x61: {  	[sflag:s6] =	ssyncset.done $0x0  }
0x62: {  	[sflag:s6] =	ssyncadd.s32 $0xFFFFC180  }
0x63: {  	[tilespmem:s9], [sflag:$0x1] =	stream.linear.gather [hbm4b:s13+s3], $0x3E80, $0x38;
	[tilespmem:$0x6A68] =	vst v63  }
0x64: {  	_ =	swait.ge [sflag:s6], $0x3E80  }
0x65: {  	[sflag:s6] =	ssyncset.done $0x0  }
0x66: {  	[sflag:s6] =	ssyncadd.s32 $0xFFFFC180  }
0x67: {  	[tilespmem:s11], [sflag:$0x1] =	stream.linear.gather [hbm4b:s14+s3], $0x3E8, $0x38;
	[tilespmem:$0x6A68] =	vst v63  }
0x68: {  	_ =	swait.ge [sflag:s6], $0x3E8  }
0x69: {  	[sflag:s6] =	ssyncset.done $0x0  }
0x6a: {  	[sflag:s6] =	ssyncadd.s32 $0xFFFFFC18  }
0x6b: {  	[spmem:s2] =	stream.indirect.scatter.add.f32 [tilespmem:s9], [sflag:$0x1], $0x10, s11, s12, $0xb8;
	[tilespmem:$0x6A68] =	vst v63  }
0x6c: {  	_ =	swait.ge [sflag:s6], $0x3E80  }
0x6d: {  	[sflag:s6] =	ssyncset.done $0x0  }
0x6e: {  	[sflag:s6] =	ssyncadd.s32 $0xFFFFC180  }
0x6f: {  	[tilespmem:s9], [sflag:$0x1] =	stream.linear.gather [hbm4b:s15+s3], $0x3E80, $0x38;
	[tilespmem:$0x6A68] =	vst v63  }
0x70: {  	_ =	swait.ge [sflag:s6], $0x3E80  }
0x71: {  	[sflag:s6] =	ssyncset.done $0x0  }
0x72: {  	[sflag:s6] =	ssyncadd.s32 $0xFFFFC180  }
0x73: {  	[tilespmem:s11], [sflag:$0x1] =	stream.linear.gather [hbm4b:s16+s3], $0x3E8, $0x38;
	[tilespmem:$0x6A68] =	vst v63  }
0x74: {  	_ =	swait.ge [sflag:s6], $0x3E8  }
0x75: {  	[sflag:s6] =	ssyncset.done $0x0  }
0x76: {  	[sflag:s6] =	ssyncadd.s32 $0xFFFFFC18  }
0x77: {  	[spmem:s2] =	stream.indirect.scatter.add.f32 [tilespmem:s9], [sflag:$0x1], $0x10, s11, s12, $0xb8;
	[tilespmem:$0x6A68] =	vst v63  }
0x78: {  	_ =	swait.ge [sflag:s6], $0x3E80  }
0x79: {  	[sflag:s6] =	ssyncset.done $0x0  }
0x7a: {  	[sflag:s6] =	ssyncadd.s32 $0xFFFFC180  }
0x7b: {  	[tilespmem:s9], [sflag:$0x1] =	stream.linear.gather [hbm4b:s17+s3], $0x3E80, $0x38;
	[tilespmem:$0x6A68] =	vst v63  }
0x7c: {  	_ =	swait.ge [sflag:s6], $0x3E80  }
0x7d: {  	[sflag:s6] =	ssyncset.done $0x0  }
0x7e: {  	[sflag:s6] =	ssyncadd.s32 $0xFFFFC180  }
0x7f: {  	[tilespmem:s11], [sflag:$0x1] =	stream.linear.gather [hbm4b:s18+s3], $0x3E8, $0x38;
	[tilespmem:$0x6A68] =	vst v63  }
0x80: {  	_ =	swait.ge [sflag:s6], $0x3E8  }
0x81: {  	[sflag:s6] =	ssyncset.done $0x0  }
0x82: {  	[sflag:s6] =	ssyncadd.s32 $0xFFFFFC18  }
0x83: {  	[spmem:s2] =	stream.indirect.scatter.add.f32 [tilespmem:s9], [sflag:$0x1], $0x10, s11, s12, $0xb8;
	[tilespmem:$0x6A68] =	vst v63  }
0x84: {  	_ =	swait.ge [sflag:s6], $0x3E80  }
0x85: {  	[sflag:s6] =	ssyncset.done $0x0  }
0x86: {  	[sflag:s6] =	ssyncadd.s32 $0xFFFFC180  }
0x87: {  	[tilespmem:s9], [sflag:$0x1] =	stream.linear.gather [hbm4b:s19+s3], $0x3E80, $0x38;
	[tilespmem:$0x6A68] =	vst v63  }
0x88: {  	_ =	swait.ge [sflag:s6], $0x3E80  }
0x89: {  	[sflag:s6] =	ssyncset.done $0x0  }
0x8a: {  	[sflag:s6] =	ssyncadd.s32 $0xFFFFC180  }
0x8b: {  	[tilespmem:s11], [sflag:$0x1] =	stream.linear.gather [hbm4b:s20+s3], $0x3E8, $0x38;
	[tilespmem:$0x6A68] =	vst v63  }
0x8c: {  	_ =	swait.ge [sflag:s6], $0x3E8  }
0x8d: {  	[sflag:s6] =	ssyncset.done $0x0  }
0x8e: {  	[sflag:s6] =	ssyncadd.s32 $0xFFFFFC18  }
0x8f: {  	[spmem:s2] =	stream.indirect.scatter.add.f32 [tilespmem:s9], [sflag:$0x1], $0x10, s11, s12, $0xb8;
	[tilespmem:$0x6A68] =	vst v63  }
0x90: {  	_ =	swait.ge [sflag:s6], $0x3E80  }
0x91: {  	[sflag:s6] =	ssyncset.done $0x0  }
.Ltmp1:
0x92: {  	[sflag:s6] =	ssyncadd.s32 $0xFFFFC180;
	(pc) =	sbr.rel @p0 .LBB2_1-.Ltmp1, $4  }
0x93: {  	[bflag:$0x0] =	sbarrier.arrive $0xFFFF  }
0x94: {  	[hbm:s21], [sflag:s5] =	dma.local [spmem:s7], $0x500  }
0x95: {  	_ =	swait.ge [sflag:s6], $0x500  }
0x96: {  	[sflag:s6] =	ssyncset.done $0x0  }
.LBB2_2:
0x97: {  	[sflag:s6] =	ssyncadd.s32 $0xFFFFFB00  }
0x98: {  	_ =	sfence.sel $0x180000  }
0x99: {  	[bflag:$0x0] =	sbarrier.arrive $0xFFFF  }
0x9a: {  	p0 =	sne.s32 s1, $0x0;
	_ =	strace $0x90000050  }
0x9b: {  	s0 =	sadd.s32 @!p0 $0x100000, s0;
	[bflag:$0x2] =	sbarrier.arrive $0xFFFF  }
0x9c: {  	[sflag:s0] =	ssyncadd.tile.s32 @!p0 $0x1;
	_ =	shalt  }
.Lfunc_end2:
_tile_overlayer_lowered:
.L_overlay_start_2:
0x9d: {  	(tag) =	ssettag $0x2  }
0x9e: {  	s0 =	rddreg [dreg:$0x0];
	s2 =	stileid.u32  }
0x9f: {  	s1 =	rddreg [dreg:$0x1];
	p0 =	sne.s32 s2, $0x0  }
0xa0: {  	s3 =	rddreg [dreg:$0x2];
	[bflag:$0x3] =	sbarrier.arrive $0xFFFF;
	s2 =	simm.s32 @!p0 $0x1C01  }
0xa1: {  	[timem:s3], [sflag:s2] =	dma.local @!p0 [hbm:s0], s1  }
0xa2: {  	s0 =	simm.s32 @!p0 $0x1  }
0xa3: {  	_ =	swait.ge @!p0 [sflag:s0], s1  }
0xa4: {  	s1 =	ssub.s32 @!p0 $0x0, s1;
	[sflag:s0] =	ssyncset.done @!p0 $0x0  }
0xa5: {  	[sflag:s0] =	ssyncadd.s32 @!p0 s1  }
0xa6: {  	[bflag:$0x3] =	sbarrier.arrive $0xFFFF  }
0xa7: {  	_ =	shalt  }

</sc_bundles>
